<compile_context>
chip_gen: v7x
topology: tpu7x:2x2x1
jax: 0.10.2.dev20260603
libtpu: 0.0.44.dev20260713+nightly
codegen_flags: <defaults>
</compile_context>

<pallas_src>
import functools

import jax
import jax.numpy as jnp
from jax import lax
from jax.experimental import pallas as pl
from jax.experimental.pallas import tpu as pltpu
from jax.experimental.pallas import tpu_sc as plsc

GRID_SIZE = 0.05
SIGMA = 1.0
POINT_INFLUENCE = GRID_SIZE * SIGMA
BN_EPS = 1e-5
NEG_SLOPE = 0.2

_NC, _NS = 2, 16
_NW = _NC * _NS
_CHUNK = 400
_IDXP = 128
_BLK = 200
_BLK_BN = 2000


def _sc_gather(table, posx, posy, posz, idx):
    E = idx.shape[0]
    V, D = table.shape
    per_w = E // _NW
    iters = per_w // _CHUNK
    mesh = plsc.VectorSubcoreMesh(core_axis_name="c", subcore_axis_name="s")

    @functools.partial(
        pl.kernel,
        mesh=mesh,
        compiler_params=pltpu.CompilerParams(needs_layout_passes=False),
        out_type=[
            jax.ShapeDtypeStruct((E, D), jnp.float32),
            jax.ShapeDtypeStruct((3 * E,), jnp.float32),
        ],
        scratch_types=[
            pltpu.VMEM((per_w,), jnp.int32),
            pltpu.VMEM((_CHUNK, D), jnp.float32),
            pltpu.VMEM((V,), jnp.float32),
            pltpu.VMEM((V,), jnp.float32),
            pltpu.VMEM((V,), jnp.float32),
            pltpu.VMEM((3 * _CHUNK,), jnp.float32),
            pltpu.SemaphoreType.DMA,
        ],
    )
    def gath(table_hbm, posx_hbm, posy_hbm, posz_hbm, idx_hbm,
             nx_hbm, np3_hbm,
             idx_v, rows_v, px_v, py_v, pz_v, b3_v, sem):
        wid = lax.axis_index("s") * _NC + lax.axis_index("c")
        base = wid * per_w
        pltpu.sync_copy(idx_hbm.at[pl.ds(base, per_w)], idx_v)
        pltpu.sync_copy(posx_hbm, px_v)
        pltpu.sync_copy(posy_hbm, py_v)
        pltpu.sync_copy(posz_hbm, pz_v)

        def body(i, carry):
            off = base + i * _CHUNK
            loc = i * _CHUNK
            cps = []
            for o in range(0, _CHUNK, _IDXP):
                sz = min(_IDXP, _CHUNK - o)
                cps.append(pltpu.async_copy(
                    table_hbm.at[idx_v.at[pl.ds(loc + o, sz)]],
                    rows_v.at[pl.ds(o, sz)], sem))
            for o in range(0, _CHUNK, 16):
                nbr = idx_v[pl.ds(loc + o, 16)]
                for c, src in ((0, px_v), (1, py_v), (2, pz_v)):
                    b3_v[pl.ds(c * _CHUNK + o, 16)] = (
                        plsc.load_gather(src, [nbr]))
            pltpu.sync_copy(b3_v, np3_hbm.at[pl.ds(off * 3, 3 * _CHUNK)])
            for cp in cps:
                cp.wait()
            pltpu.sync_copy(rows_v, nx_hbm.at[pl.ds(off, _CHUNK)])
            return carry

        lax.fori_loop(0, iters, body, 0)

    return gath(table, posx, posy, posz, idx)


def _conv_body(nx_ref, npx_ref, npy_ref, npz_ref, pos_ref, kp_ref, w_ref,
               out_ref, s1_ref, s2_ref):
    b, kk = npx_ref.shape
    nkp = kp_ref.shape[1]
    dxc = npx_ref[...] - pos_ref[:, 0:1]
    dyc = npy_ref[...] - pos_ref[:, 1:2]
    dzc = npz_ref[...] - pos_ref[:, 2:3]
    dx3 = dxc.reshape(b, 1, kk)
    dy3 = dyc.reshape(b, 1, kk)
    dz3 = dzc.reshape(b, 1, kk)
    kx = kp_ref[0:1, :].reshape(1, nkp, 1)
    ky = kp_ref[1:2, :].reshape(1, nkp, 1)
    kz = kp_ref[2:3, :].reshape(1, nkp, 1)
    d2 = (dx3 - kx) ** 2 + (dy3 - ky) ** 2 + (dz3 - kz) ** 2
    dist = jnp.sqrt(jnp.maximum(d2, 1e-12))
    infl3 = jnp.maximum(0.0, 1.0 - dist / POINT_INFLUENCE)
    weighted = lax.dot_general(
        infl3, nx_ref[...],
        dimension_numbers=(((2,), (1,)), ((0,), (0,))),
        precision=lax.Precision.DEFAULT,
        preferred_element_type=jnp.float32)
    wcat = jnp.concatenate([weighted[:, p, :] for p in range(nkp)], axis=1)
    acc = lax.dot(wcat, w_ref[...],
                  precision=lax.Precision.DEFAULT,
                  preferred_element_type=jnp.float32)
    out_ref[...] = acc

    @pl.when(pl.program_id(0) == 0)
    def _():
        s1_ref[...] = jnp.zeros_like(s1_ref)
        s2_ref[...] = jnp.zeros_like(s2_ref)

    s1_ref[...] += jnp.sum(acc, axis=0, keepdims=True)
    s2_ref[...] += jnp.sum(acc * acc, axis=0, keepdims=True)


def _bn_body(n_rows, o_ref, s1_ref, s2_ref, g_ref, b_ref, y_ref):
    inv_n = 1.0 / float(n_rows)
    mean = s1_ref[...] * inv_n
    var = s2_ref[...] * inv_n - mean * mean
    scale = g_ref[...] * lax.rsqrt(var + BN_EPS)
    y = (o_ref[...] - mean) * scale + b_ref[...]
    y_ref[...] = jnp.where(y >= 0.0, y, NEG_SLOPE * y)


def kernel(pos, x, idx_neighboors, kernel_pts, W, gamma, beta):
    n, d_in = x.shape
    k = idx_neighboors.shape[1]
    nkp, _, d_out = W.shape

    idx_nm = idx_neighboors.astype(jnp.int32).reshape(-1)
    pos_c = jnp.asarray(pos.T, jnp.float32)
    kp_t = jnp.asarray(kernel_pts.T, jnp.float32)
    w2 = W.reshape(nkp * d_in, d_out)

    outs, stats = [], []
    for r0, r1 in ((0, 6400), (6400, n)):
        rows = r1 - r0
        nx_s, np3_s = _sc_gather(
            x, pos_c[0], pos_c[1], pos_c[2],
            lax.slice_in_dim(idx_nm, r0 * k, r1 * k))
        nx3 = nx_s.reshape(rows, k, d_in)
        np3r = np3_s.reshape((rows * k) // _CHUNK, 3, _CHUNK)
        npx2 = np3r[:, 0, :].reshape(rows, k)
        npy2 = np3r[:, 1, :].reshape(rows, k)
        npz2 = np3r[:, 2, :].reshape(rows, k)
        o_s, s1_s, s2_s = pl.pallas_call(
            _conv_body,
            grid=(rows // _BLK,),
            in_specs=[
                pl.BlockSpec((_BLK, k, d_in), lambda i: (i, 0, 0)),
                pl.BlockSpec((_BLK, k), lambda i: (i, 0)),
                pl.BlockSpec((_BLK, k), lambda i: (i, 0)),
                pl.BlockSpec((_BLK, k), lambda i: (i, 0)),
                pl.BlockSpec((_BLK, 3), lambda i: (i, 0)),
                pl.BlockSpec((3, nkp), lambda i: (0, 0)),
                pl.BlockSpec((nkp * d_in, d_out), lambda i: (0, 0)),
            ],
            out_specs=[
                pl.BlockSpec((_BLK, d_out), lambda i: (i, 0)),
                pl.BlockSpec((1, d_out), lambda i: (0, 0)),
                pl.BlockSpec((1, d_out), lambda i: (0, 0)),
            ],
            out_shape=[
                jax.ShapeDtypeStruct((rows, d_out), jnp.float32),
                jax.ShapeDtypeStruct((1, d_out), jnp.float32),
                jax.ShapeDtypeStruct((1, d_out), jnp.float32),
            ],
        )(nx3, npx2, npy2, npz2, pos[r0:r1], kp_t, w2)
        outs.append(o_s)
        stats.append((s1_s, s2_s))
    out_raw = jnp.concatenate(outs, axis=0)
    s1 = stats[0][0] + stats[1][0]
    s2 = stats[0][1] + stats[1][1]

    out = pl.pallas_call(
        functools.partial(_bn_body, n),
        grid=(n // _BLK_BN,),
        in_specs=[
            pl.BlockSpec((_BLK_BN, d_out), lambda i: (i, 0)),
            pl.BlockSpec((1, d_out), lambda i: (0, 0)),
            pl.BlockSpec((1, d_out), lambda i: (0, 0)),
            pl.BlockSpec((1, d_out), lambda i: (0, 0)),
            pl.BlockSpec((1, d_out), lambda i: (0, 0)),
        ],
        out_specs=pl.BlockSpec((_BLK_BN, d_out), lambda i: (i, 0)),
        out_shape=jax.ShapeDtypeStruct((n, d_out), jnp.float32),
    )(out_raw, s1, s2, gamma.reshape(1, d_out), beta.reshape(1, d_out))

    return out

# --- scband reference (transcript-rebuilt; emitter-appended) ---
"""Pipeline reference for scband-simple-block-19713899888770 (READ-ONLY COPY).

The authoritative reference and input builder live on the scoring server;
editing this copy changes nothing except your own understanding.
"""

import jax, jax.numpy as jnp
import numpy as np

N = 10000
K = 32
D_IN = 128
D_OUT = 128
N_KP = 15
GRID_SIZE = 0.05
SIGMA = 1.0
POINT_INFLUENCE = GRID_SIZE * SIGMA  # from KPConvLayer(point_influence=grid_size*sigma)
BN_EPS = 1e-5
NEG_SLOPE = 0.2


def _make_kernel_points():
    # Fixed (non-deformable) KPConv kernel point dispositions inside a ball of
    # radius 1.5 * point_influence, deterministic.
    rng = np.random.RandomState(42)
    pts = rng.uniform(-1.0, 1.0, size=(N_KP, 3)).astype(np.float32)
    norms = np.maximum(np.linalg.norm(pts, axis=1, keepdims=True), 1e-6)
    pts = pts / norms * rng.uniform(0.0, 1.0, size=(N_KP, 1)).astype(np.float32)
    pts[0] = 0.0  # center kernel point at origin
    return jnp.asarray(pts * (1.5 * POINT_INFLUENCE), dtype=jnp.float32)


def setup_inputs(seed: int = 0) -> dict:
    key = jax.random.key(seed)
    k1, k2, k3, k4 = jax.random.split(key, 4)
    pos = jax.random.uniform(k1, (N, 3), dtype=jnp.float32)
    x = jax.random.normal(k2, (N, D_IN), dtype=jnp.float32)
    idx_neighboors = jax.random.randint(k3, (N, K), 0, N)
    kernel_pts = _make_kernel_points()
    W = jax.random.normal(k4, (N_KP, D_IN, D_OUT), dtype=jnp.float32) / np.sqrt(N_KP * D_IN)
    gamma = jnp.ones((D_OUT,), dtype=jnp.float32)
    beta = jnp.zeros((D_OUT,), dtype=jnp.float32)
    return {"pos": pos, "x": x, "idx_neighboors": idx_neighboors,
            "kernel_pts": kernel_pts, "W": W, "gamma": gamma, "beta": beta}


def reference(pos, x, idx_neighboors, kernel_pts, W, gamma, beta):
    # --- KPConv (partial dense): gather neighbor features/positions ---
    neighb_x = jnp.take(x, idx_neighboors, axis=0)          # [N, K, D_IN]
    neighb_pos = jnp.take(pos, idx_neighboors, axis=0)      # [N, K, 3]
    diff = neighb_pos - pos[:, None, :]                     # [N, K, 3]
    # distance of each neighbor offset to each kernel point
    d2 = jnp.sum((diff[:, :, None, :] - kernel_pts[None, None, :, :]) ** 2, axis=-1)  # [N, K, N_KP]
    dist = jnp.sqrt(jnp.maximum(d2, 1e-12))
    # linear correlation (influence) of KPConv
    infl = jnp.maximum(0.0, 1.0 - dist / POINT_INFLUENCE)   # [N, K, N_KP]
    # sum aggregation over neighbors per kernel point
    weighted = jnp.einsum('nkp,nkd->npd', infl, neighb_x)   # [N, N_KP, D_IN]
    out = jnp.einsum('npd,pdo->no', weighted, W)            # [N, D_OUT]
    # --- BatchNorm1d (training mode: batch statistics) ---
    mean = jnp.mean(out, axis=0)
    var = jnp.var(out, axis=0)
    out = gamma * (out - mean) * jax.lax.rsqrt(var + BN_EPS) + beta
    # --- LeakyReLU(0.2) ---
    out = jnp.where(out >= 0.0, out, NEG_SLOPE * out)
    return out

if __name__ == "__main__":
    import jax
    _d = setup_inputs()
    print(jax.jit(kernel)(*tuple(_d.values())))

</pallas_src>

<mosaic_0001>
#map = affine_map<(d0, d1) -> (0, 0)>
#map1 = affine_map<(d0, d1) -> (0)>
module attributes {stable_mosaic.version = 14 : i64} {
  func.func @gath(%arg0: i32, %arg1: i32, %arg2: memref<10000x128xf32, #tpu.memory_space<hbm>>, %arg3: memref<10000xf32, #tpu.memory_space<hbm>>, %arg4: memref<10000xf32, #tpu.memory_space<hbm>>, %arg5: memref<10000xf32, #tpu.memory_space<hbm>>, %arg6: memref<115200xi32, #tpu.memory_space<hbm>>, %arg7: memref<115200x128xf32, #tpu.memory_space<hbm>>, %arg8: memref<345600xf32, #tpu.memory_space<hbm>>, %arg9: memref<3600xi32, #tpu.memory_space<vmem>>, %arg10: memref<400x128xf32, #tpu.memory_space<vmem>>, %arg11: memref<10000xf32, #tpu.memory_space<vmem>>, %arg12: memref<10000xf32, #tpu.memory_space<vmem>>, %arg13: memref<10000xf32, #tpu.memory_space<vmem>>, %arg14: memref<1200xf32, #tpu.memory_space<vmem>>, %arg15: memref<!tpu.dma_semaphore, #tpu.memory_space<semaphore_mem>>) attributes {dimension_semantics = [#tpu.dimension_semantics<core_parallel>, #tpu.dimension_semantics<subcore_parallel>], iteration_bounds = array<i64: 2, 16>, scalar_prefetch = 0 : i64, scratch_operands = 7 : i64, tpu.core_type = #tpu.core_type<sc_vector_subcore>, window_params = [{transform_indices = #map}, {transform_indices = #map1}, {transform_indices = #map1}, {transform_indices = #map1}, {transform_indices = #map1}, {transform_indices = #map}, {transform_indices = #map1}]} {
    %mul3A = arith.constant 2 : i32
    %mul3A_0 = arith.muli %arg1, %mul3A : i32
    %add3A = arith.addi %mul3A_0, %arg0 : i32
    %mul3A_1 = arith.constant 3600 : i32
    %mul3A_2 = arith.muli %add3A, %mul3A_1 : i32
    "tpu.region"() ({
      %run_scoped3A = tpu.sem_alloc : memref<!tpu.dma_semaphore, #tpu.memory_space<semaphore_mem>>
      %dma_start3A = tpu.memref_slice %arg6[%mul3A_2] : memref<115200xi32, #tpu.memory_space<hbm>> -> memref<3600xi32, #tpu.memory_space<hbm>>
      %dma_start3A_8 = tpu.memref_slice %arg6[%mul3A_2] : memref<115200xi32, #tpu.memory_space<hbm>> -> memref<3600xi32, #tpu.memory_space<hbm>>
      tpu.enqueue_dma source(%dma_start3A_8 : memref<3600xi32, #tpu.memory_space<hbm>>) target(%arg9 : memref<3600xi32, #tpu.memory_space<vmem>>) target_semaphore(%run_scoped3A : memref<!tpu.dma_semaphore, #tpu.memory_space<semaphore_mem>>)
      %dma_wait3A = tpu.memref_slice %arg6[%mul3A_2] : memref<115200xi32, #tpu.memory_space<hbm>> -> memref<3600xi32, #tpu.memory_space<hbm>>
      %dma_wait3A_9 = tpu.memref_slice %arg6[%mul3A_2] : memref<115200xi32, #tpu.memory_space<hbm>> -> memref<3600xi32, #tpu.memory_space<hbm>>
      tpu.wait_dma2 semaphore(%run_scoped3A : memref<!tpu.dma_semaphore, #tpu.memory_space<semaphore_mem>>) src(%dma_wait3A_9 : memref<3600xi32, #tpu.memory_space<hbm>>) dst(%arg9 : memref<3600xi32, #tpu.memory_space<vmem>>)
      tpu.yield
    }) : () -> ()
    "tpu.region"() ({
      %run_scoped3A = tpu.sem_alloc : memref<!tpu.dma_semaphore, #tpu.memory_space<semaphore_mem>>
      tpu.enqueue_dma source(%arg3 : memref<10000xf32, #tpu.memory_space<hbm>>) target(%arg11 : memref<10000xf32, #tpu.memory_space<vmem>>) target_semaphore(%run_scoped3A : memref<!tpu.dma_semaphore, #tpu.memory_space<semaphore_mem>>)
      tpu.wait_dma2 semaphore(%run_scoped3A : memref<!tpu.dma_semaphore, #tpu.memory_space<semaphore_mem>>) src(%arg3 : memref<10000xf32, #tpu.memory_space<hbm>>) dst(%arg11 : memref<10000xf32, #tpu.memory_space<vmem>>)
      tpu.yield
    }) : () -> ()
    "tpu.region"() ({
      %run_scoped3A = tpu.sem_alloc : memref<!tpu.dma_semaphore, #tpu.memory_space<semaphore_mem>>
      tpu.enqueue_dma source(%arg4 : memref<10000xf32, #tpu.memory_space<hbm>>) target(%arg12 : memref<10000xf32, #tpu.memory_space<vmem>>) target_semaphore(%run_scoped3A : memref<!tpu.dma_semaphore, #tpu.memory_space<semaphore_mem>>)
      tpu.wait_dma2 semaphore(%run_scoped3A : memref<!tpu.dma_semaphore, #tpu.memory_space<semaphore_mem>>) src(%arg4 : memref<10000xf32, #tpu.memory_space<hbm>>) dst(%arg12 : memref<10000xf32, #tpu.memory_space<vmem>>)
      tpu.yield
    }) : () -> ()
    "tpu.region"() ({
      %run_scoped3A = tpu.sem_alloc : memref<!tpu.dma_semaphore, #tpu.memory_space<semaphore_mem>>
      tpu.enqueue_dma source(%arg5 : memref<10000xf32, #tpu.memory_space<hbm>>) target(%arg13 : memref<10000xf32, #tpu.memory_space<vmem>>) target_semaphore(%run_scoped3A : memref<!tpu.dma_semaphore, #tpu.memory_space<semaphore_mem>>)
      tpu.wait_dma2 semaphore(%run_scoped3A : memref<!tpu.dma_semaphore, #tpu.memory_space<semaphore_mem>>) src(%arg5 : memref<10000xf32, #tpu.memory_space<hbm>>) dst(%arg13 : memref<10000xf32, #tpu.memory_space<vmem>>)
      tpu.yield
    }) : () -> ()
    %scan3A = arith.constant 0 : i32
    %scan3A_3 = arith.constant 0 : i32
    %scan3A_4 = arith.constant 9 : i32
    %scan3A_5 = arith.addi %scan3A_3, %scan3A_4 : i32
    %scan3A_6 = arith.constant 1 : i32
    scf.for %scan3A_8 = %scan3A_3 to %scan3A_5 step %scan3A_6  : i32 {
      %mul3A_9 = arith.constant 400 : i32
      %mul3A_10 = arith.muli %scan3A_8, %mul3A_9 : i32
      %add3A_11 = arith.addi %mul3A_2, %mul3A_10 : i32
      %mul3A_12 = arith.constant 400 : i32
      %mul3A_13 = arith.muli %scan3A_8, %mul3A_12 : i32
      %add3A_14 = arith.constant 0 : i32
      %add3A_15 = arith.addi %mul3A_13, %add3A_14 : i32
      %dma_start3A = arith.constant 0 : i32
      %dma_start3A_16 = arith.constant 0 : i32
      %dma_start3A_17 = tpu.memref_slice %arg10[%dma_start3A, %dma_start3A_16] : memref<400x128xf32, #tpu.memory_space<vmem>> -> memref<128x128xf32, #tpu.memory_space<vmem>>
      %dma_start3A_18 = tpu.memref_slice %arg9[%add3A_15] : memref<3600xi32, #tpu.memory_space<vmem>> -> memref<128xi32, #tpu.memory_space<vmem>>
      %dma_start3A_19 = arith.constant 0 : i32
      %dma_start3A_20 = arith.constant 0 : i32
      %dma_start3A_21 = tpu.memref_slice %arg2[%dma_start3A_19, %dma_start3A_20] : memref<10000x128xf32, #tpu.memory_space<hbm>> -> memref<10000x128xf32, #tpu.memory_space<hbm>>
      tpu.enqueue_indirect_dma source(%dma_start3A_21 : memref<10000x128xf32, #tpu.memory_space<hbm>>) target(%dma_start3A_17 : memref<128x128xf32, #tpu.memory_space<vmem>>) offsets(%dma_start3A_18 : memref<128xi32, #tpu.memory_space<vmem>>) semaphore(%arg15 : memref<!tpu.dma_semaphore, #tpu.memory_space<semaphore_mem>>)
      %add3A_22 = arith.constant 128 : i32
      %add3A_23 = arith.addi %mul3A_13, %add3A_22 : i32
      %dma_start3A_24 = arith.constant 128 : i32
      %dma_start3A_25 = arith.constant 0 : i32
      %dma_start3A_26 = tpu.memref_slice %arg10[%dma_start3A_24, %dma_start3A_25] : memref<400x128xf32, #tpu.memory_space<vmem>> -> memref<128x128xf32, #tpu.memory_space<vmem>>
      %dma_start3A_27 = tpu.memref_slice %arg9[%add3A_23] : memref<3600xi32, #tpu.memory_space<vmem>> -> memref<128xi32, #tpu.memory_space<vmem>>
      %dma_start3A_28 = arith.constant 0 : i32
      %dma_start3A_29 = arith.constant 0 : i32
      %dma_start3A_30 = tpu.memref_slice %arg2[%dma_start3A_28, %dma_start3A_29] : memref<10000x128xf32, #tpu.memory_space<hbm>> -> memref<10000x128xf32, #tpu.memory_space<hbm>>
      tpu.enqueue_indirect_dma source(%dma_start3A_30 : memref<10000x128xf32, #tpu.memory_space<hbm>>) target(%dma_start3A_26 : memref<128x128xf32, #tpu.memory_space<vmem>>) offsets(%dma_start3A_27 : memref<128xi32, #tpu.memory_space<vmem>>) semaphore(%arg15 : memref<!tpu.dma_semaphore, #tpu.memory_space<semaphore_mem>>)
      %add3A_31 = arith.constant 256 : i32
      %add3A_32 = arith.addi %mul3A_13, %add3A_31 : i32
      %dma_start3A_33 = arith.constant 256 : i32
      %dma_start3A_34 = arith.constant 0 : i32
      %dma_start3A_35 = tpu.memref_slice %arg10[%dma_start3A_33, %dma_start3A_34] : memref<400x128xf32, #tpu.memory_space<vmem>> -> memref<128x128xf32, #tpu.memory_space<vmem>>
      %dma_start3A_36 = tpu.memref_slice %arg9[%add3A_32] : memref<3600xi32, #tpu.memory_space<vmem>> -> memref<128xi32, #tpu.memory_space<vmem>>
      %dma_start3A_37 = arith.constant 0 : i32
      %dma_start3A_38 = arith.constant 0 : i32
      %dma_start3A_39 = tpu.memref_slice %arg2[%dma_start3A_37, %dma_start3A_38] : memref<10000x128xf32, #tpu.memory_space<hbm>> -> memref<10000x128xf32, #tpu.memory_space<hbm>>
      tpu.enqueue_indirect_dma source(%dma_start3A_39 : memref<10000x128xf32, #tpu.memory_space<hbm>>) target(%dma_start3A_35 : memref<128x128xf32, #tpu.memory_space<vmem>>) offsets(%dma_start3A_36 : memref<128xi32, #tpu.memory_space<vmem>>) semaphore(%arg15 : memref<!tpu.dma_semaphore, #tpu.memory_space<semaphore_mem>>)
      %add3A_40 = arith.constant 384 : i32
      %add3A_41 = arith.addi %mul3A_13, %add3A_40 : i32
      %dma_start3A_42 = arith.constant 384 : i32
      %dma_start3A_43 = arith.constant 0 : i32
      %dma_start3A_44 = tpu.memref_slice %arg10[%dma_start3A_42, %dma_start3A_43] : memref<400x128xf32, #tpu.memory_space<vmem>> -> memref<16x128xf32, #tpu.memory_space<vmem>>
      %dma_start3A_45 = tpu.memref_slice %arg9[%add3A_41] : memref<3600xi32, #tpu.memory_space<vmem>> -> memref<16xi32, #tpu.memory_space<vmem>>
      %dma_start3A_46 = arith.constant 0 : i32
      %dma_start3A_47 = arith.constant 0 : i32
      %dma_start3A_48 = tpu.memref_slice %arg2[%dma_start3A_46, %dma_start3A_47] : memref<10000x128xf32, #tpu.memory_space<hbm>> -> memref<10000x128xf32, #tpu.memory_space<hbm>>
      tpu.enqueue_indirect_dma source(%dma_start3A_48 : memref<10000x128xf32, #tpu.memory_space<hbm>>) target(%dma_start3A_44 : memref<16x128xf32, #tpu.memory_space<vmem>>) offsets(%dma_start3A_45 : memref<16xi32, #tpu.memory_space<vmem>>) semaphore(%arg15 : memref<!tpu.dma_semaphore, #tpu.memory_space<semaphore_mem>>)
      %add3A_49 = arith.constant 0 : i32
      %add3A_50 = arith.addi %mul3A_13, %add3A_49 : i32
      %get3A = arith.index_cast %add3A_50 : i32 to index
      %get3A_51 = tpu.vector_load %arg9[%get3A] {strides = array<i32>} : memref<3600xi32, #tpu.memory_space<vmem>>, vector<16xi32>,
      %gather3A = tpu.vector_load_idx %arg11[%get3A_51] : memref<10000xf32, #tpu.memory_space<vmem>>[vector<16xi32>], vector<16xf32>,
      %swap3A = arith.constant 0 : index
      %swap3A_52 = tpu.vector_load %arg14[%swap3A] {strides = array<i32>} : memref<1200xf32, #tpu.memory_space<vmem>>, vector<16xf32>,
      tpu.vector_store %arg14[%swap3A], %gather3A {strides = array<i32>} : memref<1200xf32, #tpu.memory_space<vmem>>, vector<16xf32>,
      %gather3A_53 = tpu.vector_load_idx %arg12[%get3A_51] : memref<10000xf32, #tpu.memory_space<vmem>>[vector<16xi32>], vector<16xf32>,
      %swap3A_54 = arith.constant 400 : index
      %swap3A_55 = tpu.vector_load %arg14[%swap3A_54] {strides = array<i32>} : memref<1200xf32, #tpu.memory_space<vmem>>, vector<16xf32>,
      tpu.vector_store %arg14[%swap3A_54], %gather3A_53 {strides = array<i32>} : memref<1200xf32, #tpu.memory_space<vmem>>, vector<16xf32>,
      %gather3A_56 = tpu.vector_load_idx %arg13[%get3A_51] : memref<10000xf32, #tpu.memory_space<vmem>>[vector<16xi32>], vector<16xf32>,
      %swap3A_57 = arith.constant 800 : index
      %swap3A_58 = tpu.vector_load %arg14[%swap3A_57] {strides = array<i32>} : memref<1200xf32, #tpu.memory_space<vmem>>, vector<16xf32>,
      tpu.vector_store %arg14[%swap3A_57], %gather3A_56 {strides = array<i32>} : memref<1200xf32, #tpu.memory_space<vmem>>, vector<16xf32>,
      %add3A_59 = arith.constant 16 : i32
      %add3A_60 = arith.addi %mul3A_13, %add3A_59 : i32
      %get3A_61 = arith.index_cast %add3A_60 : i32 to index
      %get3A_62 = tpu.vector_load %arg9[%get3A_61] {strides = array<i32>} : memref<3600xi32, #tpu.memory_space<vmem>>, vector<16xi32>,
      %gather3A_63 = tpu.vector_load_idx %arg11[%get3A_62] : memref<10000xf32, #tpu.memory_space<vmem>>[vector<16xi32>], vector<16xf32>,
      %swap3A_64 = arith.constant 16 : index
      %swap3A_65 = tpu.vector_load %arg14[%swap3A_64] {strides = array<i32>} : memref<1200xf32, #tpu.memory_space<vmem>>, vector<16xf32>,
      tpu.vector_store %arg14[%swap3A_64], %gather3A_63 {strides = array<i32>} : memref<1200xf32, #tpu.memory_space<vmem>>, vector<16xf32>,
      %gather3A_66 = tpu.vector_load_idx %arg12[%get3A_62] : memref<10000xf32, #tpu.memory_space<vmem>>[vector<16xi32>], vector<16xf32>,
      %swap3A_67 = arith.constant 416 : index
      %swap3A_68 = tpu.vector_load %arg14[%swap3A_67] {strides = array<i32>} : memref<1200xf32, #tpu.memory_space<vmem>>, vector<16xf32>,
      tpu.vector_store %arg14[%swap3A_67], %gather3A_66 {strides = array<i32>} : memref<1200xf32, #tpu.memory_space<vmem>>, vector<16xf32>,
      %gather3A_69 = tpu.vector_load_idx %arg13[%get3A_62] : memref<10000xf32, #tpu.memory_space<vmem>>[vector<16xi32>], vector<16xf32>,
      %swap3A_70 = arith.constant 816 : index
      %swap3A_71 = tpu.vector_load %arg14[%swap3A_70] {strides = array<i32>} : memref<1200xf32, #tpu.memory_space<vmem>>, vector<16xf32>,
      tpu.vector_store %arg14[%swap3A_70], %gather3A_69 {strides = array<i32>} : memref<1200xf32, #tpu.memory_space<vmem>>, vector<16xf32>,
      %add3A_72 = arith.constant 32 : i32
      %add3A_73 = arith.addi %mul3A_13, %add3A_72 : i32
      %get3A_74 = arith.index_cast %add3A_73 : i32 to index
      %get3A_75 = tpu.vector_load %arg9[%get3A_74] {strides = array<i32>} : memref<3600xi32, #tpu.memory_space<vmem>>, vector<16xi32>,
      %gather3A_76 = tpu.vector_load_idx %arg11[%get3A_75] : memref<10000xf32, #tpu.memory_space<vmem>>[vector<16xi32>], vector<16xf32>,
      %swap3A_77 = arith.constant 32 : index
      %swap3A_78 = tpu.vector_load %arg14[%swap3A_77] {strides = array<i32>} : memref<1200xf32, #tpu.memory_space<vmem>>, vector<16xf32>,
      tpu.vector_store %arg14[%swap3A_77], %gather3A_76 {strides = array<i32>} : memref<1200xf32, #tpu.memory_space<vmem>>, vector<16xf32>,
      %gather3A_79 = tpu.vector_load_idx %arg12[%get3A_75] : memref<10000xf32, #tpu.memory_space<vmem>>[vector<16xi32>], vector<16xf32>,
      %swap3A_80 = arith.constant 432 : index
      %swap3A_81 = tpu.vector_load %arg14[%swap3A_80] {strides = array<i32>} : memref<1200xf32, #tpu.memory_space<vmem>>, vector<16xf32>,
      tpu.vector_store %arg14[%swap3A_80], %gather3A_79 {strides = array<i32>} : memref<1200xf32, #tpu.memory_space<vmem>>, vector<16xf32>,
      %gather3A_82 = tpu.vector_load_idx %arg13[%get3A_75] : memref<10000xf32, #tpu.memory_space<vmem>>[vector<16xi32>], vector<16xf32>,
      %swap3A_83 = arith.constant 832 : index
      %swap3A_84 = tpu.vector_load %arg14[%swap3A_83] {strides = array<i32>} : memref<1200xf32, #tpu.memory_space<vmem>>, vector<16xf32>,
      tpu.vector_store %arg14[%swap3A_83], %gather3A_82 {strides = array<i32>} : memref<1200xf32, #tpu.memory_space<vmem>>, vector<16xf32>,
      %add3A_85 = arith.constant 48 : i32
      %add3A_86 = arith.addi %mul3A_13, %add3A_85 : i32
      %get3A_87 = arith.index_cast %add3A_86 : i32 to index
      %get3A_88 = tpu.vector_load %arg9[%get3A_87] {strides = array<i32>} : memref<3600xi32, #tpu.memory_space<vmem>>, vector<16xi32>,
      %gather3A_89 = tpu.vector_load_idx %arg11[%get3A_88] : memref<10000xf32, #tpu.memory_space<vmem>>[vector<16xi32>], vector<16xf32>,
      %swap3A_90 = arith.constant 48 : index
      %swap3A_91 = tpu.vector_load %arg14[%swap3A_90] {strides = array<i32>} : memref<1200xf32, #tpu.memory_space<vmem>>, vector<16xf32>,
      tpu.vector_store %arg14[%swap3A_90], %gather3A_89 {strides = array<i32>} : memref<1200xf32, #tpu.memory_space<vmem>>, vector<16xf32>,
      %gather3A_92 = tpu.vector_load_idx %arg12[%get3A_88] : memref<10000xf32, #tpu.memory_space<vmem>>[vector<16xi32>], vector<16xf32>,
      %swap3A_93 = arith.constant 448 : index
      %swap3A_94 = tpu.vector_load %arg14[%swap3A_93] {strides = array<i32>} : memref<1200xf32, #tpu.memory_space<vmem>>, vector<16xf32>,
      tpu.vector_store %arg14[%swap3A_93], %gather3A_92 {strides = array<i32>} : memref<1200xf32, #tpu.memory_space<vmem>>, vector<16xf32>,
      %gather3A_95 = tpu.vector_load_idx %arg13[%get3A_88] : memref<10000xf32, #tpu.memory_space<vmem>>[vector<16xi32>], vector<16xf32>,
      %swap3A_96 = arith.constant 848 : index
      %swap3A_97 = tpu.vector_load %arg14[%swap3A_96] {strides = array<i32>} : memref<1200xf32, #tpu.memory_space<vmem>>, vector<16xf32>,
      tpu.vector_store %arg14[%swap3A_96], %gather3A_95 {strides = array<i32>} : memref<1200xf32, #tpu.memory_space<vmem>>, vector<16xf32>,
      %add3A_98 = arith.constant 64 : i32
      %add3A_99 = arith.addi %mul3A_13, %add3A_98 : i32
      %get3A_100 = arith.index_cast %add3A_99 : i32 to index
      %get3A_101 = tpu.vector_load %arg9[%get3A_100] {strides = array<i32>} : memref<3600xi32, #tpu.memory_space<vmem>>, vector<16xi32>,
      %gather3A_102 = tpu.vector_load_idx %arg11[%get3A_101] : memref<10000xf32, #tpu.memory_space<vmem>>[vector<16xi32>], vector<16xf32>,
      %swap3A_103 = arith.constant 64 : index
      %swap3A_104 = tpu.vector_load %arg14[%swap3A_103] {strides = array<i32>} : memref<1200xf32, #tpu.memory_space<vmem>>, vector<16xf32>,
      tpu.vector_store %arg14[%swap3A_103], %gather3A_102 {strides = array<i32>} : memref<1200xf32, #tpu.memory_space<vmem>>, vector<16xf32>,
      %gather3A_105 = tpu.vector_load_idx %arg12[%get3A_101] : memref<10000xf32, #tpu.memory_space<vmem>>[vector<16xi32>], vector<16xf32>,
      %swap3A_106 = arith.constant 464 : index
      %swap3A_107 = tpu.vector_load %arg14[%swap3A_106] {strides = array<i32>} : memref<1200xf32, #tpu.memory_space<vmem>>, vector<16xf32>,
      tpu.vector_store %arg14[%swap3A_106], %gather3A_105 {strides = array<i32>} : memref<1200xf32, #tpu.memory_space<vmem>>, vector<16xf32>,
      %gather3A_108 = tpu.vector_load_idx %arg13[%get3A_101] : memref<10000xf32, #tpu.memory_space<vmem>>[vector<16xi32>], vector<16xf32>,
      %swap3A_109 = arith.constant 864 : index
      %swap3A_110 = tpu.vector_load %arg14[%swap3A_109] {strides = array<i32>} : memref<1200xf32, #tpu.memory_space<vmem>>, vector<16xf32>,
      tpu.vector_store %arg14[%swap3A_109], %gather3A_108 {strides = array<i32>} : memref<1200xf32, #tpu.memory_space<vmem>>, vector<16xf32>,
      %add3A_111 = arith.constant 80 : i32
      %add3A_112 = arith.addi %mul3A_13, %add3A_111 : i32
      %get3A_113 = arith.index_cast %add3A_112 : i32 to index
      %get3A_114 = tpu.vector_load %arg9[%get3A_113] {strides = array<i32>} : memref<3600xi32, #tpu.memory_space<vmem>>, vector<16xi32>,
      %gather3A_115 = tpu.vector_load_idx %arg11[%get3A_114] : memref<10000xf32, #tpu.memory_space<vmem>>[vector<16xi32>], vector<16xf32>,
      %swap3A_116 = arith.constant 80 : index
      %swap3A_117 = tpu.vector_load %arg14[%swap3A_116] {strides = array<i32>} : memref<1200xf32, #tpu.memory_space<vmem>>, vector<16xf32>,
      tpu.vector_store %arg14[%swap3A_116], %gather3A_115 {strides = array<i32>} : memref<1200xf32, #tpu.memory_space<vmem>>, vector<16xf32>,
      %gather3A_118 = tpu.vector_load_idx %arg12[%get3A_114] : memref<10000xf32, #tpu.memory_space<vmem>>[vector<16xi32>], vector<16xf32>,
      %swap3A_119 = arith.constant 480 : index
      %swap3A_120 = tpu.vector_load %arg14[%swap3A_119] {strides = array<i32>} : memref<1200xf32, #tpu.memory_space<vmem>>, vector<16xf32>,
      tpu.vector_store %arg14[%swap3A_119], %gather3A_118 {strides = array<i32>} : memref<1200xf32, #tpu.memory_space<vmem>>, vector<16xf32>,
      %gather3A_121 = tpu.vector_load_idx %arg13[%get3A_114] : memref<10000xf32, #tpu.memory_space<vmem>>[vector<16xi32>], vector<16xf32>,
      %swap3A_122 = arith.constant 880 : index
      %swap3A_123 = tpu.vector_load %arg14[%swap3A_122] {strides = array<i32>} : memref<1200xf32, #tpu.memory_space<vmem>>, vector<16xf32>,
      tpu.vector_store %arg14[%swap3A_122], %gather3A_121 {strides = array<i32>} : memref<1200xf32, #tpu.memory_space<vmem>>, vector<16xf32>,
      %add3A_124 = arith.constant 96 : i32
      %add3A_125 = arith.addi %mul3A_13, %add3A_124 : i32
      %get3A_126 = arith.index_cast %add3A_125 : i32 to index
      %get3A_127 = tpu.vector_load %arg9[%get3A_126] {strides = array<i32>} : memref<3600xi32, #tpu.memory_space<vmem>>, vector<16xi32>,
      %gather3A_128 = tpu.vector_load_idx %arg11[%get3A_127] : memref<10000xf32, #tpu.memory_space<vmem>>[vector<16xi32>], vector<16xf32>,
      %swap3A_129 = arith.constant 96 : index
      %swap3A_130 = tpu.vector_load %arg14[%swap3A_129] {strides = array<i32>} : memref<1200xf32, #tpu.memory_space<vmem>>, vector<16xf32>,
      tpu.vector_store %arg14[%swap3A_129], %gather3A_128 {strides = array<i32>} : memref<1200xf32, #tpu.memory_space<vmem>>, vector<16xf32>,
      %gather3A_131 = tpu.vector_load_idx %arg12[%get3A_127] : memref<10000xf32, #tpu.memory_space<vmem>>[vector<16xi32>], vector<16xf32>,
      %swap3A_132 = arith.constant 496 : index
      %swap3A_133 = tpu.vector_load %arg14[%swap3A_132] {strides = array<i32>} : memref<1200xf32, #tpu.memory_space<vmem>>, vector<16xf32>,
      tpu.vector_store %arg14[%swap3A_132], %gather3A_131 {strides = array<i32>} : memref<1200xf32, #tpu.memory_space<vmem>>, vector<16xf32>,
      %gather3A_134 = tpu.vector_load_idx %arg13[%get3A_127] : memref<10000xf32, #tpu.memory_space<vmem>>[vector<16xi32>], vector<16xf32>,
      %swap3A_135 = arith.constant 896 : index
      %swap3A_136 = tpu.vector_load %arg14[%swap3A_135] {strides = array<i32>} : memref<1200xf32, #tpu.memory_space<vmem>>, vector<16xf32>,
      tpu.vector_store %arg14[%swap3A_135], %gather3A_134 {strides = array<i32>} : memref<1200xf32, #tpu.memory_space<vmem>>, vector<16xf32>,
      %add3A_137 = arith.constant 112 : i32
      %add3A_138 = arith.addi %mul3A_13, %add3A_137 : i32
      %get3A_139 = arith.index_cast %add3A_138 : i32 to index
      %get3A_140 = tpu.vector_load %arg9[%get3A_139] {strides = array<i32>} : memref<3600xi32, #tpu.memory_space<vmem>>, vector<16xi32>,
      %gather3A_141 = tpu.vector_load_idx %arg11[%get3A_140] : memref<10000xf32, #tpu.memory_space<vmem>>[vector<16xi32>], vector<16xf32>,
      %swap3A_142 = arith.constant 112 : index
      %swap3A_143 = tpu.vector_load %arg14[%swap3A_142] {strides = array<i32>} : memref<1200xf32, #tpu.memory_space<vmem>>, vector<16xf32>,
      tpu.vector_store %arg14[%swap3A_142], %gather3A_141 {strides = array<i32>} : memref<1200xf32, #tpu.memory_space<vmem>>, vector<16xf32>,
      %gather3A_144 = tpu.vector_load_idx %arg12[%get3A_140] : memref<10000xf32, #tpu.memory_space<vmem>>[vector<16xi32>], vector<16xf32>,
      %swap3A_145 = arith.constant 512 : index
      %swap3A_146 = tpu.vector_load %arg14[%swap3A_145] {strides = array<i32>} : memref<1200xf32, #tpu.memory_space<vmem>>, vector<16xf32>,
      tpu.vector_store %arg14[%swap3A_145], %gather3A_144 {strides = array<i32>} : memref<1200xf32, #tpu.memory_space<vmem>>, vector<16xf32>,
      %gather3A_147 = tpu.vector_load_idx %arg13[%get3A_140] : memref<10000xf32, #tpu.memory_space<vmem>>[vector<16xi32>], vector<16xf32>,
      %swap3A_148 = arith.constant 912 : index
      %swap3A_149 = tpu.vector_load %arg14[%swap3A_148] {strides = array<i32>} : memref<1200xf32, #tpu.memory_space<vmem>>, vector<16xf32>,
      tpu.vector_store %arg14[%swap3A_148], %gather3A_147 {strides = array<i32>} : memref<1200xf32, #tpu.memory_space<vmem>>, vector<16xf32>,
      %add3A_150 = arith.constant 128 : i32
      %add3A_151 = arith.addi %mul3A_13, %add3A_150 : i32
      %get3A_152 = arith.index_cast %add3A_151 : i32 to index
      %get3A_153 = tpu.vector_load %arg9[%get3A_152] {strides = array<i32>} : memref<3600xi32, #tpu.memory_space<vmem>>, vector<16xi32>,
      %gather3A_154 = tpu.vector_load_idx %arg11[%get3A_153] : memref<10000xf32, #tpu.memory_space<vmem>>[vector<16xi32>], vector<16xf32>,
      %swap3A_155 = arith.constant 128 : index
      %swap3A_156 = tpu.vector_load %arg14[%swap3A_155] {strides = array<i32>} : memref<1200xf32, #tpu.memory_space<vmem>>, vector<16xf32>,
      tpu.vector_store %arg14[%swap3A_155], %gather3A_154 {strides = array<i32>} : memref<1200xf32, #tpu.memory_space<vmem>>, vector<16xf32>,
      %gather3A_157 = tpu.vector_load_idx %arg12[%get3A_153] : memref<10000xf32, #tpu.memory_space<vmem>>[vector<16xi32>], vector<16xf32>,
      %swap3A_158 = arith.constant 528 : index
      %swap3A_159 = tpu.vector_load %arg14[%swap3A_158] {strides = array<i32>} : memref<1200xf32, #tpu.memory_space<vmem>>, vector<16xf32>,
      tpu.vector_store %arg14[%swap3A_158], %gather3A_157 {strides = array<i32>} : memref<1200xf32, #tpu.memory_space<vmem>>, vector<16xf32>,
      %gather3A_160 = tpu.vector_load_idx %arg13[%get3A_153] : memref<10000xf32, #tpu.memory_space<vmem>>[vector<16xi32>], vector<16xf32>,
      %swap3A_161 = arith.constant 928 : index
      %swap3A_162 = tpu.vector_load %arg14[%swap3A_161] {strides = array<i32>} : memref<1200xf32, #tpu.memory_space<vmem>>, vector<16xf32>,
      tpu.vector_store %arg14[%swap3A_161], %gather3A_160 {strides = array<i32>} : memref<1200xf32, #tpu.memory_space<vmem>>, vector<16xf32>,
      %add3A_163 = arith.constant 144 : i32
      %add3A_164 = arith.addi %mul3A_13, %add3A_163 : i32
      %get3A_165 = arith.index_cast %add3A_164 : i32 to index
      %get3A_166 = tpu.vector_load %arg9[%get3A_165] {strides = array<i32>} : memref<3600xi32, #tpu.memory_space<vmem>>, vector<16xi32>,
      %gather3A_167 = tpu.vector_load_idx %arg11[%get3A_166] : memref<10000xf32, #tpu.memory_space<vmem>>[vector<16xi32>], vector<16xf32>,
      %swap3A_168 = arith.constant 144 : index
      %swap3A_169 = tpu.vector_load %arg14[%swap3A_168] {strides = array<i32>} : memref<1200xf32, #tpu.memory_space<vmem>>, vector<16xf32>,
      tpu.vector_store %arg14[%swap3A_168], %gather3A_167 {strides = array<i32>} : memref<1200xf32, #tpu.memory_space<vmem>>, vector<16xf32>,
      %gather3A_170 = tpu.vector_load_idx %arg12[%get3A_166] : memref<10000xf32, #tpu.memory_space<vmem>>[vector<16xi32>], vector<16xf32>,
      %swap3A_171 = arith.constant 544 : index
      %swap3A_172 = tpu.vector_load %arg14[%swap3A_171] {strides = array<i32>} : memref<1200xf32, #tpu.memory_space<vmem>>, vector<16xf32>,
      tpu.vector_store %arg14[%swap3A_171], %gather3A_170 {strides = array<i32>} : memref<1200xf32, #tpu.memory_space<vmem>>, vector<16xf32>,
      %gather3A_173 = tpu.vector_load_idx %arg13[%get3A_166] : memref<10000xf32, #tpu.memory_space<vmem>>[vector<16xi32>], vector<16xf32>,
      %swap3A_174 = arith.constant 944 : index
      %swap3A_175 = tpu.vector_load %arg14[%swap3A_174] {strides = array<i32>} : memref<1200xf32, #tpu.memory_space<vmem>>, vector<16xf32>,
      tpu.vector_store %arg14[%swap3A_174], %gather3A_173 {strides = array<i32>} : memref<1200xf32, #tpu.memory_space<vmem>>, vector<16xf32>,
      %add3A_176 = arith.constant 160 : i32
      %add3A_177 = arith.addi %mul3A_13, %add3A_176 : i32
      %get3A_178 = arith.index_cast %add3A_177 : i32 to index
      %get3A_179 = tpu.vector_load %arg9[%get3A_178] {strides = array<i32>} : memref<3600xi32, #tpu.memory_space<vmem>>, vector<16xi32>,
      %gather3A_180 = tpu.vector_load_idx %arg11[%get3A_179] : memref<10000xf32, #tpu.memory_space<vmem>>[vector<16xi32>], vector<16xf32>,
      %swap3A_181 = arith.constant 160 : index
      %swap3A_182 = tpu.vector_load %arg14[%swap3A_181] {strides = array<i32>} : memref<1200xf32, #tpu.memory_space<vmem>>, vector<16xf32>,
      tpu.vector_store %arg14[%swap3A_181], %gather3A_180 {strides = array<i32>} : memref<1200xf32, #tpu.memory_space<vmem>>, vector<16xf32>,
      %gather3A_183 = tpu.vector_load_idx %arg12[%get3A_179] : memref<10000xf32, #tpu.memory_space<vmem>>[vector<16xi32>], vector<16xf32>,
      %swap3A_184 = arith.constant 560 : index
      %swap3A_185 = tpu.vector_load %arg14[%swap3A_184] {strides = array<i32>} : memref<1200xf32, #tpu.memory_space<vmem>>, vector<16xf32>,
      tpu.vector_store %arg14[%swap3A_184], %gather3A_183 {strides = array<i32>} : memref<1200xf32, #tpu.memory_space<vmem>>, vector<16xf32>,
      %gather3A_186 = tpu.vector_load_idx %arg13[%get3A_179] : memref<10000xf32, #tpu.memory_space<vmem>>[vector<16xi32>], vector<16xf32>,
      %swap3A_187 = arith.constant 960 : index
      %swap3A_188 = tpu.vector_load %arg14[%swap3A_187] {strides = array<i32>} : memref<1200xf32, #tpu.memory_space<vmem>>, vector<16xf32>,
      tpu.vector_store %arg14[%swap3A_187], %gather3A_186 {strides = array<i32>} : memref<1200xf32, #tpu.memory_space<vmem>>, vector<16xf32>,
      %add3A_189 = arith.constant 176 : i32
      %add3A_190 = arith.addi %mul3A_13, %add3A_189 : i32
      %get3A_191 = arith.index_cast %add3A_190 : i32 to index
      %get3A_192 = tpu.vector_load %arg9[%get3A_191] {strides = array<i32>} : memref<3600xi32, #tpu.memory_space<vmem>>, vector<16xi32>,
      %gather3A_193 = tpu.vector_load_idx %arg11[%get3A_192] : memref<10000xf32, #tpu.memory_space<vmem>>[vector<16xi32>], vector<16xf32>,
      %swap3A_194 = arith.constant 176 : index
      %swap3A_195 = tpu.vector_load %arg14[%swap3A_194] {strides = array<i32>} : memref<1200xf32, #tpu.memory_space<vmem>>, vector<16xf32>,
      tpu.vector_store %arg14[%swap3A_194], %gather3A_193 {strides = array<i32>} : memref<1200xf32, #tpu.memory_space<vmem>>, vector<16xf32>,
      %gather3A_196 = tpu.vector_load_idx %arg12[%get3A_192] : memref<10000xf32, #tpu.memory_space<vmem>>[vector<16xi32>], vector<16xf32>,
      %swap3A_197 = arith.constant 576 : index
      %swap3A_198 = tpu.vector_load %arg14[%swap3A_197] {strides = array<i32>} : memref<1200xf32, #tpu.memory_space<vmem>>, vector<16xf32>,
      tpu.vector_store %arg14[%swap3A_197], %gather3A_196 {strides = array<i32>} : memref<1200xf32, #tpu.memory_space<vmem>>, vector<16xf32>,
      %gather3A_199 = tpu.vector_load_idx %arg13[%get3A_192] : memref<10000xf32, #tpu.memory_space<vmem>>[vector<16xi32>], vector<16xf32>,
      %swap3A_200 = arith.constant 976 : index
      %swap3A_201 = tpu.vector_load %arg14[%swap3A_200] {strides = array<i32>} : memref<1200xf32, #tpu.memory_space<vmem>>, vector<16xf32>,
      tpu.vector_store %arg14[%swap3A_200], %gather3A_199 {strides = array<i32>} : memref<1200xf32, #tpu.memory_space<vmem>>, vector<16xf32>,
      %add3A_202 = arith.constant 192 : i32
      %add3A_203 = arith.addi %mul3A_13, %add3A_202 : i32
      %get3A_204 = arith.index_cast %add3A_203 : i32 to index
      %get3A_205 = tpu.vector_load %arg9[%get3A_204] {strides = array<i32>} : memref<3600xi32, #tpu.memory_space<vmem>>, vector<16xi32>,
      %gather3A_206 = tpu.vector_load_idx %arg11[%get3A_205] : memref<10000xf32, #tpu.memory_space<vmem>>[vector<16xi32>], vector<16xf32>,
      %swap3A_207 = arith.constant 192 : index
      %swap3A_208 = tpu.vector_load %arg14[%swap3A_207] {strides = array<i32>} : memref<1200xf32, #tpu.memory_space<vmem>>, vector<16xf32>,
      tpu.vector_store %arg14[%swap3A_207], %gather3A_206 {strides = array<i32>} : memref<1200xf32, #tpu.memory_space<vmem>>, vector<16xf32>,
      %gather3A_209 = tpu.vector_load_idx %arg12[%get3A_205] : memref<10000xf32, #tpu.memory_space<vmem>>[vector<16xi32>], vector<16xf32>,
      %swap3A_210 = arith.constant 592 : index
      %swap3A_211 = tpu.vector_load %arg14[%swap3A_210] {strides = array<i32>} : memref<1200xf32, #tpu.memory_space<vmem>>, vector<16xf32>,
      tpu.vector_store %arg14[%swap3A_210], %gather3A_209 {strides = array<i32>} : memref<1200xf32, #tpu.memory_space<vmem>>, vector<16xf32>,
      %gather3A_212 = tpu.vector_load_idx %arg13[%get3A_205] : memref<10000xf32, #tpu.memory_space<vmem>>[vector<16xi32>], vector<16xf32>,
      %swap3A_213 = arith.constant 992 : index
      %swap3A_214 = tpu.vector_load %arg14[%swap3A_213] {strides = array<i32>} : memref<1200xf32, #tpu.memory_space<vmem>>, vector<16xf32>,
      tpu.vector_store %arg14[%swap3A_213], %gather3A_212 {strides = array<i32>} : memref<1200xf32, #tpu.memory_space<vmem>>, vector<16xf32>,
      %add3A_215 = arith.constant 208 : i32
      %add3A_216 = arith.addi %mul3A_13, %add3A_215 : i32
      %get3A_217 = arith.index_cast %add3A_216 : i32 to index
      %get3A_218 = tpu.vector_load %arg9[%get3A_217] {strides = array<i32>} : memref<3600xi32, #tpu.memory_space<vmem>>, vector<16xi32>,
      %gather3A_219 = tpu.vector_load_idx %arg11[%get3A_218] : memref<10000xf32, #tpu.memory_space<vmem>>[vector<16xi32>], vector<16xf32>,
      %swap3A_220 = arith.constant 208 : index
      %swap3A_221 = tpu.vector_load %arg14[%swap3A_220] {strides = array<i32>} : memref<1200xf32, #tpu.memory_space<vmem>>, vector<16xf32>,
      tpu.vector_store %arg14[%swap3A_220], %gather3A_219 {strides = array<i32>} : memref<1200xf32, #tpu.memory_space<vmem>>, vector<16xf32>,
      %gather3A_222 = tpu.vector_load_idx %arg12[%get3A_218] : memref<10000xf32, #tpu.memory_space<vmem>>[vector<16xi32>], vector<16xf32>,
      %swap3A_223 = arith.constant 608 : index
      %swap3A_224 = tpu.vector_load %arg14[%swap3A_223] {strides = array<i32>} : memref<1200xf32, #tpu.memory_space<vmem>>, vector<16xf32>,
      tpu.vector_store %arg14[%swap3A_223], %gather3A_222 {strides = array<i32>} : memref<1200xf32, #tpu.memory_space<vmem>>, vector<16xf32>,
      %gather3A_225 = tpu.vector_load_idx %arg13[%get3A_218] : memref<10000xf32, #tpu.memory_space<vmem>>[vector<16xi32>], vector<16xf32>,
      %swap3A_226 = arith.constant 1008 : index
      %swap3A_227 = tpu.vector_load %arg14[%swap3A_226] {strides = array<i32>} : memref<1200xf32, #tpu.memory_space<vmem>>, vector<16xf32>,
      tpu.vector_store %arg14[%swap3A_226], %gather3A_225 {strides = array<i32>} : memref<1200xf32, #tpu.memory_space<vmem>>, vector<16xf32>,
      %add3A_228 = arith.constant 224 : i32
      %add3A_229 = arith.addi %mul3A_13, %add3A_228 : i32
      %get3A_230 = arith.index_cast %add3A_229 : i32 to index
      %get3A_231 = tpu.vector_load %arg9[%get3A_230] {strides = array<i32>} : memref<3600xi32, #tpu.memory_space<vmem>>, vector<16xi32>,
      %gather3A_232 = tpu.vector_load_idx %arg11[%get3A_231] : memref<10000xf32, #tpu.memory_space<vmem>>[vector<16xi32>], vector<16xf32>,
      %swap3A_233 = arith.constant 224 : index
      %swap3A_234 = tpu.vector_load %arg14[%swap3A_233] {strides = array<i32>} : memref<1200xf32, #tpu.memory_space<vmem>>, vector<16xf32>,
      tpu.vector_store %arg14[%swap3A_233], %gather3A_232 {strides = array<i32>} : memref<1200xf32, #tpu.memory_space<vmem>>, vector<16xf32>,
      %gather3A_235 = tpu.vector_load_idx %arg12[%get3A_231] : memref<10000xf32, #tpu.memory_space<vmem>>[vector<16xi32>], vector<16xf32>,
      %swap3A_236 = arith.constant 624 : index
      %swap3A_237 = tpu.vector_load %arg14[%swap3A_236] {strides = array<i32>} : memref<1200xf32, #tpu.memory_space<vmem>>, vector<16xf32>,
      tpu.vector_store %arg14[%swap3A_236], %gather3A_235 {strides = array<i32>} : memref<1200xf32, #tpu.memory_space<vmem>>, vector<16xf32>,
      %gather3A_238 = tpu.vector_load_idx %arg13[%get3A_231] : memref<10000xf32, #tpu.memory_space<vmem>>[vector<16xi32>], vector<16xf32>,
      %swap3A_239 = arith.constant 1024 : index
      %swap3A_240 = tpu.vector_load %arg14[%swap3A_239] {strides = array<i32>} : memref<1200xf32, #tpu.memory_space<vmem>>, vector<16xf32>,
      tpu.vector_store %arg14[%swap3A_239], %gather3A_238 {strides = array<i32>} : memref<1200xf32, #tpu.memory_space<vmem>>, vector<16xf32>,
      %add3A_241 = arith.constant 240 : i32
      %add3A_242 = arith.addi %mul3A_13, %add3A_241 : i32
      %get3A_243 = arith.index_cast %add3A_242 : i32 to index
      %get3A_244 = tpu.vector_load %arg9[%get3A_243] {strides = array<i32>} : memref<3600xi32, #tpu.memory_space<vmem>>, vector<16xi32>,
      %gather3A_245 = tpu.vector_load_idx %arg11[%get3A_244] : memref<10000xf32, #tpu.memory_space<vmem>>[vector<16xi32>], vector<16xf32>,
      %swap3A_246 = arith.constant 240 : index
      %swap3A_247 = tpu.vector_load %arg14[%swap3A_246] {strides = array<i32>} : memref<1200xf32, #tpu.memory_space<vmem>>, vector<16xf32>,
      tpu.vector_store %arg14[%swap3A_246], %gather3A_245 {strides = array<i32>} : memref<1200xf32, #tpu.memory_space<vmem>>, vector<16xf32>,
      %gather3A_248 = tpu.vector_load_idx %arg12[%get3A_244] : memref<10000xf32, #tpu.memory_space<vmem>>[vector<16xi32>], vector<16xf32>,
      %swap3A_249 = arith.constant 640 : index
      %swap3A_250 = tpu.vector_load %arg14[%swap3A_249] {strides = array<i32>} : memref<1200xf32, #tpu.memory_space<vmem>>, vector<16xf32>,
      tpu.vector_store %arg14[%swap3A_249], %gather3A_248 {strides = array<i32>} : memref<1200xf32, #tpu.memory_space<vmem>>, vector<16xf32>,
      %gather3A_251 = tpu.vector_load_idx %arg13[%get3A_244] : memref<10000xf32, #tpu.memory_space<vmem>>[vector<16xi32>], vector<16xf32>,
      %swap3A_252 = arith.constant 1040 : index
      %swap3A_253 = tpu.vector_load %arg14[%swap3A_252] {strides = array<i32>} : memref<1200xf32, #tpu.memory_space<vmem>>, vector<16xf32>,
      tpu.vector_store %arg14[%swap3A_252], %gather3A_251 {strides = array<i32>} : memref<1200xf32, #tpu.memory_space<vmem>>, vector<16xf32>,
      %add3A_254 = arith.constant 256 : i32
      %add3A_255 = arith.addi %mul3A_13, %add3A_254 : i32
      %get3A_256 = arith.index_cast %add3A_255 : i32 to index
      %get3A_257 = tpu.vector_load %arg9[%get3A_256] {strides = array<i32>} : memref<3600xi32, #tpu.memory_space<vmem>>, vector<16xi32>,
      %gather3A_258 = tpu.vector_load_idx %arg11[%get3A_257] : memref<10000xf32, #tpu.memory_space<vmem>>[vector<16xi32>], vector<16xf32>,
      %swap3A_259 = arith.constant 256 : index
      %swap3A_260 = tpu.vector_load %arg14[%swap3A_259] {strides = array<i32>} : memref<1200xf32, #tpu.memory_space<vmem>>, vector<16xf32>,
      tpu.vector_store %arg14[%swap3A_259], %gather3A_258 {strides = array<i32>} : memref<1200xf32, #tpu.memory_space<vmem>>, vector<16xf32>,
      %gather3A_261 = tpu.vector_load_idx %arg12[%get3A_257] : memref<10000xf32, #tpu.memory_space<vmem>>[vector<16xi32>], vector<16xf32>,
      %swap3A_262 = arith.constant 656 : index
      %swap3A_263 = tpu.vector_load %arg14[%swap3A_262] {strides = array<i32>} : memref<1200xf32, #tpu.memory_space<vmem>>, vector<16xf32>,
      tpu.vector_store %arg14[%swap3A_262], %gather3A_261 {strides = array<i32>} : memref<1200xf32, #tpu.memory_space<vmem>>, vector<16xf32>,
      %gather3A_264 = tpu.vector_load_idx %arg13[%get3A_257] : memref<10000xf32, #tpu.memory_space<vmem>>[vector<16xi32>], vector<16xf32>,
      %swap3A_265 = arith.constant 1056 : index
      %swap3A_266 = tpu.vector_load %arg14[%swap3A_265] {strides = array<i32>} : memref<1200xf32, #tpu.memory_space<vmem>>, vector<16xf32>,
      tpu.vector_store %arg14[%swap3A_265], %gather3A_264 {strides = array<i32>} : memref<1200xf32, #tpu.memory_space<vmem>>, vector<16xf32>,
      %add3A_267 = arith.constant 272 : i32
      %add3A_268 = arith.addi %mul3A_13, %add3A_267 : i32
      %get3A_269 = arith.index_cast %add3A_268 : i32 to index
      %get3A_270 = tpu.vector_load %arg9[%get3A_269] {strides = array<i32>} : memref<3600xi32, #tpu.memory_space<vmem>>, vector<16xi32>,
      %gather3A_271 = tpu.vector_load_idx %arg11[%get3A_270] : memref<10000xf32, #tpu.memory_space<vmem>>[vector<16xi32>], vector<16xf32>,
      %swap3A_272 = arith.constant 272 : index
      %swap3A_273 = tpu.vector_load %arg14[%swap3A_272] {strides = array<i32>} : memref<1200xf32, #tpu.memory_space<vmem>>, vector<16xf32>,
      tpu.vector_store %arg14[%swap3A_272], %gather3A_271 {strides = array<i32>} : memref<1200xf32, #tpu.memory_space<vmem>>, vector<16xf32>,
      %gather3A_274 = tpu.vector_load_idx %arg12[%get3A_270] : memref<10000xf32, #tpu.memory_space<vmem>>[vector<16xi32>], vector<16xf32>,
      %swap3A_275 = arith.constant 672 : index
      %swap3A_276 = tpu.vector_load %arg14[%swap3A_275] {strides = array<i32>} : memref<1200xf32, #tpu.memory_space<vmem>>, vector<16xf32>,
      tpu.vector_store %arg14[%swap3A_275], %gather3A_274 {strides = array<i32>} : memref<1200xf32, #tpu.memory_space<vmem>>, vector<16xf32>,
      %gather3A_277 = tpu.vector_load_idx %arg13[%get3A_270] : memref<10000xf32, #tpu.memory_space<vmem>>[vector<16xi32>], vector<16xf32>,
      %swap3A_278 = arith.constant 1072 : index
      %swap3A_279 = tpu.vector_load %arg14[%swap3A_278] {strides = array<i32>} : memref<1200xf32, #tpu.memory_space<vmem>>, vector<16xf32>,
      tpu.vector_store %arg14[%swap3A_278], %gather3A_277 {strides = array<i32>} : memref<1200xf32, #tpu.memory_space<vmem>>, vector<16xf32>,
      %add3A_280 = arith.constant 288 : i32
      %add3A_281 = arith.addi %mul3A_13, %add3A_280 : i32
      %get3A_282 = arith.index_cast %add3A_281 : i32 to index
      %get3A_283 = tpu.vector_load %arg9[%get3A_282] {strides = array<i32>} : memref<3600xi32, #tpu.memory_space<vmem>>, vector<16xi32>,
      %gather3A_284 = tpu.vector_load_idx %arg11[%get3A_283] : memref<10000xf32, #tpu.memory_space<vmem>>[vector<16xi32>], vector<16xf32>,
      %swap3A_285 = arith.constant 288 : index
      %swap3A_286 = tpu.vector_load %arg14[%swap3A_285] {strides = array<i32>} : memref<1200xf32, #tpu.memory_space<vmem>>, vector<16xf32>,
      tpu.vector_store %arg14[%swap3A_285], %gather3A_284 {strides = array<i32>} : memref<1200xf32, #tpu.memory_space<vmem>>, vector<16xf32>,
      %gather3A_287 = tpu.vector_load_idx %arg12[%get3A_283] : memref<10000xf32, #tpu.memory_space<vmem>>[vector<16xi32>], vector<16xf32>,
      %swap3A_288 = arith.constant 688 : index
      %swap3A_289 = tpu.vector_load %arg14[%swap3A_288] {strides = array<i32>} : memref<1200xf32, #tpu.memory_space<vmem>>, vector<16xf32>,
      tpu.vector_store %arg14[%swap3A_288], %gather3A_287 {strides = array<i32>} : memref<1200xf32, #tpu.memory_space<vmem>>, vector<16xf32>,
      %gather3A_290 = tpu.vector_load_idx %arg13[%get3A_283] : memref<10000xf32, #tpu.memory_space<vmem>>[vector<16xi32>], vector<16xf32>,
      %swap3A_291 = arith.constant 1088 : index
      %swap3A_292 = tpu.vector_load %arg14[%swap3A_291] {strides = array<i32>} : memref<1200xf32, #tpu.memory_space<vmem>>, vector<16xf32>,
      tpu.vector_store %arg14[%swap3A_291], %gather3A_290 {strides = array<i32>} : memref<1200xf32, #tpu.memory_space<vmem>>, vector<16xf32>,
      %add3A_293 = arith.constant 304 : i32
      %add3A_294 = arith.addi %mul3A_13, %add3A_293 : i32
      %get3A_295 = arith.index_cast %add3A_294 : i32 to index
      %get3A_296 = tpu.vector_load %arg9[%get3A_295] {strides = array<i32>} : memref<3600xi32, #tpu.memory_space<vmem>>, vector<16xi32>,
      %gather3A_297 = tpu.vector_load_idx %arg11[%get3A_296] : memref<10000xf32, #tpu.memory_space<vmem>>[vector<16xi32>], vector<16xf32>,
      %swap3A_298 = arith.constant 304 : index
      %swap3A_299 = tpu.vector_load %arg14[%swap3A_298] {strides = array<i32>} : memref<1200xf32, #tpu.memory_space<vmem>>, vector<16xf32>,
      tpu.vector_store %arg14[%swap3A_298], %gather3A_297 {strides = array<i32>} : memref<1200xf32, #tpu.memory_space<vmem>>, vector<16xf32>,
      %gather3A_300 = tpu.vector_load_idx %arg12[%get3A_296] : memref<10000xf32, #tpu.memory_space<vmem>>[vector<16xi32>], vector<16xf32>,
      %swap3A_301 = arith.constant 704 : index
      %swap3A_302 = tpu.vector_load %arg14[%swap3A_301] {strides = array<i32>} : memref<1200xf32, #tpu.memory_space<vmem>>, vector<16xf32>,
      tpu.vector_store %arg14[%swap3A_301], %gather3A_300 {strides = array<i32>} : memref<1200xf32, #tpu.memory_space<vmem>>, vector<16xf32>,
      %gather3A_303 = tpu.vector_load_idx %arg13[%get3A_296] : memref<10000xf32, #tpu.memory_space<vmem>>[vector<16xi32>], vector<16xf32>,
      %swap3A_304 = arith.constant 1104 : index
      %swap3A_305 = tpu.vector_load %arg14[%swap3A_304] {strides = array<i32>} : memref<1200xf32, #tpu.memory_space<vmem>>, vector<16xf32>,
      tpu.vector_store %arg14[%swap3A_304], %gather3A_303 {strides = array<i32>} : memref<1200xf32, #tpu.memory_space<vmem>>, vector<16xf32>,
      %add3A_306 = arith.constant 320 : i32
      %add3A_307 = arith.addi %mul3A_13, %add3A_306 : i32
      %get3A_308 = arith.index_cast %add3A_307 : i32 to index
      %get3A_309 = tpu.vector_load %arg9[%get3A_308] {strides = array<i32>} : memref<3600xi32, #tpu.memory_space<vmem>>, vector<16xi32>,
      %gather3A_310 = tpu.vector_load_idx %arg11[%get3A_309] : memref<10000xf32, #tpu.memory_space<vmem>>[vector<16xi32>], vector<16xf32>,
      %swap3A_311 = arith.constant 320 : index
      %swap3A_312 = tpu.vector_load %arg14[%swap3A_311] {strides = array<i32>} : memref<1200xf32, #tpu.memory_space<vmem>>, vector<16xf32>,
      tpu.vector_store %arg14[%swap3A_311], %gather3A_310 {strides = array<i32>} : memref<1200xf32, #tpu.memory_space<vmem>>, vector<16xf32>,
      %gather3A_313 = tpu.vector_load_idx %arg12[%get3A_309] : memref<10000xf32, #tpu.memory_space<vmem>>[vector<16xi32>], vector<16xf32>,
      %swap3A_314 = arith.constant 720 : index
      %swap3A_315 = tpu.vector_load %arg14[%swap3A_314] {strides = array<i32>} : memref<1200xf32, #tpu.memory_space<vmem>>, vector<16xf32>,
      tpu.vector_store %arg14[%swap3A_314], %gather3A_313 {strides = array<i32>} : memref<1200xf32, #tpu.memory_space<vmem>>, vector<16xf32>,
      %gather3A_316 = tpu.vector_load_idx %arg13[%get3A_309] : memref<10000xf32, #tpu.memory_space<vmem>>[vector<16xi32>], vector<16xf32>,
      %swap3A_317 = arith.constant 1120 : index
      %swap3A_318 = tpu.vector_load %arg14[%swap3A_317] {strides = array<i32>} : memref<1200xf32, #tpu.memory_space<vmem>>, vector<16xf32>,
      tpu.vector_store %arg14[%swap3A_317], %gather3A_316 {strides = array<i32>} : memref<1200xf32, #tpu.memory_space<vmem>>, vector<16xf32>,
      %add3A_319 = arith.constant 336 : i32
      %add3A_320 = arith.addi %mul3A_13, %add3A_319 : i32
      %get3A_321 = arith.index_cast %add3A_320 : i32 to index
      %get3A_322 = tpu.vector_load %arg9[%get3A_321] {strides = array<i32>} : memref<3600xi32, #tpu.memory_space<vmem>>, vector<16xi32>,
      %gather3A_323 = tpu.vector_load_idx %arg11[%get3A_322] : memref<10000xf32, #tpu.memory_space<vmem>>[vector<16xi32>], vector<16xf32>,
      %swap3A_324 = arith.constant 336 : index
      %swap3A_325 = tpu.vector_load %arg14[%swap3A_324] {strides = array<i32>} : memref<1200xf32, #tpu.memory_space<vmem>>, vector<16xf32>,
      tpu.vector_store %arg14[%swap3A_324], %gather3A_323 {strides = array<i32>} : memref<1200xf32, #tpu.memory_space<vmem>>, vector<16xf32>,
      %gather3A_326 = tpu.vector_load_idx %arg12[%get3A_322] : memref<10000xf32, #tpu.memory_space<vmem>>[vector<16xi32>], vector<16xf32>,
      %swap3A_327 = arith.constant 736 : index
      %swap3A_328 = tpu.vector_load %arg14[%swap3A_327] {strides = array<i32>} : memref<1200xf32, #tpu.memory_space<vmem>>, vector<16xf32>,
      tpu.vector_store %arg14[%swap3A_327], %gather3A_326 {strides = array<i32>} : memref<1200xf32, #tpu.memory_space<vmem>>, vector<16xf32>,
      %gather3A_329 = tpu.vector_load_idx %arg13[%get3A_322] : memref<10000xf32, #tpu.memory_space<vmem>>[vector<16xi32>], vector<16xf32>,
      %swap3A_330 = arith.constant 1136 : index
      %swap3A_331 = tpu.vector_load %arg14[%swap3A_330] {strides = array<i32>} : memref<1200xf32, #tpu.memory_space<vmem>>, vector<16xf32>,
      tpu.vector_store %arg14[%swap3A_330], %gather3A_329 {strides = array<i32>} : memref<1200xf32, #tpu.memory_space<vmem>>, vector<16xf32>,
      %add3A_332 = arith.constant 352 : i32
      %add3A_333 = arith.addi %mul3A_13, %add3A_332 : i32
      %get3A_334 = arith.index_cast %add3A_333 : i32 to index
      %get3A_335 = tpu.vector_load %arg9[%get3A_334] {strides = array<i32>} : memref<3600xi32, #tpu.memory_space<vmem>>, vector<16xi32>,
      %gather3A_336 = tpu.vector_load_idx %arg11[%get3A_335] : memref<10000xf32, #tpu.memory_space<vmem>>[vector<16xi32>], vector<16xf32>,
      %swap3A_337 = arith.constant 352 : index
      %swap3A_338 = tpu.vector_load %arg14[%swap3A_337] {strides = array<i32>} : memref<1200xf32, #tpu.memory_space<vmem>>, vector<16xf32>,
      tpu.vector_store %arg14[%swap3A_337], %gather3A_336 {strides = array<i32>} : memref<1200xf32, #tpu.memory_space<vmem>>, vector<16xf32>,
      %gather3A_339 = tpu.vector_load_idx %arg12[%get3A_335] : memref<10000xf32, #tpu.memory_space<vmem>>[vector<16xi32>], vector<16xf32>,
      %swap3A_340 = arith.constant 752 : index
      %swap3A_341 = tpu.vector_load %arg14[%swap3A_340] {strides = array<i32>} : memref<1200xf32, #tpu.memory_space<vmem>>, vector<16xf32>,
      tpu.vector_store %arg14[%swap3A_340], %gather3A_339 {strides = array<i32>} : memref<1200xf32, #tpu.memory_space<vmem>>, vector<16xf32>,
      %gather3A_342 = tpu.vector_load_idx %arg13[%get3A_335] : memref<10000xf32, #tpu.memory_space<vmem>>[vector<16xi32>], vector<16xf32>,
      %swap3A_343 = arith.constant 1152 : index
      %swap3A_344 = tpu.vector_load %arg14[%swap3A_343] {strides = array<i32>} : memref<1200xf32, #tpu.memory_space<vmem>>, vector<16xf32>,
      tpu.vector_store %arg14[%swap3A_343], %gather3A_342 {strides = array<i32>} : memref<1200xf32, #tpu.memory_space<vmem>>, vector<16xf32>,
      %add3A_345 = arith.constant 368 : i32
      %add3A_346 = arith.addi %mul3A_13, %add3A_345 : i32
      %get3A_347 = arith.index_cast %add3A_346 : i32 to index
      %get3A_348 = tpu.vector_load %arg9[%get3A_347] {strides = array<i32>} : memref<3600xi32, #tpu.memory_space<vmem>>, vector<16xi32>,
      %gather3A_349 = tpu.vector_load_idx %arg11[%get3A_348] : memref<10000xf32, #tpu.memory_space<vmem>>[vector<16xi32>], vector<16xf32>,
      %swap3A_350 = arith.constant 368 : index
      %swap3A_351 = tpu.vector_load %arg14[%swap3A_350] {strides = array<i32>} : memref<1200xf32, #tpu.memory_space<vmem>>, vector<16xf32>,
      tpu.vector_store %arg14[%swap3A_350], %gather3A_349 {strides = array<i32>} : memref<1200xf32, #tpu.memory_space<vmem>>, vector<16xf32>,
      %gather3A_352 = tpu.vector_load_idx %arg12[%get3A_348] : memref<10000xf32, #tpu.memory_space<vmem>>[vector<16xi32>], vector<16xf32>,
      %swap3A_353 = arith.constant 768 : index
      %swap3A_354 = tpu.vector_load %arg14[%swap3A_353] {strides = array<i32>} : memref<1200xf32, #tpu.memory_space<vmem>>, vector<16xf32>,
      tpu.vector_store %arg14[%swap3A_353], %gather3A_352 {strides = array<i32>} : memref<1200xf32, #tpu.memory_space<vmem>>, vector<16xf32>,
      %gather3A_355 = tpu.vector_load_idx %arg13[%get3A_348] : memref<10000xf32, #tpu.memory_space<vmem>>[vector<16xi32>], vector<16xf32>,
      %swap3A_356 = arith.constant 1168 : index
      %swap3A_357 = tpu.vector_load %arg14[%swap3A_356] {strides = array<i32>} : memref<1200xf32, #tpu.memory_space<vmem>>, vector<16xf32>,
      tpu.vector_store %arg14[%swap3A_356], %gather3A_355 {strides = array<i32>} : memref<1200xf32, #tpu.memory_space<vmem>>, vector<16xf32>,
      %add3A_358 = arith.constant 384 : i32
      %add3A_359 = arith.addi %mul3A_13, %add3A_358 : i32
      %get3A_360 = arith.index_cast %add3A_359 : i32 to index
      %get3A_361 = tpu.vector_load %arg9[%get3A_360] {strides = array<i32>} : memref<3600xi32, #tpu.memory_space<vmem>>, vector<16xi32>,
      %gather3A_362 = tpu.vector_load_idx %arg11[%get3A_361] : memref<10000xf32, #tpu.memory_space<vmem>>[vector<16xi32>], vector<16xf32>,
      %swap3A_363 = arith.constant 384 : index
      %swap3A_364 = tpu.vector_load %arg14[%swap3A_363] {strides = array<i32>} : memref<1200xf32, #tpu.memory_space<vmem>>, vector<16xf32>,
      tpu.vector_store %arg14[%swap3A_363], %gather3A_362 {strides = array<i32>} : memref<1200xf32, #tpu.memory_space<vmem>>, vector<16xf32>,
      %gather3A_365 = tpu.vector_load_idx %arg12[%get3A_361] : memref<10000xf32, #tpu.memory_space<vmem>>[vector<16xi32>], vector<16xf32>,
      %swap3A_366 = arith.constant 784 : index
      %swap3A_367 = tpu.vector_load %arg14[%swap3A_366] {strides = array<i32>} : memref<1200xf32, #tpu.memory_space<vmem>>, vector<16xf32>,
      tpu.vector_store %arg14[%swap3A_366], %gather3A_365 {strides = array<i32>} : memref<1200xf32, #tpu.memory_space<vmem>>, vector<16xf32>,
      %gather3A_368 = tpu.vector_load_idx %arg13[%get3A_361] : memref<10000xf32, #tpu.memory_space<vmem>>[vector<16xi32>], vector<16xf32>,
      %swap3A_369 = arith.constant 1184 : index
      %swap3A_370 = tpu.vector_load %arg14[%swap3A_369] {strides = array<i32>} : memref<1200xf32, #tpu.memory_space<vmem>>, vector<16xf32>,
      tpu.vector_store %arg14[%swap3A_369], %gather3A_368 {strides = array<i32>} : memref<1200xf32, #tpu.memory_space<vmem>>, vector<16xf32>,
      %mul3A_371 = arith.constant 3 : i32
      %mul3A_372 = arith.muli %add3A_11, %mul3A_371 : i32
      "tpu.region"() ({
        %run_scoped3A = tpu.sem_alloc : memref<!tpu.dma_semaphore, #tpu.memory_space<semaphore_mem>>
        %dma_start3A_400 = tpu.memref_slice %arg8[%mul3A_372] : memref<345600xf32, #tpu.memory_space<hbm>> -> memref<1200xf32, #tpu.memory_space<hbm>>
        %dma_start3A_401 = tpu.memref_slice %arg8[%mul3A_372] : memref<345600xf32, #tpu.memory_space<hbm>> -> memref<1200xf32, #tpu.memory_space<hbm>>
        tpu.enqueue_dma source(%arg14 : memref<1200xf32, #tpu.memory_space<vmem>>) target(%dma_start3A_401 : memref<1200xf32, #tpu.memory_space<hbm>>) target_semaphore(%run_scoped3A : memref<!tpu.dma_semaphore, #tpu.memory_space<semaphore_mem>>)
        %dma_wait3A_402 = tpu.memref_slice %arg8[%mul3A_372] : memref<345600xf32, #tpu.memory_space<hbm>> -> memref<1200xf32, #tpu.memory_space<hbm>>
        %dma_wait3A_403 = tpu.memref_slice %arg8[%mul3A_372] : memref<345600xf32, #tpu.memory_space<hbm>> -> memref<1200xf32, #tpu.memory_space<hbm>>
        tpu.wait_dma2 semaphore(%run_scoped3A : memref<!tpu.dma_semaphore, #tpu.memory_space<semaphore_mem>>) src(%arg14 : memref<1200xf32, #tpu.memory_space<vmem>>) dst(%dma_wait3A_403 : memref<1200xf32, #tpu.memory_space<hbm>>)
        tpu.yield
      }) : () -> ()
      %dma_wait3A = arith.constant 0 : i32
      %dma_wait3A_373 = arith.constant 0 : i32
      %dma_wait3A_374 = tpu.memref_slice %arg10[%dma_wait3A, %dma_wait3A_373] : memref<400x128xf32, #tpu.memory_space<vmem>> -> memref<128x128xf32, #tpu.memory_space<vmem>>
      %dma_wait3A_375 = tpu.memref_slice %arg9[%add3A_15] : memref<3600xi32, #tpu.memory_space<vmem>> -> memref<128xi32, #tpu.memory_space<vmem>>
      %dma_wait3A_376 = arith.constant 0 : i32
      %dma_wait3A_377 = arith.constant 0 : i32
      %dma_wait3A_378 = tpu.memref_slice %arg2[%dma_wait3A_376, %dma_wait3A_377] : memref<10000x128xf32, #tpu.memory_space<hbm>> -> memref<10000x128xf32, #tpu.memory_space<hbm>>
      tpu.wait_indirect_dma semaphore(%arg15 : memref<!tpu.dma_semaphore, #tpu.memory_space<semaphore_mem>>) src(%dma_wait3A_378 : memref<10000x128xf32, #tpu.memory_space<hbm>>) dst(%dma_wait3A_374 : memref<128x128xf32, #tpu.memory_space<vmem>>)
      %dma_wait3A_379 = arith.constant 128 : i32
      %dma_wait3A_380 = arith.constant 0 : i32
      %dma_wait3A_381 = tpu.memref_slice %arg10[%dma_wait3A_379, %dma_wait3A_380] : memref<400x128xf32, #tpu.memory_space<vmem>> -> memref<128x128xf32, #tpu.memory_space<vmem>>
      %dma_wait3A_382 = tpu.memref_slice %arg9[%add3A_23] : memref<3600xi32, #tpu.memory_space<vmem>> -> memref<128xi32, #tpu.memory_space<vmem>>
      %dma_wait3A_383 = arith.constant 0 : i32
      %dma_wait3A_384 = arith.constant 0 : i32
      %dma_wait3A_385 = tpu.memref_slice %arg2[%dma_wait3A_383, %dma_wait3A_384] : memref<10000x128xf32, #tpu.memory_space<hbm>> -> memref<10000x128xf32, #tpu.memory_space<hbm>>
      tpu.wait_indirect_dma semaphore(%arg15 : memref<!tpu.dma_semaphore, #tpu.memory_space<semaphore_mem>>) src(%dma_wait3A_385 : memref<10000x128xf32, #tpu.memory_space<hbm>>) dst(%dma_wait3A_381 : memref<128x128xf32, #tpu.memory_space<vmem>>)
      %dma_wait3A_386 = arith.constant 256 : i32
      %dma_wait3A_387 = arith.constant 0 : i32
      %dma_wait3A_388 = tpu.memref_slice %arg10[%dma_wait3A_386, %dma_wait3A_387] : memref<400x128xf32, #tpu.memory_space<vmem>> -> memref<128x128xf32, #tpu.memory_space<vmem>>
      %dma_wait3A_389 = tpu.memref_slice %arg9[%add3A_32] : memref<3600xi32, #tpu.memory_space<vmem>> -> memref<128xi32, #tpu.memory_space<vmem>>
      %dma_wait3A_390 = arith.constant 0 : i32
      %dma_wait3A_391 = arith.constant 0 : i32
      %dma_wait3A_392 = tpu.memref_slice %arg2[%dma_wait3A_390, %dma_wait3A_391] : memref<10000x128xf32, #tpu.memory_space<hbm>> -> memref<10000x128xf32, #tpu.memory_space<hbm>>
      tpu.wait_indirect_dma semaphore(%arg15 : memref<!tpu.dma_semaphore, #tpu.memory_space<semaphore_mem>>) src(%dma_wait3A_392 : memref<10000x128xf32, #tpu.memory_space<hbm>>) dst(%dma_wait3A_388 : memref<128x128xf32, #tpu.memory_space<vmem>>)
      %dma_wait3A_393 = arith.constant 384 : i32
      %dma_wait3A_394 = arith.constant 0 : i32
      %dma_wait3A_395 = tpu.memref_slice %arg10[%dma_wait3A_393, %dma_wait3A_394] : memref<400x128xf32, #tpu.memory_space<vmem>> -> memref<16x128xf32, #tpu.memory_space<vmem>>
      %dma_wait3A_396 = tpu.memref_slice %arg9[%add3A_41] : memref<3600xi32, #tpu.memory_space<vmem>> -> memref<16xi32, #tpu.memory_space<vmem>>
      %dma_wait3A_397 = arith.constant 0 : i32
      %dma_wait3A_398 = arith.constant 0 : i32
      %dma_wait3A_399 = tpu.memref_slice %arg2[%dma_wait3A_397, %dma_wait3A_398] : memref<10000x128xf32, #tpu.memory_space<hbm>> -> memref<10000x128xf32, #tpu.memory_space<hbm>>
      tpu.wait_indirect_dma semaphore(%arg15 : memref<!tpu.dma_semaphore, #tpu.memory_space<semaphore_mem>>) src(%dma_wait3A_399 : memref<10000x128xf32, #tpu.memory_space<hbm>>) dst(%dma_wait3A_395 : memref<16x128xf32, #tpu.memory_space<vmem>>)
      "tpu.region"() ({
        %run_scoped3A = tpu.sem_alloc : memref<!tpu.dma_semaphore, #tpu.memory_space<semaphore_mem>>
        %dma_start3A_400 = arith.constant 0 : i32
        %dma_start3A_401 = tpu.memref_slice %arg7[%add3A_11, %dma_start3A_400] : memref<115200x128xf32, #tpu.memory_space<hbm>> -> memref<400x128xf32, #tpu.memory_space<hbm>>
        %dma_start3A_402 = arith.constant 0 : i32
        %dma_start3A_403 = tpu.memref_slice %arg7[%add3A_11, %dma_start3A_402] : memref<115200x128xf32, #tpu.memory_space<hbm>> -> memref<400x128xf32, #tpu.memory_space<hbm>>
        tpu.enqueue_dma source(%arg10 : memref<400x128xf32, #tpu.memory_space<vmem>>) target(%dma_start3A_403 : memref<400x128xf32, #tpu.memory_space<hbm>>) target_semaphore(%run_scoped3A : memref<!tpu.dma_semaphore, #tpu.memory_space<semaphore_mem>>)
        %dma_wait3A_404 = arith.constant 0 : i32
        %dma_wait3A_405 = tpu.memref_slice %arg7[%add3A_11, %dma_wait3A_404] : memref<115200x128xf32, #tpu.memory_space<hbm>> -> memref<400x128xf32, #tpu.memory_space<hbm>>
        %dma_wait3A_406 = arith.constant 0 : i32
        %dma_wait3A_407 = tpu.memref_slice %arg7[%add3A_11, %dma_wait3A_406] : memref<115200x128xf32, #tpu.memory_space<hbm>> -> memref<400x128xf32, #tpu.memory_space<hbm>>
        tpu.wait_dma2 semaphore(%run_scoped3A : memref<!tpu.dma_semaphore, #tpu.memory_space<semaphore_mem>>) src(%arg10 : memref<400x128xf32, #tpu.memory_space<vmem>>) dst(%dma_wait3A_407 : memref<400x128xf32, #tpu.memory_space<hbm>>)
        tpu.yield
      }) : () -> ()
    }
    %scan3A_7 = arith.constant 9 : i32
    return
  }
}

#map = affine_map<(d0, d1) -> (0, 0)>
#map1 = affine_map<(d0, d1) -> (0)>
module attributes {stable_mosaic.version = 14 : i64} {
  func.func @gath(%arg0: i32, %arg1: i32, %arg2: memref<10000x128xf32, #tpu.memory_space<hbm>>, %arg3: memref<10000xf32, #tpu.memory_space<hbm>>, %arg4: memref<10000xf32, #tpu.memory_space<hbm>>, %arg5: memref<10000xf32, #tpu.memory_space<hbm>>, %arg6: memref<204800xi32, #tpu.memory_space<hbm>>, %arg7: memref<204800x128xf32, #tpu.memory_space<hbm>>, %arg8: memref<614400xf32, #tpu.memory_space<hbm>>, %arg9: memref<6400xi32, #tpu.memory_space<vmem>>, %arg10: memref<400x128xf32, #tpu.memory_space<vmem>>, %arg11: memref<10000xf32, #tpu.memory_space<vmem>>, %arg12: memref<10000xf32, #tpu.memory_space<vmem>>, %arg13: memref<10000xf32, #tpu.memory_space<vmem>>, %arg14: memref<1200xf32, #tpu.memory_space<vmem>>, %arg15: memref<!tpu.dma_semaphore, #tpu.memory_space<semaphore_mem>>) attributes {dimension_semantics = [#tpu.dimension_semantics<core_parallel>, #tpu.dimension_semantics<subcore_parallel>], iteration_bounds = array<i64: 2, 16>, scalar_prefetch = 0 : i64, scratch_operands = 7 : i64, tpu.core_type = #tpu.core_type<sc_vector_subcore>, window_params = [{transform_indices = #map}, {transform_indices = #map1}, {transform_indices = #map1}, {transform_indices = #map1}, {transform_indices = #map1}, {transform_indices = #map}, {transform_indices = #map1}]} {
    %mul3A = arith.constant 2 : i32
    %mul3A_0 = arith.muli %arg1, %mul3A : i32
    %add3A = arith.addi %mul3A_0, %arg0 : i32
    %mul3A_1 = arith.constant 6400 : i32
    %mul3A_2 = arith.muli %add3A, %mul3A_1 : i32
    "tpu.region"() ({
      %run_scoped3A = tpu.sem_alloc : memref<!tpu.dma_semaphore, #tpu.memory_space<semaphore_mem>>
      %dma_start3A = tpu.memref_slice %arg6[%mul3A_2] : memref<204800xi32, #tpu.memory_space<hbm>> -> memref<6400xi32, #tpu.memory_space<hbm>>
      %dma_start3A_8 = tpu.memref_slice %arg6[%mul3A_2] : memref<204800xi32, #tpu.memory_space<hbm>> -> memref<6400xi32, #tpu.memory_space<hbm>>
      tpu.enqueue_dma source(%dma_start3A_8 : memref<6400xi32, #tpu.memory_space<hbm>>) target(%arg9 : memref<6400xi32, #tpu.memory_space<vmem>>) target_semaphore(%run_scoped3A : memref<!tpu.dma_semaphore, #tpu.memory_space<semaphore_mem>>)
      %dma_wait3A = tpu.memref_slice %arg6[%mul3A_2] : memref<204800xi32, #tpu.memory_space<hbm>> -> memref<6400xi32, #tpu.memory_space<hbm>>
      %dma_wait3A_9 = tpu.memref_slice %arg6[%mul3A_2] : memref<204800xi32, #tpu.memory_space<hbm>> -> memref<6400xi32, #tpu.memory_space<hbm>>
      tpu.wait_dma2 semaphore(%run_scoped3A : memref<!tpu.dma_semaphore, #tpu.memory_space<semaphore_mem>>) src(%dma_wait3A_9 : memref<6400xi32, #tpu.memory_space<hbm>>) dst(%arg9 : memref<6400xi32, #tpu.memory_space<vmem>>)
      tpu.yield
    }) : () -> ()
    "tpu.region"() ({
      %run_scoped3A = tpu.sem_alloc : memref<!tpu.dma_semaphore, #tpu.memory_space<semaphore_mem>>
      tpu.enqueue_dma source(%arg3 : memref<10000xf32, #tpu.memory_space<hbm>>) target(%arg11 : memref<10000xf32, #tpu.memory_space<vmem>>) target_semaphore(%run_scoped3A : memref<!tpu.dma_semaphore, #tpu.memory_space<semaphore_mem>>)
      tpu.wait_dma2 semaphore(%run_scoped3A : memref<!tpu.dma_semaphore, #tpu.memory_space<semaphore_mem>>) src(%arg3 : memref<10000xf32, #tpu.memory_space<hbm>>) dst(%arg11 : memref<10000xf32, #tpu.memory_space<vmem>>)
      tpu.yield
    }) : () -> ()
    "tpu.region"() ({
      %run_scoped3A = tpu.sem_alloc : memref<!tpu.dma_semaphore, #tpu.memory_space<semaphore_mem>>
      tpu.enqueue_dma source(%arg4 : memref<10000xf32, #tpu.memory_space<hbm>>) target(%arg12 : memref<10000xf32, #tpu.memory_space<vmem>>) target_semaphore(%run_scoped3A : memref<!tpu.dma_semaphore, #tpu.memory_space<semaphore_mem>>)
      tpu.wait_dma2 semaphore(%run_scoped3A : memref<!tpu.dma_semaphore, #tpu.memory_space<semaphore_mem>>) src(%arg4 : memref<10000xf32, #tpu.memory_space<hbm>>) dst(%arg12 : memref<10000xf32, #tpu.memory_space<vmem>>)
      tpu.yield
    }) : () -> ()
    "tpu.region"() ({
      %run_scoped3A = tpu.sem_alloc : memref<!tpu.dma_semaphore, #tpu.memory_space<semaphore_mem>>
      tpu.enqueue_dma source(%arg5 : memref<10000xf32, #tpu.memory_space<hbm>>) target(%arg13 : memref<10000xf32, #tpu.memory_space<vmem>>) target_semaphore(%run_scoped3A : memref<!tpu.dma_semaphore, #tpu.memory_space<semaphore_mem>>)
      tpu.wait_dma2 semaphore(%run_scoped3A : memref<!tpu.dma_semaphore, #tpu.memory_space<semaphore_mem>>) src(%arg5 : memref<10000xf32, #tpu.memory_space<hbm>>) dst(%arg13 : memref<10000xf32, #tpu.memory_space<vmem>>)
      tpu.yield
    }) : () -> ()
    %scan3A = arith.constant 0 : i32
    %scan3A_3 = arith.constant 0 : i32
    %scan3A_4 = arith.constant 16 : i32
    %scan3A_5 = arith.addi %scan3A_3, %scan3A_4 : i32
    %scan3A_6 = arith.constant 1 : i32
    scf.for %scan3A_8 = %scan3A_3 to %scan3A_5 step %scan3A_6  : i32 {
      %mul3A_9 = arith.constant 400 : i32
      %mul3A_10 = arith.muli %scan3A_8, %mul3A_9 : i32
      %add3A_11 = arith.addi %mul3A_2, %mul3A_10 : i32
      %mul3A_12 = arith.constant 400 : i32
      %mul3A_13 = arith.muli %scan3A_8, %mul3A_12 : i32
      %add3A_14 = arith.constant 0 : i32
      %add3A_15 = arith.addi %mul3A_13, %add3A_14 : i32
      %dma_start3A = arith.constant 0 : i32
      %dma_start3A_16 = arith.constant 0 : i32
      %dma_start3A_17 = tpu.memref_slice %arg10[%dma_start3A, %dma_start3A_16] : memref<400x128xf32, #tpu.memory_space<vmem>> -> memref<128x128xf32, #tpu.memory_space<vmem>>
      %dma_start3A_18 = tpu.memref_slice %arg9[%add3A_15] : memref<6400xi32, #tpu.memory_space<vmem>> -> memref<128xi32, #tpu.memory_space<vmem>>
      %dma_start3A_19 = arith.constant 0 : i32
      %dma_start3A_20 = arith.constant 0 : i32
      %dma_start3A_21 = tpu.memref_slice %arg2[%dma_start3A_19, %dma_start3A_20] : memref<10000x128xf32, #tpu.memory_space<hbm>> -> memref<10000x128xf32, #tpu.memory_space<hbm>>
      tpu.enqueue_indirect_dma source(%dma_start3A_21 : memref<10000x128xf32, #tpu.memory_space<hbm>>) target(%dma_start3A_17 : memref<128x128xf32, #tpu.memory_space<vmem>>) offsets(%dma_start3A_18 : memref<128xi32, #tpu.memory_space<vmem>>) semaphore(%arg15 : memref<!tpu.dma_semaphore, #tpu.memory_space<semaphore_mem>>)
      %add3A_22 = arith.constant 128 : i32
      %add3A_23 = arith.addi %mul3A_13, %add3A_22 : i32
      %dma_start3A_24 = arith.constant 128 : i32
      %dma_start3A_25 = arith.constant 0 : i32
      %dma_start3A_26 = tpu.memref_slice %arg10[%dma_start3A_24, %dma_start3A_25] : memref<400x128xf32, #tpu.memory_space<vmem>> -> memref<128x128xf32, #tpu.memory_space<vmem>>
      %dma_start3A_27 = tpu.memref_slice %arg9[%add3A_23] : memref<6400xi32, #tpu.memory_space<vmem>> -> memref<128xi32, #tpu.memory_space<vmem>>
      %dma_start3A_28 = arith.constant 0 : i32
      %dma_start3A_29 = arith.constant 0 : i32
      %dma_start3A_30 = tpu.memref_slice %arg2[%dma_start3A_28, %dma_start3A_29] : memref<10000x128xf32, #tpu.memory_space<hbm>> -> memref<10000x128xf32, #tpu.memory_space<hbm>>
      tpu.enqueue_indirect_dma source(%dma_start3A_30 : memref<10000x128xf32, #tpu.memory_space<hbm>>) target(%dma_start3A_26 : memref<128x128xf32, #tpu.memory_space<vmem>>) offsets(%dma_start3A_27 : memref<128xi32, #tpu.memory_space<vmem>>) semaphore(%arg15 : memref<!tpu.dma_semaphore, #tpu.memory_space<semaphore_mem>>)
      %add3A_31 = arith.constant 256 : i32
      %add3A_32 = arith.addi %mul3A_13, %add3A_31 : i32
      %dma_start3A_33 = arith.constant 256 : i32
      %dma_start3A_34 = arith.constant 0 : i32
      %dma_start3A_35 = tpu.memref_slice %arg10[%dma_start3A_33, %dma_start3A_34] : memref<400x128xf32, #tpu.memory_space<vmem>> -> memref<128x128xf32, #tpu.memory_space<vmem>>
      %dma_start3A_36 = tpu.memref_slice %arg9[%add3A_32] : memref<6400xi32, #tpu.memory_space<vmem>> -> memref<128xi32, #tpu.memory_space<vmem>>
      %dma_start3A_37 = arith.constant 0 : i32
      %dma_start3A_38 = arith.constant 0 : i32
      %dma_start3A_39 = tpu.memref_slice %arg2[%dma_start3A_37, %dma_start3A_38] : memref<10000x128xf32, #tpu.memory_space<hbm>> -> memref<10000x128xf32, #tpu.memory_space<hbm>>
      tpu.enqueue_indirect_dma source(%dma_start3A_39 : memref<10000x128xf32, #tpu.memory_space<hbm>>) target(%dma_start3A_35 : memref<128x128xf32, #tpu.memory_space<vmem>>) offsets(%dma_start3A_36 : memref<128xi32, #tpu.memory_space<vmem>>) semaphore(%arg15 : memref<!tpu.dma_semaphore, #tpu.memory_space<semaphore_mem>>)
      %add3A_40 = arith.constant 384 : i32
      %add3A_41 = arith.addi %mul3A_13, %add3A_40 : i32
      %dma_start3A_42 = arith.constant 384 : i32
      %dma_start3A_43 = arith.constant 0 : i32
      %dma_start3A_44 = tpu.memref_slice %arg10[%dma_start3A_42, %dma_start3A_43] : memref<400x128xf32, #tpu.memory_space<vmem>> -> memref<16x128xf32, #tpu.memory_space<vmem>>
      %dma_start3A_45 = tpu.memref_slice %arg9[%add3A_41] : memref<6400xi32, #tpu.memory_space<vmem>> -> memref<16xi32, #tpu.memory_space<vmem>>
      %dma_start3A_46 = arith.constant 0 : i32
      %dma_start3A_47 = arith.constant 0 : i32
      %dma_start3A_48 = tpu.memref_slice %arg2[%dma_start3A_46, %dma_start3A_47] : memref<10000x128xf32, #tpu.memory_space<hbm>> -> memref<10000x128xf32, #tpu.memory_space<hbm>>
      tpu.enqueue_indirect_dma source(%dma_start3A_48 : memref<10000x128xf32, #tpu.memory_space<hbm>>) target(%dma_start3A_44 : memref<16x128xf32, #tpu.memory_space<vmem>>) offsets(%dma_start3A_45 : memref<16xi32, #tpu.memory_space<vmem>>) semaphore(%arg15 : memref<!tpu.dma_semaphore, #tpu.memory_space<semaphore_mem>>)
      %add3A_49 = arith.constant 0 : i32
      %add3A_50 = arith.addi %mul3A_13, %add3A_49 : i32
      %get3A = arith.index_cast %add3A_50 : i32 to index
      %get3A_51 = tpu.vector_load %arg9[%get3A] {strides = array<i32>} : memref<6400xi32, #tpu.memory_space<vmem>>, vector<16xi32>,
      %gather3A = tpu.vector_load_idx %arg11[%get3A_51] : memref<10000xf32, #tpu.memory_space<vmem>>[vector<16xi32>], vector<16xf32>,
      %swap3A = arith.constant 0 : index
      %swap3A_52 = tpu.vector_load %arg14[%swap3A] {strides = array<i32>} : memref<1200xf32, #tpu.memory_space<vmem>>, vector<16xf32>,
      tpu.vector_store %arg14[%swap3A], %gather3A {strides = array<i32>} : memref<1200xf32, #tpu.memory_space<vmem>>, vector<16xf32>,
      %gather3A_53 = tpu.vector_load_idx %arg12[%get3A_51] : memref<10000xf32, #tpu.memory_space<vmem>>[vector<16xi32>], vector<16xf32>,
      %swap3A_54 = arith.constant 400 : index
      %swap3A_55 = tpu.vector_load %arg14[%swap3A_54] {strides = array<i32>} : memref<1200xf32, #tpu.memory_space<vmem>>, vector<16xf32>,
      tpu.vector_store %arg14[%swap3A_54], %gather3A_53 {strides = array<i32>} : memref<1200xf32, #tpu.memory_space<vmem>>, vector<16xf32>,
      %gather3A_56 = tpu.vector_load_idx %arg13[%get3A_51] : memref<10000xf32, #tpu.memory_space<vmem>>[vector<16xi32>], vector<16xf32>,
      %swap3A_57 = arith.constant 800 : index
      %swap3A_58 = tpu.vector_load %arg14[%swap3A_57] {strides = array<i32>} : memref<1200xf32, #tpu.memory_space<vmem>>, vector<16xf32>,
      tpu.vector_store %arg14[%swap3A_57], %gather3A_56 {strides = array<i32>} : memref<1200xf32, #tpu.memory_space<vmem>>, vector<16xf32>,
      %add3A_59 = arith.constant 16 : i32
      %add3A_60 = arith.addi %mul3A_13, %add3A_59 : i32
      %get3A_61 = arith.index_cast %add3A_60 : i32 to index
      %get3A_62 = tpu.vector_load %arg9[%get3A_61] {strides = array<i32>} : memref<6400xi32, #tpu.memory_space<vmem>>, vector<16xi32>,
      %gather3A_63 = tpu.vector_load_idx %arg11[%get3A_62] : memref<10000xf32, #tpu.memory_space<vmem>>[vector<16xi32>], vector<16xf32>,
      %swap3A_64 = arith.constant 16 : index
      %swap3A_65 = tpu.vector_load %arg14[%swap3A_64] {strides = array<i32>} : memref<1200xf32, #tpu.memory_space<vmem>>, vector<16xf32>,
      tpu.vector_store %arg14[%swap3A_64], %gather3A_63 {strides = array<i32>} : memref<1200xf32, #tpu.memory_space<vmem>>, vector<16xf32>,
      %gather3A_66 = tpu.vector_load_idx %arg12[%get3A_62] : memref<10000xf32, #tpu.memory_space<vmem>>[vector<16xi32>], vector<16xf32>,
      %swap3A_67 = arith.constant 416 : index
      %swap3A_68 = tpu.vector_load %arg14[%swap3A_67] {strides = array<i32>} : memref<1200xf32, #tpu.memory_space<vmem>>, vector<16xf32>,
      tpu.vector_store %arg14[%swap3A_67], %gather3A_66 {strides = array<i32>} : memref<1200xf32, #tpu.memory_space<vmem>>, vector<16xf32>,
      %gather3A_69 = tpu.vector_load_idx %arg13[%get3A_62] : memref<10000xf32, #tpu.memory_space<vmem>>[vector<16xi32>], vector<16xf32>,
      %swap3A_70 = arith.constant 816 : index
      %swap3A_71 = tpu.vector_load %arg14[%swap3A_70] {strides = array<i32>} : memref<1200xf32, #tpu.memory_space<vmem>>, vector<16xf32>,
      tpu.vector_store %arg14[%swap3A_70], %gather3A_69 {strides = array<i32>} : memref<1200xf32, #tpu.memory_space<vmem>>, vector<16xf32>,
      %add3A_72 = arith.constant 32 : i32
      %add3A_73 = arith.addi %mul3A_13, %add3A_72 : i32
      %get3A_74 = arith.index_cast %add3A_73 : i32 to index
      %get3A_75 = tpu.vector_load %arg9[%get3A_74] {strides = array<i32>} : memref<6400xi32, #tpu.memory_space<vmem>>, vector<16xi32>,
      %gather3A_76 = tpu.vector_load_idx %arg11[%get3A_75] : memref<10000xf32, #tpu.memory_space<vmem>>[vector<16xi32>], vector<16xf32>,
      %swap3A_77 = arith.constant 32 : index
      %swap3A_78 = tpu.vector_load %arg14[%swap3A_77] {strides = array<i32>} : memref<1200xf32, #tpu.memory_space<vmem>>, vector<16xf32>,
      tpu.vector_store %arg14[%swap3A_77], %gather3A_76 {strides = array<i32>} : memref<1200xf32, #tpu.memory_space<vmem>>, vector<16xf32>,
      %gather3A_79 = tpu.vector_load_idx %arg12[%get3A_75] : memref<10000xf32, #tpu.memory_space<vmem>>[vector<16xi32>], vector<16xf32>,
      %swap3A_80 = arith.constant 432 : index
      %swap3A_81 = tpu.vector_load %arg14[%swap3A_80] {strides = array<i32>} : memref<1200xf32, #tpu.memory_space<vmem>>, vector<16xf32>,
      tpu.vector_store %arg14[%swap3A_80], %gather3A_79 {strides = array<i32>} : memref<1200xf32, #tpu.memory_space<vmem>>, vector<16xf32>,
      %gather3A_82 = tpu.vector_load_idx %arg13[%get3A_75] : memref<10000xf32, #tpu.memory_space<vmem>>[vector<16xi32>], vector<16xf32>,
      %swap3A_83 = arith.constant 832 : index
      %swap3A_84 = tpu.vector_load %arg14[%swap3A_83] {strides = array<i32>} : memref<1200xf32, #tpu.memory_space<vmem>>, vector<16xf32>,
      tpu.vector_store %arg14[%swap3A_83], %gather3A_82 {strides = array<i32>} : memref<1200xf32, #tpu.memory_space<vmem>>, vector<16xf32>,
      %add3A_85 = arith.constant 48 : i32
      %add3A_86 = arith.addi %mul3A_13, %add3A_85 : i32
      %get3A_87 = arith.index_cast %add3A_86 : i32 to index
      %get3A_88 = tpu.vector_load %arg9[%get3A_87] {strides = array<i32>} : memref<6400xi32, #tpu.memory_space<vmem>>, vector<16xi32>,
      %gather3A_89 = tpu.vector_load_idx %arg11[%get3A_88] : memref<10000xf32, #tpu.memory_space<vmem>>[vector<16xi32>], vector<16xf32>,
      %swap3A_90 = arith.constant 48 : index
      %swap3A_91 = tpu.vector_load %arg14[%swap3A_90] {strides = array<i32>} : memref<1200xf32, #tpu.memory_space<vmem>>, vector<16xf32>,
      tpu.vector_store %arg14[%swap3A_90], %gather3A_89 {strides = array<i32>} : memref<1200xf32, #tpu.memory_space<vmem>>, vector<16xf32>,
      %gather3A_92 = tpu.vector_load_idx %arg12[%get3A_88] : memref<10000xf32, #tpu.memory_space<vmem>>[vector<16xi32>], vector<16xf32>,
      %swap3A_93 = arith.constant 448 : index
      %swap3A_94 = tpu.vector_load %arg14[%swap3A_93] {strides = array<i32>} : memref<1200xf32, #tpu.memory_space<vmem>>, vector<16xf32>,
      tpu.vector_store %arg14[%swap3A_93], %gather3A_92 {strides = array<i32>} : memref<1200xf32, #tpu.memory_space<vmem>>, vector<16xf32>,
      %gather3A_95 = tpu.vector_load_idx %arg13[%get3A_88] : memref<10000xf32, #tpu.memory_space<vmem>>[vector<16xi32>], vector<16xf32>,
      %swap3A_96 = arith.constant 848 : index
      %swap3A_97 = tpu.vector_load %arg14[%swap3A_96] {strides = array<i32>} : memref<1200xf32, #tpu.memory_space<vmem>>, vector<16xf32>,
      tpu.vector_store %arg14[%swap3A_96], %gather3A_95 {strides = array<i32>} : memref<1200xf32, #tpu.memory_space<vmem>>, vector<16xf32>,
      %add3A_98 = arith.constant 64 : i32
      %add3A_99 = arith.addi %mul3A_13, %add3A_98 : i32
      %get3A_100 = arith.index_cast %add3A_99 : i32 to index
      %get3A_101 = tpu.vector_load %arg9[%get3A_100] {strides = array<i32>} : memref<6400xi32, #tpu.memory_space<vmem>>, vector<16xi32>,
      %gather3A_102 = tpu.vector_load_idx %arg11[%get3A_101] : memref<10000xf32, #tpu.memory_space<vmem>>[vector<16xi32>], vector<16xf32>,
      %swap3A_103 = arith.constant 64 : index
      %swap3A_104 = tpu.vector_load %arg14[%swap3A_103] {strides = array<i32>} : memref<1200xf32, #tpu.memory_space<vmem>>, vector<16xf32>,
      tpu.vector_store %arg14[%swap3A_103], %gather3A_102 {strides = array<i32>} : memref<1200xf32, #tpu.memory_space<vmem>>, vector<16xf32>,
      %gather3A_105 = tpu.vector_load_idx %arg12[%get3A_101] : memref<10000xf32, #tpu.memory_space<vmem>>[vector<16xi32>], vector<16xf32>,
      %swap3A_106 = arith.constant 464 : index
      %swap3A_107 = tpu.vector_load %arg14[%swap3A_106] {strides = array<i32>} : memref<1200xf32, #tpu.memory_space<vmem>>, vector<16xf32>,
      tpu.vector_store %arg14[%swap3A_106], %gather3A_105 {strides = array<i32>} : memref<1200xf32, #tpu.memory_space<vmem>>, vector<16xf32>,
      %gather3A_108 = tpu.vector_load_idx %arg13[%get3A_101] : memref<10000xf32, #tpu.memory_space<vmem>>[vector<16xi32>], vector<16xf32>,
      %swap3A_109 = arith.constant 864 : index
      %swap3A_110 = tpu.vector_load %arg14[%swap3A_109] {strides = array<i32>} : memref<1200xf32, #tpu.memory_space<vmem>>, vector<16xf32>,
      tpu.vector_store %arg14[%swap3A_109], %gather3A_108 {strides = array<i32>} : memref<1200xf32, #tpu.memory_space<vmem>>, vector<16xf32>,
      %add3A_111 = arith.constant 80 : i32
      %add3A_112 = arith.addi %mul3A_13, %add3A_111 : i32
      %get3A_113 = arith.index_cast %add3A_112 : i32 to index
      %get3A_114 = tpu.vector_load %arg9[%get3A_113] {strides = array<i32>} : memref<6400xi32, #tpu.memory_space<vmem>>, vector<16xi32>,
      %gather3A_115 = tpu.vector_load_idx %arg11[%get3A_114] : memref<10000xf32, #tpu.memory_space<vmem>>[vector<16xi32>], vector<16xf32>,
      %swap3A_116 = arith.constant 80 : index
      %swap3A_117 = tpu.vector_load %arg14[%swap3A_116] {strides = array<i32>} : memref<1200xf32, #tpu.memory_space<vmem>>, vector<16xf32>,
      tpu.vector_store %arg14[%swap3A_116], %gather3A_115 {strides = array<i32>} : memref<1200xf32, #tpu.memory_space<vmem>>, vector<16xf32>,
      %gather3A_118 = tpu.vector_load_idx %arg12[%get3A_114] : memref<10000xf32, #tpu.memory_space<vmem>>[vector<16xi32>], vector<16xf32>,
      %swap3A_119 = arith.constant 480 : index
      %swap3A_120 = tpu.vector_load %arg14[%swap3A_119] {strides = array<i32>} : memref<1200xf32, #tpu.memory_space<vmem>>, vector<16xf32>,
      tpu.vector_store %arg14[%swap3A_119], %gather3A_118 {strides = array<i32>} : memref<1200xf32, #tpu.memory_space<vmem>>, vector<16xf32>,
      %gather3A_121 = tpu.vector_load_idx %arg13[%get3A_114] : memref<10000xf32, #tpu.memory_space<vmem>>[vector<16xi32>], vector<16xf32>,
      %swap3A_122 = arith.constant 880 : index
      %swap3A_123 = tpu.vector_load %arg14[%swap3A_122] {strides = array<i32>} : memref<1200xf32, #tpu.memory_space<vmem>>, vector<16xf32>,
      tpu.vector_store %arg14[%swap3A_122], %gather3A_121 {strides = array<i32>} : memref<1200xf32, #tpu.memory_space<vmem>>, vector<16xf32>,
      %add3A_124 = arith.constant 96 : i32
      %add3A_125 = arith.addi %mul3A_13, %add3A_124 : i32
      %get3A_126 = arith.index_cast %add3A_125 : i32 to index
      %get3A_127 = tpu.vector_load %arg9[%get3A_126] {strides = array<i32>} : memref<6400xi32, #tpu.memory_space<vmem>>, vector<16xi32>,
      %gather3A_128 = tpu.vector_load_idx %arg11[%get3A_127] : memref<10000xf32, #tpu.memory_space<vmem>>[vector<16xi32>], vector<16xf32>,
      %swap3A_129 = arith.constant 96 : index
      %swap3A_130 = tpu.vector_load %arg14[%swap3A_129] {strides = array<i32>} : memref<1200xf32, #tpu.memory_space<vmem>>, vector<16xf32>,
      tpu.vector_store %arg14[%swap3A_129], %gather3A_128 {strides = array<i32>} : memref<1200xf32, #tpu.memory_space<vmem>>, vector<16xf32>,
      %gather3A_131 = tpu.vector_load_idx %arg12[%get3A_127] : memref<10000xf32, #tpu.memory_space<vmem>>[vector<16xi32>], vector<16xf32>,
      %swap3A_132 = arith.constant 496 : index
      %swap3A_133 = tpu.vector_load %arg14[%swap3A_132] {strides = array<i32>} : memref<1200xf32, #tpu.memory_space<vmem>>, vector<16xf32>,
      tpu.vector_store %arg14[%swap3A_132], %gather3A_131 {strides = array<i32>} : memref<1200xf32, #tpu.memory_space<vmem>>, vector<16xf32>,
      %gather3A_134 = tpu.vector_load_idx %arg13[%get3A_127] : memref<10000xf32, #tpu.memory_space<vmem>>[vector<16xi32>], vector<16xf32>,
      %swap3A_135 = arith.constant 896 : index
      %swap3A_136 = tpu.vector_load %arg14[%swap3A_135] {strides = array<i32>} : memref<1200xf32, #tpu.memory_space<vmem>>, vector<16xf32>,
      tpu.vector_store %arg14[%swap3A_135], %gather3A_134 {strides = array<i32>} : memref<1200xf32, #tpu.memory_space<vmem>>, vector<16xf32>,
      %add3A_137 = arith.constant 112 : i32
      %add3A_138 = arith.addi %mul3A_13, %add3A_137 : i32
      %get3A_139 = arith.index_cast %add3A_138 : i32 to index
      %get3A_140 = tpu.vector_load %arg9[%get3A_139] {strides = array<i32>} : memref<6400xi32, #tpu.memory_space<vmem>>, vector<16xi32>,
      %gather3A_141 = tpu.vector_load_idx %arg11[%get3A_140] : memref<10000xf32, #tpu.memory_space<vmem>>[vector<16xi32>], vector<16xf32>,
      %swap3A_142 = arith.constant 112 : index
      %swap3A_143 = tpu.vector_load %arg14[%swap3A_142] {strides = array<i32>} : memref<1200xf32, #tpu.memory_space<vmem>>, vector<16xf32>,
      tpu.vector_store %arg14[%swap3A_142], %gather3A_141 {strides = array<i32>} : memref<1200xf32, #tpu.memory_space<vmem>>, vector<16xf32>,
      %gather3A_144 = tpu.vector_load_idx %arg12[%get3A_140] : memref<10000xf32, #tpu.memory_space<vmem>>[vector<16xi32>], vector<16xf32>,
      %swap3A_145 = arith.constant 512 : index
      %swap3A_146 = tpu.vector_load %arg14[%swap3A_145] {strides = array<i32>} : memref<1200xf32, #tpu.memory_space<vmem>>, vector<16xf32>,
      tpu.vector_store %arg14[%swap3A_145], %gather3A_144 {strides = array<i32>} : memref<1200xf32, #tpu.memory_space<vmem>>, vector<16xf32>,
      %gather3A_147 = tpu.vector_load_idx %arg13[%get3A_140] : memref<10000xf32, #tpu.memory_space<vmem>>[vector<16xi32>], vector<16xf32>,
      %swap3A_148 = arith.constant 912 : index
      %swap3A_149 = tpu.vector_load %arg14[%swap3A_148] {strides = array<i32>} : memref<1200xf32, #tpu.memory_space<vmem>>, vector<16xf32>,
      tpu.vector_store %arg14[%swap3A_148], %gather3A_147 {strides = array<i32>} : memref<1200xf32, #tpu.memory_space<vmem>>, vector<16xf32>,
      %add3A_150 = arith.constant 128 : i32
      %add3A_151 = arith.addi %mul3A_13, %add3A_150 : i32
      %get3A_152 = arith.index_cast %add3A_151 : i32 to index
      %get3A_153 = tpu.vector_load %arg9[%get3A_152] {strides = array<i32>} : memref<6400xi32, #tpu.memory_space<vmem>>, vector<16xi32>,
      %gather3A_154 = tpu.vector_load_idx %arg11[%get3A_153] : memref<10000xf32, #tpu.memory_space<vmem>>[vector<16xi32>], vector<16xf32>,
      %swap3A_155 = arith.constant 128 : index
      %swap3A_156 = tpu.vector_load %arg14[%swap3A_155] {strides = array<i32>} : memref<1200xf32, #tpu.memory_space<vmem>>, vector<16xf32>,
      tpu.vector_store %arg14[%swap3A_155], %gather3A_154 {strides = array<i32>} : memref<1200xf32, #tpu.memory_space<vmem>>, vector<16xf32>,
      %gather3A_157 = tpu.vector_load_idx %arg12[%get3A_153] : memref<10000xf32, #tpu.memory_space<vmem>>[vector<16xi32>], vector<16xf32>,
      %swap3A_158 = arith.constant 528 : index
      %swap3A_159 = tpu.vector_load %arg14[%swap3A_158] {strides = array<i32>} : memref<1200xf32, #tpu.memory_space<vmem>>, vector<16xf32>,
      tpu.vector_store %arg14[%swap3A_158], %gather3A_157 {strides = array<i32>} : memref<1200xf32, #tpu.memory_space<vmem>>, vector<16xf32>,
      %gather3A_160 = tpu.vector_load_idx %arg13[%get3A_153] : memref<10000xf32, #tpu.memory_space<vmem>>[vector<16xi32>], vector<16xf32>,
      %swap3A_161 = arith.constant 928 : index
      %swap3A_162 = tpu.vector_load %arg14[%swap3A_161] {strides = array<i32>} : memref<1200xf32, #tpu.memory_space<vmem>>, vector<16xf32>,
      tpu.vector_store %arg14[%swap3A_161], %gather3A_160 {strides = array<i32>} : memref<1200xf32, #tpu.memory_space<vmem>>, vector<16xf32>,
      %add3A_163 = arith.constant 144 : i32
      %add3A_164 = arith.addi %mul3A_13, %add3A_163 : i32
      %get3A_165 = arith.index_cast %add3A_164 : i32 to index
      %get3A_166 = tpu.vector_load %arg9[%get3A_165] {strides = array<i32>} : memref<6400xi32, #tpu.memory_space<vmem>>, vector<16xi32>,
      %gather3A_167 = tpu.vector_load_idx %arg11[%get3A_166] : memref<10000xf32, #tpu.memory_space<vmem>>[vector<16xi32>], vector<16xf32>,
      %swap3A_168 = arith.constant 144 : index
      %swap3A_169 = tpu.vector_load %arg14[%swap3A_168] {strides = array<i32>} : memref<1200xf32, #tpu.memory_space<vmem>>, vector<16xf32>,
      tpu.vector_store %arg14[%swap3A_168], %gather3A_167 {strides = array<i32>} : memref<1200xf32, #tpu.memory_space<vmem>>, vector<16xf32>,
      %gather3A_170 = tpu.vector_load_idx %arg12[%get3A_166] : memref<10000xf32, #tpu.memory_space<vmem>>[vector<16xi32>], vector<16xf32>,
      %swap3A_171 = arith.constant 544 : index
      %swap3A_172 = tpu.vector_load %arg14[%swap3A_171] {strides = array<i32>} : memref<1200xf32, #tpu.memory_space<vmem>>, vector<16xf32>,
      tpu.vector_store %arg14[%swap3A_171], %gather3A_170 {strides = array<i32>} : memref<1200xf32, #tpu.memory_space<vmem>>, vector<16xf32>,
      %gather3A_173 = tpu.vector_load_idx %arg13[%get3A_166] : memref<10000xf32, #tpu.memory_space<vmem>>[vector<16xi32>], vector<16xf32>,
      %swap3A_174 = arith.constant 944 : index
      %swap3A_175 = tpu.vector_load %arg14[%swap3A_174] {strides = array<i32>} : memref<1200xf32, #tpu.memory_space<vmem>>, vector<16xf32>,
      tpu.vector_store %arg14[%swap3A_174], %gather3A_173 {strides = array<i32>} : memref<1200xf32, #tpu.memory_space<vmem>>, vector<16xf32>,
      %add3A_176 = arith.constant 160 : i32
      %add3A_177 = arith.addi %mul3A_13, %add3A_176 : i32
      %get3A_178 = arith.index_cast %add3A_177 : i32 to index
      %get3A_179 = tpu.vector_load %arg9[%get3A_178] {strides = array<i32>} : memref<6400xi32, #tpu.memory_space<vmem>>, vector<16xi32>,
      %gather3A_180 = tpu.vector_load_idx %arg11[%get3A_179] : memref<10000xf32, #tpu.memory_space<vmem>>[vector<16xi32>], vector<16xf32>,
      %swap3A_181 = arith.constant 160 : index
      %swap3A_182 = tpu.vector_load %arg14[%swap3A_181] {strides = array<i32>} : memref<1200xf32, #tpu.memory_space<vmem>>, vector<16xf32>,
      tpu.vector_store %arg14[%swap3A_181], %gather3A_180 {strides = array<i32>} : memref<1200xf32, #tpu.memory_space<vmem>>, vector<16xf32>,
      %gather3A_183 = tpu.vector_load_idx %arg12[%get3A_179] : memref<10000xf32, #tpu.memory_space<vmem>>[vector<16xi32>], vector<16xf32>,
      %swap3A_184 = arith.constant 560 : index
      %swap3A_185 = tpu.vector_load %arg14[%swap3A_184] {strides = array<i32>} : memref<1200xf32, #tpu.memory_space<vmem>>, vector<16xf32>,
      tpu.vector_store %arg14[%swap3A_184], %gather3A_183 {strides = array<i32>} : memref<1200xf32, #tpu.memory_space<vmem>>, vector<16xf32>,
      %gather3A_186 = tpu.vector_load_idx %arg13[%get3A_179] : memref<10000xf32, #tpu.memory_space<vmem>>[vector<16xi32>], vector<16xf32>,
      %swap3A_187 = arith.constant 960 : index
      %swap3A_188 = tpu.vector_load %arg14[%swap3A_187] {strides = array<i32>} : memref<1200xf32, #tpu.memory_space<vmem>>, vector<16xf32>,
      tpu.vector_store %arg14[%swap3A_187], %gather3A_186 {strides = array<i32>} : memref<1200xf32, #tpu.memory_space<vmem>>, vector<16xf32>,
      %add3A_189 = arith.constant 176 : i32
      %add3A_190 = arith.addi %mul3A_13, %add3A_189 : i32
      %get3A_191 = arith.index_cast %add3A_190 : i32 to index
      %get3A_192 = tpu.vector_load %arg9[%get3A_191] {strides = array<i32>} : memref<6400xi32, #tpu.memory_space<vmem>>, vector<16xi32>,
      %gather3A_193 = tpu.vector_load_idx %arg11[%get3A_192] : memref<10000xf32, #tpu.memory_space<vmem>>[vector<16xi32>], vector<16xf32>,
      %swap3A_194 = arith.constant 176 : index
      %swap3A_195 = tpu.vector_load %arg14[%swap3A_194] {strides = array<i32>} : memref<1200xf32, #tpu.memory_space<vmem>>, vector<16xf32>,
      tpu.vector_store %arg14[%swap3A_194], %gather3A_193 {strides = array<i32>} : memref<1200xf32, #tpu.memory_space<vmem>>, vector<16xf32>,
      %gather3A_196 = tpu.vector_load_idx %arg12[%get3A_192] : memref<10000xf32, #tpu.memory_space<vmem>>[vector<16xi32>], vector<16xf32>,
      %swap3A_197 = arith.constant 576 : index
      %swap3A_198 = tpu.vector_load %arg14[%swap3A_197] {strides = array<i32>} : memref<1200xf32, #tpu.memory_space<vmem>>, vector<16xf32>,
      tpu.vector_store %arg14[%swap3A_197], %gather3A_196 {strides = array<i32>} : memref<1200xf32, #tpu.memory_space<vmem>>, vector<16xf32>,
      %gather3A_199 = tpu.vector_load_idx %arg13[%get3A_192] : memref<10000xf32, #tpu.memory_space<vmem>>[vector<16xi32>], vector<16xf32>,
      %swap3A_200 = arith.constant 976 : index
      %swap3A_201 = tpu.vector_load %arg14[%swap3A_200] {strides = array<i32>} : memref<1200xf32, #tpu.memory_space<vmem>>, vector<16xf32>,
      tpu.vector_store %arg14[%swap3A_200], %gather3A_199 {strides = array<i32>} : memref<1200xf32, #tpu.memory_space<vmem>>, vector<16xf32>,
      %add3A_202 = arith.constant 192 : i32
      %add3A_203 = arith.addi %mul3A_13, %add3A_202 : i32
      %get3A_204 = arith.index_cast %add3A_203 : i32 to index
      %get3A_205 = tpu.vector_load %arg9[%get3A_204] {strides = array<i32>} : memref<6400xi32, #tpu.memory_space<vmem>>, vector<16xi32>,
      %gather3A_206 = tpu.vector_load_idx %arg11[%get3A_205] : memref<10000xf32, #tpu.memory_space<vmem>>[vector<16xi32>], vector<16xf32>,
      %swap3A_207 = arith.constant 192 : index
      %swap3A_208 = tpu.vector_load %arg14[%swap3A_207] {strides = array<i32>} : memref<1200xf32, #tpu.memory_space<vmem>>, vector<16xf32>,
      tpu.vector_store %arg14[%swap3A_207], %gather3A_206 {strides = array<i32>} : memref<1200xf32, #tpu.memory_space<vmem>>, vector<16xf32>,
      %gather3A_209 = tpu.vector_load_idx %arg12[%get3A_205] : memref<10000xf32, #tpu.memory_space<vmem>>[vector<16xi32>], vector<16xf32>,
      %swap3A_210 = arith.constant 592 : index
      %swap3A_211 = tpu.vector_load %arg14[%swap3A_210] {strides = array<i32>} : memref<1200xf32, #tpu.memory_space<vmem>>, vector<16xf32>,
      tpu.vector_store %arg14[%swap3A_210], %gather3A_209 {strides = array<i32>} : memref<1200xf32, #tpu.memory_space<vmem>>, vector<16xf32>,
      %gather3A_212 = tpu.vector_load_idx %arg13[%get3A_205] : memref<10000xf32, #tpu.memory_space<vmem>>[vector<16xi32>], vector<16xf32>,
      %swap3A_213 = arith.constant 992 : index
      %swap3A_214 = tpu.vector_load %arg14[%swap3A_213] {strides = array<i32>} : memref<1200xf32, #tpu.memory_space<vmem>>, vector<16xf32>,
      tpu.vector_store %arg14[%swap3A_213], %gather3A_212 {strides = array<i32>} : memref<1200xf32, #tpu.memory_space<vmem>>, vector<16xf32>,
      %add3A_215 = arith.constant 208 : i32
      %add3A_216 = arith.addi %mul3A_13, %add3A_215 : i32
      %get3A_217 = arith.index_cast %add3A_216 : i32 to index
      %get3A_218 = tpu.vector_load %arg9[%get3A_217] {strides = array<i32>} : memref<6400xi32, #tpu.memory_space<vmem>>, vector<16xi32>,
      %gather3A_219 = tpu.vector_load_idx %arg11[%get3A_218] : memref<10000xf32, #tpu.memory_space<vmem>>[vector<16xi32>], vector<16xf32>,
      %swap3A_220 = arith.constant 208 : index
      %swap3A_221 = tpu.vector_load %arg14[%swap3A_220] {strides = array<i32>} : memref<1200xf32, #tpu.memory_space<vmem>>, vector<16xf32>,
      tpu.vector_store %arg14[%swap3A_220], %gather3A_219 {strides = array<i32>} : memref<1200xf32, #tpu.memory_space<vmem>>, vector<16xf32>,
      %gather3A_222 = tpu.vector_load_idx %arg12[%get3A_218] : memref<10000xf32, #tpu.memory_space<vmem>>[vector<16xi32>], vector<16xf32>,
      %swap3A_223 = arith.constant 608 : index
      %swap3A_224 = tpu.vector_load %arg14[%swap3A_223] {strides = array<i32>} : memref<1200xf32, #tpu.memory_space<vmem>>, vector<16xf32>,
      tpu.vector_store %arg14[%swap3A_223], %gather3A_222 {strides = array<i32>} : memref<1200xf32, #tpu.memory_space<vmem>>, vector<16xf32>,
      %gather3A_225 = tpu.vector_load_idx %arg13[%get3A_218] : memref<10000xf32, #tpu.memory_space<vmem>>[vector<16xi32>], vector<16xf32>,
      %swap3A_226 = arith.constant 1008 : index
      %swap3A_227 = tpu.vector_load %arg14[%swap3A_226] {strides = array<i32>} : memref<1200xf32, #tpu.memory_space<vmem>>, vector<16xf32>,
      tpu.vector_store %arg14[%swap3A_226], %gather3A_225 {strides = array<i32>} : memref<1200xf32, #tpu.memory_space<vmem>>, vector<16xf32>,
      %add3A_228 = arith.constant 224 : i32
      %add3A_229 = arith.addi %mul3A_13, %add3A_228 : i32
      %get3A_230 = arith.index_cast %add3A_229 : i32 to index
      %get3A_231 = tpu.vector_load %arg9[%get3A_230] {strides = array<i32>} : memref<6400xi32, #tpu.memory_space<vmem>>, vector<16xi32>,
      %gather3A_232 = tpu.vector_load_idx %arg11[%get3A_231] : memref<10000xf32, #tpu.memory_space<vmem>>[vector<16xi32>], vector<16xf32>,
      %swap3A_233 = arith.constant 224 : index
      %swap3A_234 = tpu.vector_load %arg14[%swap3A_233] {strides = array<i32>} : memref<1200xf32, #tpu.memory_space<vmem>>, vector<16xf32>,
      tpu.vector_store %arg14[%swap3A_233], %gather3A_232 {strides = array<i32>} : memref<1200xf32, #tpu.memory_space<vmem>>, vector<16xf32>,
      %gather3A_235 = tpu.vector_load_idx %arg12[%get3A_231] : memref<10000xf32, #tpu.memory_space<vmem>>[vector<16xi32>], vector<16xf32>,
      %swap3A_236 = arith.constant 624 : index
      %swap3A_237 = tpu.vector_load %arg14[%swap3A_236] {strides = array<i32>} : memref<1200xf32, #tpu.memory_space<vmem>>, vector<16xf32>,
      tpu.vector_store %arg14[%swap3A_236], %gather3A_235 {strides = array<i32>} : memref<1200xf32, #tpu.memory_space<vmem>>, vector<16xf32>,
      %gather3A_238 = tpu.vector_load_idx %arg13[%get3A_231] : memref<10000xf32, #tpu.memory_space<vmem>>[vector<16xi32>], vector<16xf32>,
      %swap3A_239 = arith.constant 1024 : index
      %swap3A_240 = tpu.vector_load %arg14[%swap3A_239] {strides = array<i32>} : memref<1200xf32, #tpu.memory_space<vmem>>, vector<16xf32>,
      tpu.vector_store %arg14[%swap3A_239], %gather3A_238 {strides = array<i32>} : memref<1200xf32, #tpu.memory_space<vmem>>, vector<16xf32>,
      %add3A_241 = arith.constant 240 : i32
      %add3A_242 = arith.addi %mul3A_13, %add3A_241 : i32
      %get3A_243 = arith.index_cast %add3A_242 : i32 to index
      %get3A_244 = tpu.vector_load %arg9[%get3A_243] {strides = array<i32>} : memref<6400xi32, #tpu.memory_space<vmem>>, vector<16xi32>,
      %gather3A_245 = tpu.vector_load_idx %arg11[%get3A_244] : memref<10000xf32, #tpu.memory_space<vmem>>[vector<16xi32>], vector<16xf32>,
      %swap3A_246 = arith.constant 240 : index
      %swap3A_247 = tpu.vector_load %arg14[%swap3A_246] {strides = array<i32>} : memref<1200xf32, #tpu.memory_space<vmem>>, vector<16xf32>,
      tpu.vector_store %arg14[%swap3A_246], %gather3A_245 {strides = array<i32>} : memref<1200xf32, #tpu.memory_space<vmem>>, vector<16xf32>,
      %gather3A_248 = tpu.vector_load_idx %arg12[%get3A_244] : memref<10000xf32, #tpu.memory_space<vmem>>[vector<16xi32>], vector<16xf32>,
      %swap3A_249 = arith.constant 640 : index
      %swap3A_250 = tpu.vector_load %arg14[%swap3A_249] {strides = array<i32>} : memref<1200xf32, #tpu.memory_space<vmem>>, vector<16xf32>,
      tpu.vector_store %arg14[%swap3A_249], %gather3A_248 {strides = array<i32>} : memref<1200xf32, #tpu.memory_space<vmem>>, vector<16xf32>,
      %gather3A_251 = tpu.vector_load_idx %arg13[%get3A_244] : memref<10000xf32, #tpu.memory_space<vmem>>[vector<16xi32>], vector<16xf32>,
      %swap3A_252 = arith.constant 1040 : index
      %swap3A_253 = tpu.vector_load %arg14[%swap3A_252] {strides = array<i32>} : memref<1200xf32, #tpu.memory_space<vmem>>, vector<16xf32>,
      tpu.vector_store %arg14[%swap3A_252], %gather3A_251 {strides = array<i32>} : memref<1200xf32, #tpu.memory_space<vmem>>, vector<16xf32>,
      %add3A_254 = arith.constant 256 : i32
      %add3A_255 = arith.addi %mul3A_13, %add3A_254 : i32
      %get3A_256 = arith.index_cast %add3A_255 : i32 to index
      %get3A_257 = tpu.vector_load %arg9[%get3A_256] {strides = array<i32>} : memref<6400xi32, #tpu.memory_space<vmem>>, vector<16xi32>,
      %gather3A_258 = tpu.vector_load_idx %arg11[%get3A_257] : memref<10000xf32, #tpu.memory_space<vmem>>[vector<16xi32>], vector<16xf32>,
      %swap3A_259 = arith.constant 256 : index
      %swap3A_260 = tpu.vector_load %arg14[%swap3A_259] {strides = array<i32>} : memref<1200xf32, #tpu.memory_space<vmem>>, vector<16xf32>,
      tpu.vector_store %arg14[%swap3A_259], %gather3A_258 {strides = array<i32>} : memref<1200xf32, #tpu.memory_space<vmem>>, vector<16xf32>,
      %gather3A_261 = tpu.vector_load_idx %arg12[%get3A_257] : memref<10000xf32, #tpu.memory_space<vmem>>[vector<16xi32>], vector<16xf32>,
      %swap3A_262 = arith.constant 656 : index
      %swap3A_263 = tpu.vector_load %arg14[%swap3A_262] {strides = array<i32>} : memref<1200xf32, #tpu.memory_space<vmem>>, vector<16xf32>,
      tpu.vector_store %arg14[%swap3A_262], %gather3A_261 {strides = array<i32>} : memref<1200xf32, #tpu.memory_space<vmem>>, vector<16xf32>,
      %gather3A_264 = tpu.vector_load_idx %arg13[%get3A_257] : memref<10000xf32, #tpu.memory_space<vmem>>[vector<16xi32>], vector<16xf32>,
      %swap3A_265 = arith.constant 1056 : index
      %swap3A_266 = tpu.vector_load %arg14[%swap3A_265] {strides = array<i32>} : memref<1200xf32, #tpu.memory_space<vmem>>, vector<16xf32>,
      tpu.vector_store %arg14[%swap3A_265], %gather3A_264 {strides = array<i32>} : memref<1200xf32, #tpu.memory_space<vmem>>, vector<16xf32>,
      %add3A_267 = arith.constant 272 : i32
      %add3A_268 = arith.addi %mul3A_13, %add3A_267 : i32
      %get3A_269 = arith.index_cast %add3A_268 : i32 to index
      %get3A_270 = tpu.vector_load %arg9[%get3A_269] {strides = array<i32>} : memref<6400xi32, #tpu.memory_space<vmem>>, vector<16xi32>,
      %gather3A_271 = tpu.vector_load_idx %arg11[%get3A_270] : memref<10000xf32, #tpu.memory_space<vmem>>[vector<16xi32>], vector<16xf32>,
      %swap3A_272 = arith.constant 272 : index
      %swap3A_273 = tpu.vector_load %arg14[%swap3A_272] {strides = array<i32>} : memref<1200xf32, #tpu.memory_space<vmem>>, vector<16xf32>,
      tpu.vector_store %arg14[%swap3A_272], %gather3A_271 {strides = array<i32>} : memref<1200xf32, #tpu.memory_space<vmem>>, vector<16xf32>,
      %gather3A_274 = tpu.vector_load_idx %arg12[%get3A_270] : memref<10000xf32, #tpu.memory_space<vmem>>[vector<16xi32>], vector<16xf32>,
      %swap3A_275 = arith.constant 672 : index
      %swap3A_276 = tpu.vector_load %arg14[%swap3A_275] {strides = array<i32>} : memref<1200xf32, #tpu.memory_space<vmem>>, vector<16xf32>,
      tpu.vector_store %arg14[%swap3A_275], %gather3A_274 {strides = array<i32>} : memref<1200xf32, #tpu.memory_space<vmem>>, vector<16xf32>,
      %gather3A_277 = tpu.vector_load_idx %arg13[%get3A_270] : memref<10000xf32, #tpu.memory_space<vmem>>[vector<16xi32>], vector<16xf32>,
      %swap3A_278 = arith.constant 1072 : index
      %swap3A_279 = tpu.vector_load %arg14[%swap3A_278] {strides = array<i32>} : memref<1200xf32, #tpu.memory_space<vmem>>, vector<16xf32>,
      tpu.vector_store %arg14[%swap3A_278], %gather3A_277 {strides = array<i32>} : memref<1200xf32, #tpu.memory_space<vmem>>, vector<16xf32>,
      %add3A_280 = arith.constant 288 : i32
      %add3A_281 = arith.addi %mul3A_13, %add3A_280 : i32
      %get3A_282 = arith.index_cast %add3A_281 : i32 to index
      %get3A_283 = tpu.vector_load %arg9[%get3A_282] {strides = array<i32>} : memref<6400xi32, #tpu.memory_space<vmem>>, vector<16xi32>,
      %gather3A_284 = tpu.vector_load_idx %arg11[%get3A_283] : memref<10000xf32, #tpu.memory_space<vmem>>[vector<16xi32>], vector<16xf32>,
      %swap3A_285 = arith.constant 288 : index
      %swap3A_286 = tpu.vector_load %arg14[%swap3A_285] {strides = array<i32>} : memref<1200xf32, #tpu.memory_space<vmem>>, vector<16xf32>,
      tpu.vector_store %arg14[%swap3A_285], %gather3A_284 {strides = array<i32>} : memref<1200xf32, #tpu.memory_space<vmem>>, vector<16xf32>,
      %gather3A_287 = tpu.vector_load_idx %arg12[%get3A_283] : memref<10000xf32, #tpu.memory_space<vmem>>[vector<16xi32>], vector<16xf32>,
      %swap3A_288 = arith.constant 688 : index
      %swap3A_289 = tpu.vector_load %arg14[%swap3A_288] {strides = array<i32>} : memref<1200xf32, #tpu.memory_space<vmem>>, vector<16xf32>,
      tpu.vector_store %arg14[%swap3A_288], %gather3A_287 {strides = array<i32>} : memref<1200xf32, #tpu.memory_space<vmem>>, vector<16xf32>,
      %gather3A_290 = tpu.vector_load_idx %arg13[%get3A_283] : memref<10000xf32, #tpu.memory_space<vmem>>[vector<16xi32>], vector<16xf32>,
      %swap3A_291 = arith.constant 1088 : index
      %swap3A_292 = tpu.vector_load %arg14[%swap3A_291] {strides = array<i32>} : memref<1200xf32, #tpu.memory_space<vmem>>, vector<16xf32>,
      tpu.vector_store %arg14[%swap3A_291], %gather3A_290 {strides = array<i32>} : memref<1200xf32, #tpu.memory_space<vmem>>, vector<16xf32>,
      %add3A_293 = arith.constant 304 : i32
      %add3A_294 = arith.addi %mul3A_13, %add3A_293 : i32
      %get3A_295 = arith.index_cast %add3A_294 : i32 to index
      %get3A_296 = tpu.vector_load %arg9[%get3A_295] {strides = array<i32>} : memref<6400xi32, #tpu.memory_space<vmem>>, vector<16xi32>,
      %gather3A_297 = tpu.vector_load_idx %arg11[%get3A_296] : memref<10000xf32, #tpu.memory_space<vmem>>[vector<16xi32>], vector<16xf32>,
      %swap3A_298 = arith.constant 304 : index
      %swap3A_299 = tpu.vector_load %arg14[%swap3A_298] {strides = array<i32>} : memref<1200xf32, #tpu.memory_space<vmem>>, vector<16xf32>,
      tpu.vector_store %arg14[%swap3A_298], %gather3A_297 {strides = array<i32>} : memref<1200xf32, #tpu.memory_space<vmem>>, vector<16xf32>,
      %gather3A_300 = tpu.vector_load_idx %arg12[%get3A_296] : memref<10000xf32, #tpu.memory_space<vmem>>[vector<16xi32>], vector<16xf32>,
      %swap3A_301 = arith.constant 704 : index
      %swap3A_302 = tpu.vector_load %arg14[%swap3A_301] {strides = array<i32>} : memref<1200xf32, #tpu.memory_space<vmem>>, vector<16xf32>,
      tpu.vector_store %arg14[%swap3A_301], %gather3A_300 {strides = array<i32>} : memref<1200xf32, #tpu.memory_space<vmem>>, vector<16xf32>,
      %gather3A_303 = tpu.vector_load_idx %arg13[%get3A_296] : memref<10000xf32, #tpu.memory_space<vmem>>[vector<16xi32>], vector<16xf32>,
      %swap3A_304 = arith.constant 1104 : index
      %swap3A_305 = tpu.vector_load %arg14[%swap3A_304] {strides = array<i32>} : memref<1200xf32, #tpu.memory_space<vmem>>, vector<16xf32>,
      tpu.vector_store %arg14[%swap3A_304], %gather3A_303 {strides = array<i32>} : memref<1200xf32, #tpu.memory_space<vmem>>, vector<16xf32>,
      %add3A_306 = arith.constant 320 : i32
      %add3A_307 = arith.addi %mul3A_13, %add3A_306 : i32
      %get3A_308 = arith.index_cast %add3A_307 : i32 to index
      %get3A_309 = tpu.vector_load %arg9[%get3A_308] {strides = array<i32>} : memref<6400xi32, #tpu.memory_space<vmem>>, vector<16xi32>,
      %gather3A_310 = tpu.vector_load_idx %arg11[%get3A_309] : memref<10000xf32, #tpu.memory_space<vmem>>[vector<16xi32>], vector<16xf32>,
      %swap3A_311 = arith.constant 320 : index
      %swap3A_312 = tpu.vector_load %arg14[%swap3A_311] {strides = array<i32>} : memref<1200xf32, #tpu.memory_space<vmem>>, vector<16xf32>,
      tpu.vector_store %arg14[%swap3A_311], %gather3A_310 {strides = array<i32>} : memref<1200xf32, #tpu.memory_space<vmem>>, vector<16xf32>,
      %gather3A_313 = tpu.vector_load_idx %arg12[%get3A_309] : memref<10000xf32, #tpu.memory_space<vmem>>[vector<16xi32>], vector<16xf32>,
      %swap3A_314 = arith.constant 720 : index
      %swap3A_315 = tpu.vector_load %arg14[%swap3A_314] {strides = array<i32>} : memref<1200xf32, #tpu.memory_space<vmem>>, vector<16xf32>,
      tpu.vector_store %arg14[%swap3A_314], %gather3A_313 {strides = array<i32>} : memref<1200xf32, #tpu.memory_space<vmem>>, vector<16xf32>,
      %gather3A_316 = tpu.vector_load_idx %arg13[%get3A_309] : memref<10000xf32, #tpu.memory_space<vmem>>[vector<16xi32>], vector<16xf32>,
      %swap3A_317 = arith.constant 1120 : index
      %swap3A_318 = tpu.vector_load %arg14[%swap3A_317] {strides = array<i32>} : memref<1200xf32, #tpu.memory_space<vmem>>, vector<16xf32>,
      tpu.vector_store %arg14[%swap3A_317], %gather3A_316 {strides = array<i32>} : memref<1200xf32, #tpu.memory_space<vmem>>, vector<16xf32>,
      %add3A_319 = arith.constant 336 : i32
      %add3A_320 = arith.addi %mul3A_13, %add3A_319 : i32
      %get3A_321 = arith.index_cast %add3A_320 : i32 to index
      %get3A_322 = tpu.vector_load %arg9[%get3A_321] {strides = array<i32>} : memref<6400xi32, #tpu.memory_space<vmem>>, vector<16xi32>,
      %gather3A_323 = tpu.vector_load_idx %arg11[%get3A_322] : memref<10000xf32, #tpu.memory_space<vmem>>[vector<16xi32>], vector<16xf32>,
      %swap3A_324 = arith.constant 336 : index
      %swap3A_325 = tpu.vector_load %arg14[%swap3A_324] {strides = array<i32>} : memref<1200xf32, #tpu.memory_space<vmem>>, vector<16xf32>,
      tpu.vector_store %arg14[%swap3A_324], %gather3A_323 {strides = array<i32>} : memref<1200xf32, #tpu.memory_space<vmem>>, vector<16xf32>,
      %gather3A_326 = tpu.vector_load_idx %arg12[%get3A_322] : memref<10000xf32, #tpu.memory_space<vmem>>[vector<16xi32>], vector<16xf32>,
      %swap3A_327 = arith.constant 736 : index
      %swap3A_328 = tpu.vector_load %arg14[%swap3A_327] {strides = array<i32>} : memref<1200xf32, #tpu.memory_space<vmem>>, vector<16xf32>,
      tpu.vector_store %arg14[%swap3A_327], %gather3A_326 {strides = array<i32>} : memref<1200xf32, #tpu.memory_space<vmem>>, vector<16xf32>,
      %gather3A_329 = tpu.vector_load_idx %arg13[%get3A_322] : memref<10000xf32, #tpu.memory_space<vmem>>[vector<16xi32>], vector<16xf32>,
      %swap3A_330 = arith.constant 1136 : index
      %swap3A_331 = tpu.vector_load %arg14[%swap3A_330] {strides = array<i32>} : memref<1200xf32, #tpu.memory_space<vmem>>, vector<16xf32>,
      tpu.vector_store %arg14[%swap3A_330], %gather3A_329 {strides = array<i32>} : memref<1200xf32, #tpu.memory_space<vmem>>, vector<16xf32>,
      %add3A_332 = arith.constant 352 : i32
      %add3A_333 = arith.addi %mul3A_13, %add3A_332 : i32
      %get3A_334 = arith.index_cast %add3A_333 : i32 to index
      %get3A_335 = tpu.vector_load %arg9[%get3A_334] {strides = array<i32>} : memref<6400xi32, #tpu.memory_space<vmem>>, vector<16xi32>,
      %gather3A_336 = tpu.vector_load_idx %arg11[%get3A_335] : memref<10000xf32, #tpu.memory_space<vmem>>[vector<16xi32>], vector<16xf32>,
      %swap3A_337 = arith.constant 352 : index
      %swap3A_338 = tpu.vector_load %arg14[%swap3A_337] {strides = array<i32>} : memref<1200xf32, #tpu.memory_space<vmem>>, vector<16xf32>,
      tpu.vector_store %arg14[%swap3A_337], %gather3A_336 {strides = array<i32>} : memref<1200xf32, #tpu.memory_space<vmem>>, vector<16xf32>,
      %gather3A_339 = tpu.vector_load_idx %arg12[%get3A_335] : memref<10000xf32, #tpu.memory_space<vmem>>[vector<16xi32>], vector<16xf32>,
      %swap3A_340 = arith.constant 752 : index
      %swap3A_341 = tpu.vector_load %arg14[%swap3A_340] {strides = array<i32>} : memref<1200xf32, #tpu.memory_space<vmem>>, vector<16xf32>,
      tpu.vector_store %arg14[%swap3A_340], %gather3A_339 {strides = array<i32>} : memref<1200xf32, #tpu.memory_space<vmem>>, vector<16xf32>,
      %gather3A_342 = tpu.vector_load_idx %arg13[%get3A_335] : memref<10000xf32, #tpu.memory_space<vmem>>[vector<16xi32>], vector<16xf32>,
      %swap3A_343 = arith.constant 1152 : index
      %swap3A_344 = tpu.vector_load %arg14[%swap3A_343] {strides = array<i32>} : memref<1200xf32, #tpu.memory_space<vmem>>, vector<16xf32>,
      tpu.vector_store %arg14[%swap3A_343], %gather3A_342 {strides = array<i32>} : memref<1200xf32, #tpu.memory_space<vmem>>, vector<16xf32>,
      %add3A_345 = arith.constant 368 : i32
      %add3A_346 = arith.addi %mul3A_13, %add3A_345 : i32
      %get3A_347 = arith.index_cast %add3A_346 : i32 to index
      %get3A_348 = tpu.vector_load %arg9[%get3A_347] {strides = array<i32>} : memref<6400xi32, #tpu.memory_space<vmem>>, vector<16xi32>,
      %gather3A_349 = tpu.vector_load_idx %arg11[%get3A_348] : memref<10000xf32, #tpu.memory_space<vmem>>[vector<16xi32>], vector<16xf32>,
      %swap3A_350 = arith.constant 368 : index
      %swap3A_351 = tpu.vector_load %arg14[%swap3A_350] {strides = array<i32>} : memref<1200xf32, #tpu.memory_space<vmem>>, vector<16xf32>,
      tpu.vector_store %arg14[%swap3A_350], %gather3A_349 {strides = array<i32>} : memref<1200xf32, #tpu.memory_space<vmem>>, vector<16xf32>,
      %gather3A_352 = tpu.vector_load_idx %arg12[%get3A_348] : memref<10000xf32, #tpu.memory_space<vmem>>[vector<16xi32>], vector<16xf32>,
      %swap3A_353 = arith.constant 768 : index
      %swap3A_354 = tpu.vector_load %arg14[%swap3A_353] {strides = array<i32>} : memref<1200xf32, #tpu.memory_space<vmem>>, vector<16xf32>,
      tpu.vector_store %arg14[%swap3A_353], %gather3A_352 {strides = array<i32>} : memref<1200xf32, #tpu.memory_space<vmem>>, vector<16xf32>,
      %gather3A_355 = tpu.vector_load_idx %arg13[%get3A_348] : memref<10000xf32, #tpu.memory_space<vmem>>[vector<16xi32>], vector<16xf32>,
      %swap3A_356 = arith.constant 1168 : index
      %swap3A_357 = tpu.vector_load %arg14[%swap3A_356] {strides = array<i32>} : memref<1200xf32, #tpu.memory_space<vmem>>, vector<16xf32>,
      tpu.vector_store %arg14[%swap3A_356], %gather3A_355 {strides = array<i32>} : memref<1200xf32, #tpu.memory_space<vmem>>, vector<16xf32>,
      %add3A_358 = arith.constant 384 : i32
      %add3A_359 = arith.addi %mul3A_13, %add3A_358 : i32
      %get3A_360 = arith.index_cast %add3A_359 : i32 to index
      %get3A_361 = tpu.vector_load %arg9[%get3A_360] {strides = array<i32>} : memref<6400xi32, #tpu.memory_space<vmem>>, vector<16xi32>,
      %gather3A_362 = tpu.vector_load_idx %arg11[%get3A_361] : memref<10000xf32, #tpu.memory_space<vmem>>[vector<16xi32>], vector<16xf32>,
      %swap3A_363 = arith.constant 384 : index
      %swap3A_364 = tpu.vector_load %arg14[%swap3A_363] {strides = array<i32>} : memref<1200xf32, #tpu.memory_space<vmem>>, vector<16xf32>,
      tpu.vector_store %arg14[%swap3A_363], %gather3A_362 {strides = array<i32>} : memref<1200xf32, #tpu.memory_space<vmem>>, vector<16xf32>,
      %gather3A_365 = tpu.vector_load_idx %arg12[%get3A_361] : memref<10000xf32, #tpu.memory_space<vmem>>[vector<16xi32>], vector<16xf32>,
      %swap3A_366 = arith.constant 784 : index
      %swap3A_367 = tpu.vector_load %arg14[%swap3A_366] {strides = array<i32>} : memref<1200xf32, #tpu.memory_space<vmem>>, vector<16xf32>,
      tpu.vector_store %arg14[%swap3A_366], %gather3A_365 {strides = array<i32>} : memref<1200xf32, #tpu.memory_space<vmem>>, vector<16xf32>,
      %gather3A_368 = tpu.vector_load_idx %arg13[%get3A_361] : memref<10000xf32, #tpu.memory_space<vmem>>[vector<16xi32>], vector<16xf32>,
      %swap3A_369 = arith.constant 1184 : index
      %swap3A_370 = tpu.vector_load %arg14[%swap3A_369] {strides = array<i32>} : memref<1200xf32, #tpu.memory_space<vmem>>, vector<16xf32>,
      tpu.vector_store %arg14[%swap3A_369], %gather3A_368 {strides = array<i32>} : memref<1200xf32, #tpu.memory_space<vmem>>, vector<16xf32>,
      %mul3A_371 = arith.constant 3 : i32
      %mul3A_372 = arith.muli %add3A_11, %mul3A_371 : i32
      "tpu.region"() ({
        %run_scoped3A = tpu.sem_alloc : memref<!tpu.dma_semaphore, #tpu.memory_space<semaphore_mem>>
        %dma_start3A_400 = tpu.memref_slice %arg8[%mul3A_372] : memref<614400xf32, #tpu.memory_space<hbm>> -> memref<1200xf32, #tpu.memory_space<hbm>>
        %dma_start3A_401 = tpu.memref_slice %arg8[%mul3A_372] : memref<614400xf32, #tpu.memory_space<hbm>> -> memref<1200xf32, #tpu.memory_space<hbm>>
        tpu.enqueue_dma source(%arg14 : memref<1200xf32, #tpu.memory_space<vmem>>) target(%dma_start3A_401 : memref<1200xf32, #tpu.memory_space<hbm>>) target_semaphore(%run_scoped3A : memref<!tpu.dma_semaphore, #tpu.memory_space<semaphore_mem>>)
        %dma_wait3A_402 = tpu.memref_slice %arg8[%mul3A_372] : memref<614400xf32, #tpu.memory_space<hbm>> -> memref<1200xf32, #tpu.memory_space<hbm>>
        %dma_wait3A_403 = tpu.memref_slice %arg8[%mul3A_372] : memref<614400xf32, #tpu.memory_space<hbm>> -> memref<1200xf32, #tpu.memory_space<hbm>>
        tpu.wait_dma2 semaphore(%run_scoped3A : memref<!tpu.dma_semaphore, #tpu.memory_space<semaphore_mem>>) src(%arg14 : memref<1200xf32, #tpu.memory_space<vmem>>) dst(%dma_wait3A_403 : memref<1200xf32, #tpu.memory_space<hbm>>)
        tpu.yield
      }) : () -> ()
      %dma_wait3A = arith.constant 0 : i32
      %dma_wait3A_373 = arith.constant 0 : i32
      %dma_wait3A_374 = tpu.memref_slice %arg10[%dma_wait3A, %dma_wait3A_373] : memref<400x128xf32, #tpu.memory_space<vmem>> -> memref<128x128xf32, #tpu.memory_space<vmem>>
      %dma_wait3A_375 = tpu.memref_slice %arg9[%add3A_15] : memref<6400xi32, #tpu.memory_space<vmem>> -> memref<128xi32, #tpu.memory_space<vmem>>
      %dma_wait3A_376 = arith.constant 0 : i32
      %dma_wait3A_377 = arith.constant 0 : i32
      %dma_wait3A_378 = tpu.memref_slice %arg2[%dma_wait3A_376, %dma_wait3A_377] : memref<10000x128xf32, #tpu.memory_space<hbm>> -> memref<10000x128xf32, #tpu.memory_space<hbm>>
      tpu.wait_indirect_dma semaphore(%arg15 : memref<!tpu.dma_semaphore, #tpu.memory_space<semaphore_mem>>) src(%dma_wait3A_378 : memref<10000x128xf32, #tpu.memory_space<hbm>>) dst(%dma_wait3A_374 : memref<128x128xf32, #tpu.memory_space<vmem>>)
      %dma_wait3A_379 = arith.constant 128 : i32
      %dma_wait3A_380 = arith.constant 0 : i32
      %dma_wait3A_381 = tpu.memref_slice %arg10[%dma_wait3A_379, %dma_wait3A_380] : memref<400x128xf32, #tpu.memory_space<vmem>> -> memref<128x128xf32, #tpu.memory_space<vmem>>
      %dma_wait3A_382 = tpu.memref_slice %arg9[%add3A_23] : memref<6400xi32, #tpu.memory_space<vmem>> -> memref<128xi32, #tpu.memory_space<vmem>>
      %dma_wait3A_383 = arith.constant 0 : i32
      %dma_wait3A_384 = arith.constant 0 : i32
      %dma_wait3A_385 = tpu.memref_slice %arg2[%dma_wait3A_383, %dma_wait3A_384] : memref<10000x128xf32, #tpu.memory_space<hbm>> -> memref<10000x128xf32, #tpu.memory_space<hbm>>
      tpu.wait_indirect_dma semaphore(%arg15 : memref<!tpu.dma_semaphore, #tpu.memory_space<semaphore_mem>>) src(%dma_wait3A_385 : memref<10000x128xf32, #tpu.memory_space<hbm>>) dst(%dma_wait3A_381 : memref<128x128xf32, #tpu.memory_space<vmem>>)
      %dma_wait3A_386 = arith.constant 256 : i32
      %dma_wait3A_387 = arith.constant 0 : i32
      %dma_wait3A_388 = tpu.memref_slice %arg10[%dma_wait3A_386, %dma_wait3A_387] : memref<400x128xf32, #tpu.memory_space<vmem>> -> memref<128x128xf32, #tpu.memory_space<vmem>>
      %dma_wait3A_389 = tpu.memref_slice %arg9[%add3A_32] : memref<6400xi32, #tpu.memory_space<vmem>> -> memref<128xi32, #tpu.memory_space<vmem>>
      %dma_wait3A_390 = arith.constant 0 : i32
      %dma_wait3A_391 = arith.constant 0 : i32
      %dma_wait3A_392 = tpu.memref_slice %arg2[%dma_wait3A_390, %dma_wait3A_391] : memref<10000x128xf32, #tpu.memory_space<hbm>> -> memref<10000x128xf32, #tpu.memory_space<hbm>>
      tpu.wait_indirect_dma semaphore(%arg15 : memref<!tpu.dma_semaphore, #tpu.memory_space<semaphore_mem>>) src(%dma_wait3A_392 : memref<10000x128xf32, #tpu.memory_space<hbm>>) dst(%dma_wait3A_388 : memref<128x128xf32, #tpu.memory_space<vmem>>)
      %dma_wait3A_393 = arith.constant 384 : i32
      %dma_wait3A_394 = arith.constant 0 : i32
      %dma_wait3A_395 = tpu.memref_slice %arg10[%dma_wait3A_393, %dma_wait3A_394] : memref<400x128xf32, #tpu.memory_space<vmem>> -> memref<16x128xf32, #tpu.memory_space<vmem>>
      %dma_wait3A_396 = tpu.memref_slice %arg9[%add3A_41] : memref<6400xi32, #tpu.memory_space<vmem>> -> memref<16xi32, #tpu.memory_space<vmem>>
      %dma_wait3A_397 = arith.constant 0 : i32
      %dma_wait3A_398 = arith.constant 0 : i32
      %dma_wait3A_399 = tpu.memref_slice %arg2[%dma_wait3A_397, %dma_wait3A_398] : memref<10000x128xf32, #tpu.memory_space<hbm>> -> memref<10000x128xf32, #tpu.memory_space<hbm>>
      tpu.wait_indirect_dma semaphore(%arg15 : memref<!tpu.dma_semaphore, #tpu.memory_space<semaphore_mem>>) src(%dma_wait3A_399 : memref<10000x128xf32, #tpu.memory_space<hbm>>) dst(%dma_wait3A_395 : memref<16x128xf32, #tpu.memory_space<vmem>>)
      "tpu.region"() ({
        %run_scoped3A = tpu.sem_alloc : memref<!tpu.dma_semaphore, #tpu.memory_space<semaphore_mem>>
        %dma_start3A_400 = arith.constant 0 : i32
        %dma_start3A_401 = tpu.memref_slice %arg7[%add3A_11, %dma_start3A_400] : memref<204800x128xf32, #tpu.memory_space<hbm>> -> memref<400x128xf32, #tpu.memory_space<hbm>>
        %dma_start3A_402 = arith.constant 0 : i32
        %dma_start3A_403 = tpu.memref_slice %arg7[%add3A_11, %dma_start3A_402] : memref<204800x128xf32, #tpu.memory_space<hbm>> -> memref<400x128xf32, #tpu.memory_space<hbm>>
        tpu.enqueue_dma source(%arg10 : memref<400x128xf32, #tpu.memory_space<vmem>>) target(%dma_start3A_403 : memref<400x128xf32, #tpu.memory_space<hbm>>) target_semaphore(%run_scoped3A : memref<!tpu.dma_semaphore, #tpu.memory_space<semaphore_mem>>)
        %dma_wait3A_404 = arith.constant 0 : i32
        %dma_wait3A_405 = tpu.memref_slice %arg7[%add3A_11, %dma_wait3A_404] : memref<204800x128xf32, #tpu.memory_space<hbm>> -> memref<400x128xf32, #tpu.memory_space<hbm>>
        %dma_wait3A_406 = arith.constant 0 : i32
        %dma_wait3A_407 = tpu.memref_slice %arg7[%add3A_11, %dma_wait3A_406] : memref<204800x128xf32, #tpu.memory_space<hbm>> -> memref<400x128xf32, #tpu.memory_space<hbm>>
        tpu.wait_dma2 semaphore(%run_scoped3A : memref<!tpu.dma_semaphore, #tpu.memory_space<semaphore_mem>>) src(%arg10 : memref<400x128xf32, #tpu.memory_space<vmem>>) dst(%dma_wait3A_407 : memref<400x128xf32, #tpu.memory_space<hbm>>)
        tpu.yield
      }) : () -> ()
    }
    %scan3A_7 = arith.constant 16 : i32
    return
  }
}

module attributes {stable_mosaic.version = 14 : i64} {
  func.func @_conv_body(%arg0: i32, %arg1: memref<200x32x128xf32, #tpu.memory_space<vmem>>, %arg2: memref<200x32xf32, #tpu.memory_space<vmem>>, %arg3: memref<200x32xf32, #tpu.memory_space<vmem>>, %arg4: memref<200x32xf32, #tpu.memory_space<vmem>>, %arg5: memref<200x3xf32, #tpu.memory_space<vmem>>, %arg6: memref<3x15xf32, #tpu.memory_space<vmem>>, %arg7: memref<1920x128xf32, #tpu.memory_space<vmem>>, %arg8: memref<200x128xf32, #tpu.memory_space<vmem>>, %arg9: memref<1x128xf32, #tpu.memory_space<vmem>>, %arg10: memref<1x128xf32, #tpu.memory_space<vmem>>) attributes {dimension_semantics = [#tpu.dimension_semantics<arbitrary>], iteration_bounds = array<i64: 32>, scalar_prefetch = 0 : i64, scratch_operands = 0 : i64, tpu.core_type = #tpu.core_type<tc>, window_params = [{transform_indices = @transform_0, window_bounds = array<i64: 200, 32, 128>}, {transform_indices = @transform_1, window_bounds = array<i64: 200, 32>}, {transform_indices = @transform_2, window_bounds = array<i64: 200, 32>}, {transform_indices = @transform_3, window_bounds = array<i64: 200, 32>}, {transform_indices = @transform_4, window_bounds = array<i64: 200, 3>}, {pipeline_mode = #tpu.pipeline_mode<synchronous>, transform_indices = @transform_5, window_bounds = array<i64: 3, 15>}, {pipeline_mode = #tpu.pipeline_mode<synchronous>, transform_indices = @transform_6, window_bounds = array<i64: 1920, 128>}, {transform_indices = @transform_7, window_bounds = array<i64: 200, 128>}, {pipeline_mode = #tpu.pipeline_mode<synchronous>, transform_indices = @transform_8, window_bounds = array<i64: 1, 128>}, {pipeline_mode = #tpu.pipeline_mode<synchronous>, transform_indices = @transform_9, window_bounds = array<i64: 1, 128>}]} {
    %get3A = arith.constant 0 : index
    %get3A_0 = arith.constant 0 : index
    %get3A_1 = vector.load %arg2[%get3A, %get3A_0] : memref<200x32xf32, #tpu.memory_space<vmem>>, vector<200x32xf32>
    %get3A_2 = arith.constant 0 : index
    %get3A_3 = arith.constant 0 : index
    %get3A_4 = vector.load %arg5[%get3A_2, %get3A_3] : memref<200x3xf32, #tpu.memory_space<vmem>>, vector<200x1xf32>
    %sub3A = vector.broadcast %get3A_4 : vector<200x1xf32> to vector<200x32xf32>
    %sub3A_5 = arith.subf %get3A_1, %sub3A : vector<200x32xf32>
    %get3A_6 = arith.constant 0 : index
    %get3A_7 = arith.constant 0 : index
    %get3A_8 = vector.load %arg3[%get3A_6, %get3A_7] : memref<200x32xf32, #tpu.memory_space<vmem>>, vector<200x32xf32>
    %get3A_9 = arith.constant 0 : index
    %get3A_10 = arith.constant 1 : index
    %get3A_11 = vector.load %arg5[%get3A_9, %get3A_10] : memref<200x3xf32, #tpu.memory_space<vmem>>, vector<200x1xf32>
    %sub3A_12 = vector.broadcast %get3A_11 : vector<200x1xf32> to vector<200x32xf32>
    %sub3A_13 = arith.subf %get3A_8, %sub3A_12 : vector<200x32xf32>
    %get3A_14 = arith.constant 0 : index
    %get3A_15 = arith.constant 0 : index
    %get3A_16 = vector.load %arg4[%get3A_14, %get3A_15] : memref<200x32xf32, #tpu.memory_space<vmem>>, vector<200x32xf32>
    %get3A_17 = arith.constant 0 : index
    %get3A_18 = arith.constant 2 : index
    %get3A_19 = vector.load %arg5[%get3A_17, %get3A_18] : memref<200x3xf32, #tpu.memory_space<vmem>>, vector<200x1xf32>
    %sub3A_20 = vector.broadcast %get3A_19 : vector<200x1xf32> to vector<200x32xf32>
    %sub3A_21 = arith.subf %get3A_16, %sub3A_20 : vector<200x32xf32>
    %reshape3A = vector.shape_cast %sub3A_5 : vector<200x32xf32> to vector<200x1x32xf32>
    %reshape3A_22 = vector.shape_cast %sub3A_13 : vector<200x32xf32> to vector<200x1x32xf32>
    %reshape3A_23 = vector.shape_cast %sub3A_21 : vector<200x32xf32> to vector<200x1x32xf32>
    %get3A_24 = arith.constant 0 : index
    %get3A_25 = arith.constant 0 : index
    %get3A_26 = vector.load %arg6[%get3A_24, %get3A_25] : memref<3x15xf32, #tpu.memory_space<vmem>>, vector<1x15xf32>
    %reshape3A_27 = vector.shape_cast %get3A_26 : vector<1x15xf32> to vector<1x15x1xf32>
    %get3A_28 = arith.constant 1 : index
    %get3A_29 = arith.constant 0 : index
    %get3A_30 = vector.load %arg6[%get3A_28, %get3A_29] : memref<3x15xf32, #tpu.memory_space<vmem>>, vector<1x15xf32>
    %reshape3A_31 = vector.shape_cast %get3A_30 : vector<1x15xf32> to vector<1x15x1xf32>
    %get3A_32 = arith.constant 2 : index
    %get3A_33 = arith.constant 0 : index
    %get3A_34 = vector.load %arg6[%get3A_32, %get3A_33] : memref<3x15xf32, #tpu.memory_space<vmem>>, vector<1x15xf32>
    %reshape3A_35 = vector.shape_cast %get3A_34 : vector<1x15xf32> to vector<1x15x1xf32>
    %sub3A_36 = vector.broadcast %reshape3A : vector<200x1x32xf32> to vector<200x15x32xf32>
    %sub3A_37 = vector.broadcast %reshape3A_27 : vector<1x15x1xf32> to vector<200x15x32xf32>
    %sub3A_38 = arith.subf %sub3A_36, %sub3A_37 : vector<200x15x32xf32>
    %integer_pow3A = arith.mulf %sub3A_38, %sub3A_38 : vector<200x15x32xf32>
    %sub3A_39 = vector.broadcast %reshape3A_22 : vector<200x1x32xf32> to vector<200x15x32xf32>
    %sub3A_40 = vector.broadcast %reshape3A_31 : vector<1x15x1xf32> to vector<200x15x32xf32>
    %sub3A_41 = arith.subf %sub3A_39, %sub3A_40 : vector<200x15x32xf32>
    %integer_pow3A_42 = arith.mulf %sub3A_41, %sub3A_41 : vector<200x15x32xf32>
    %add3A = arith.addf %integer_pow3A, %integer_pow3A_42 : vector<200x15x32xf32>
    %sub3A_43 = vector.broadcast %reshape3A_23 : vector<200x1x32xf32> to vector<200x15x32xf32>
    %sub3A_44 = vector.broadcast %reshape3A_35 : vector<1x15x1xf32> to vector<200x15x32xf32>
    %sub3A_45 = arith.subf %sub3A_43, %sub3A_44 : vector<200x15x32xf32>
    %integer_pow3A_46 = arith.mulf %sub3A_45, %sub3A_45 : vector<200x15x32xf32>
    %add3A_47 = arith.addf %add3A, %integer_pow3A_46 : vector<200x15x32xf32>
    %max3A = arith.constant 9.99999996E-13 : f32
    %max3A_48 = vector.broadcast %max3A : f32 to vector<200x15x32xf32>
    %max3A_49 = arith.maximumf %add3A_47, %max3A_48 : vector<200x15x32xf32>
    %sqrt3A = math.sqrt %max3A_49 : vector<200x15x32xf32>
    %div3A = arith.constant 5.000000e-02 : f32
    %div3A_50 = vector.broadcast %div3A : f32 to vector<200x15x32xf32>
    %div3A_51 = arith.divf %sqrt3A, %div3A_50 : vector<200x15x32xf32>
    %sub3A_52 = arith.constant 1.000000e+00 : f32
    %sub3A_53 = vector.broadcast %sub3A_52 : f32 to vector<200x15x32xf32>
    %sub3A_54 = arith.subf %sub3A_53, %div3A_51 : vector<200x15x32xf32>
    %max3A_55 = arith.constant 0.000000e+00 : f32
    %max3A_56 = vector.broadcast %max3A_55 : f32 to vector<200x15x32xf32>
    %max3A_57 = arith.maximumf %max3A_56, %sub3A_54 : vector<200x15x32xf32>
    %get3A_58 = arith.constant 0 : index
    %get3A_59 = arith.constant 0 : index
    %get3A_60 = arith.constant 0 : index
    %get3A_61 = vector.load %arg1[%get3A_58, %get3A_59, %get3A_60] : memref<200x32x128xf32, #tpu.memory_space<vmem>>, vector<200x32x128xf32>
    %dot_general3A = arith.constant dense<0.000000e+00> : vector<200x15x128xf32>
    %dot_general3A_62 = tpu.matmul %max3A_57, %get3A_61, %dot_general3A {dimension_numbers = #tpu.dot_dimension_numbers<[2], [1], [1], [2], [0, 0, 0, 1, 1, 2], [0], [0]>, transpose_lhs_hint = false} : vector<200x15x32xf32>, vector<200x32x128xf32>, vector<200x15x128xf32> -> vector<200x15x128xf32>
    %slice3A = vector.extract_strided_slice %dot_general3A_62 {offsets = [0, 0, 0], sizes = [200, 1, 128], strides = [1, 1, 1]} : vector<200x15x128xf32> to vector<200x1x128xf32>
    %squeeze3A = vector.shape_cast %slice3A : vector<200x1x128xf32> to vector<200x128xf32>
    %slice3A_63 = vector.extract_strided_slice %dot_general3A_62 {offsets = [0, 1, 0], sizes = [200, 1, 128], strides = [1, 1, 1]} : vector<200x15x128xf32> to vector<200x1x128xf32>
    %squeeze3A_64 = vector.shape_cast %slice3A_63 : vector<200x1x128xf32> to vector<200x128xf32>
    %slice3A_65 = vector.extract_strided_slice %dot_general3A_62 {offsets = [0, 2, 0], sizes = [200, 1, 128], strides = [1, 1, 1]} : vector<200x15x128xf32> to vector<200x1x128xf32>
    %squeeze3A_66 = vector.shape_cast %slice3A_65 : vector<200x1x128xf32> to vector<200x128xf32>
    %slice3A_67 = vector.extract_strided_slice %dot_general3A_62 {offsets = [0, 3, 0], sizes = [200, 1, 128], strides = [1, 1, 1]} : vector<200x15x128xf32> to vector<200x1x128xf32>
    %squeeze3A_68 = vector.shape_cast %slice3A_67 : vector<200x1x128xf32> to vector<200x128xf32>
    %slice3A_69 = vector.extract_strided_slice %dot_general3A_62 {offsets = [0, 4, 0], sizes = [200, 1, 128], strides = [1, 1, 1]} : vector<200x15x128xf32> to vector<200x1x128xf32>
    %squeeze3A_70 = vector.shape_cast %slice3A_69 : vector<200x1x128xf32> to vector<200x128xf32>
    %slice3A_71 = vector.extract_strided_slice %dot_general3A_62 {offsets = [0, 5, 0], sizes = [200, 1, 128], strides = [1, 1, 1]} : vector<200x15x128xf32> to vector<200x1x128xf32>
    %squeeze3A_72 = vector.shape_cast %slice3A_71 : vector<200x1x128xf32> to vector<200x128xf32>
    %slice3A_73 = vector.extract_strided_slice %dot_general3A_62 {offsets = [0, 6, 0], sizes = [200, 1, 128], strides = [1, 1, 1]} : vector<200x15x128xf32> to vector<200x1x128xf32>
    %squeeze3A_74 = vector.shape_cast %slice3A_73 : vector<200x1x128xf32> to vector<200x128xf32>
    %slice3A_75 = vector.extract_strided_slice %dot_general3A_62 {offsets = [0, 7, 0], sizes = [200, 1, 128], strides = [1, 1, 1]} : vector<200x15x128xf32> to vector<200x1x128xf32>
    %squeeze3A_76 = vector.shape_cast %slice3A_75 : vector<200x1x128xf32> to vector<200x128xf32>
    %slice3A_77 = vector.extract_strided_slice %dot_general3A_62 {offsets = [0, 8, 0], sizes = [200, 1, 128], strides = [1, 1, 1]} : vector<200x15x128xf32> to vector<200x1x128xf32>
    %squeeze3A_78 = vector.shape_cast %slice3A_77 : vector<200x1x128xf32> to vector<200x128xf32>
    %slice3A_79 = vector.extract_strided_slice %dot_general3A_62 {offsets = [0, 9, 0], sizes = [200, 1, 128], strides = [1, 1, 1]} : vector<200x15x128xf32> to vector<200x1x128xf32>
    %squeeze3A_80 = vector.shape_cast %slice3A_79 : vector<200x1x128xf32> to vector<200x128xf32>
    %slice3A_81 = vector.extract_strided_slice %dot_general3A_62 {offsets = [0, 10, 0], sizes = [200, 1, 128], strides = [1, 1, 1]} : vector<200x15x128xf32> to vector<200x1x128xf32>
    %squeeze3A_82 = vector.shape_cast %slice3A_81 : vector<200x1x128xf32> to vector<200x128xf32>
    %slice3A_83 = vector.extract_strided_slice %dot_general3A_62 {offsets = [0, 11, 0], sizes = [200, 1, 128], strides = [1, 1, 1]} : vector<200x15x128xf32> to vector<200x1x128xf32>
    %squeeze3A_84 = vector.shape_cast %slice3A_83 : vector<200x1x128xf32> to vector<200x128xf32>
    %slice3A_85 = vector.extract_strided_slice %dot_general3A_62 {offsets = [0, 12, 0], sizes = [200, 1, 128], strides = [1, 1, 1]} : vector<200x15x128xf32> to vector<200x1x128xf32>
    %squeeze3A_86 = vector.shape_cast %slice3A_85 : vector<200x1x128xf32> to vector<200x128xf32>
    %slice3A_87 = vector.extract_strided_slice %dot_general3A_62 {offsets = [0, 13, 0], sizes = [200, 1, 128], strides = [1, 1, 1]} : vector<200x15x128xf32> to vector<200x1x128xf32>
    %squeeze3A_88 = vector.shape_cast %slice3A_87 : vector<200x1x128xf32> to vector<200x128xf32>
    %slice3A_89 = vector.extract_strided_slice %dot_general3A_62 {offsets = [0, 14, 0], sizes = [200, 1, 128], strides = [1, 1, 1]} : vector<200x15x128xf32> to vector<200x1x128xf32>
    %squeeze3A_90 = vector.shape_cast %slice3A_89 : vector<200x1x128xf32> to vector<200x128xf32>
    %concatenate3A = tpu.concatenate %squeeze3A, %squeeze3A_64, %squeeze3A_66, %squeeze3A_68, %squeeze3A_70, %squeeze3A_72, %squeeze3A_74, %squeeze3A_76, %squeeze3A_78, %squeeze3A_80, %squeeze3A_82, %squeeze3A_84, %squeeze3A_86, %squeeze3A_88, %squeeze3A_90 in 1 : vector<200x128xf32>, vector<200x128xf32>, vector<200x128xf32>, vector<200x128xf32>, vector<200x128xf32>, vector<200x128xf32>, vector<200x128xf32>, vector<200x128xf32>, vector<200x128xf32>, vector<200x128xf32>, vector<200x128xf32>, vector<200x128xf32>, vector<200x128xf32>, vector<200x128xf32>, vector<200x128xf32> -> vector<200x1920xf32>
    %get3A_91 = arith.constant 0 : index
    %get3A_92 = arith.constant 0 : index
    %get3A_93 = vector.load %arg7[%get3A_91, %get3A_92] : memref<1920x128xf32, #tpu.memory_space<vmem>>, vector<1920x128xf32>
    %dot_general3A_94 = arith.constant dense<0.000000e+00> : vector<200x128xf32>
    %dot_general3A_95 = tpu.matmul %concatenate3A, %get3A_93, %dot_general3A_94 {dimension_numbers = #tpu.dot_dimension_numbers<[1], [0], [0], [1], [0, 0, 1, 1], [], []>, transpose_lhs_hint = false} : vector<200x1920xf32>, vector<1920x128xf32>, vector<200x128xf32> -> vector<200x128xf32>
    %swap3A = arith.constant 0 : index
    %swap3A_96 = arith.constant 0 : index
    %swap3A_97 = vector.load %arg8[%swap3A, %swap3A_96] : memref<200x128xf32, #tpu.memory_space<vmem>>, vector<200x128xf32>
    tpu.vector_store %arg8[%swap3A, %swap3A_96], %dot_general3A_95 {strides = array<i32>} : memref<200x128xf32, #tpu.memory_space<vmem>>, vector<200x128xf32>,
    %eq3A = arith.constant 0 : i32
    %eq3A_98 = arith.cmpi eq, %arg0, %eq3A : i32
    %convert_element_type3A = arith.extui %eq3A_98 : i1 to i32
    %cond3A = arith.constant 0 : i32
    %cond3A_99 = arith.cmpi ne, %convert_element_type3A, %cond3A : i32
    scf.if %cond3A_99 {
      %broadcast_in_dim3A_118 = arith.constant 0.000000e+00 : f32
      %broadcast_in_dim3A_119 = vector.broadcast %broadcast_in_dim3A_118 : f32 to vector<1x128xf32>
      %swap3A_120 = arith.constant 0 : index
      %swap3A_121 = arith.constant 0 : index
      %swap3A_122 = vector.load %arg9[%swap3A_120, %swap3A_121] : memref<1x128xf32, #tpu.memory_space<vmem>>, vector<1x128xf32>
      tpu.vector_store %arg9[%swap3A_120, %swap3A_121], %broadcast_in_dim3A_119 {strides = array<i32>} : memref<1x128xf32, #tpu.memory_space<vmem>>, vector<1x128xf32>,
      %broadcast_in_dim3A_123 = arith.constant 0.000000e+00 : f32
      %broadcast_in_dim3A_124 = vector.broadcast %broadcast_in_dim3A_123 : f32 to vector<1x128xf32>
      %swap3A_125 = arith.constant 0 : index
      %swap3A_126 = arith.constant 0 : index
      %swap3A_127 = vector.load %arg10[%swap3A_125, %swap3A_126] : memref<1x128xf32, #tpu.memory_space<vmem>>, vector<1x128xf32>
      tpu.vector_store %arg10[%swap3A_125, %swap3A_126], %broadcast_in_dim3A_124 {strides = array<i32>} : memref<1x128xf32, #tpu.memory_space<vmem>>, vector<1x128xf32>,
    } else {
    }
    %get3A_100 = arith.constant 0 : index
    %get3A_101 = arith.constant 0 : index
    %get3A_102 = vector.load %arg9[%get3A_100, %get3A_101] : memref<1x128xf32, #tpu.memory_space<vmem>>, vector<1x128xf32>
    %reduce_sum3A = arith.constant dense<0.000000e+00> : vector<128xf32>
    %reduce_sum3A_103 = vector.multi_reduction <add>, %dot_general3A_95, %reduce_sum3A [0] : vector<200x128xf32> to vector<128xf32>
    %broadcast_in_dim3A = vector.shape_cast %reduce_sum3A_103 : vector<128xf32> to vector<1x128xf32>
    %add3A_104 = arith.addf %get3A_102, %broadcast_in_dim3A : vector<1x128xf32>
    %swap3A_105 = arith.constant 0 : index
    %swap3A_106 = arith.constant 0 : index
    %swap3A_107 = vector.load %arg9[%swap3A_105, %swap3A_106] : memref<1x128xf32, #tpu.memory_space<vmem>>, vector<1x128xf32>
    tpu.vector_store %arg9[%swap3A_105, %swap3A_106], %add3A_104 {strides = array<i32>} : memref<1x128xf32, #tpu.memory_space<vmem>>, vector<1x128xf32>,
    %get3A_108 = arith.constant 0 : index
    %get3A_109 = arith.constant 0 : index
    %get3A_110 = vector.load %arg10[%get3A_108, %get3A_109] : memref<1x128xf32, #tpu.memory_space<vmem>>, vector<1x128xf32>
    %mul3A = arith.mulf %dot_general3A_95, %dot_general3A_95 : vector<200x128xf32>
    %reduce_sum3A_111 = arith.constant dense<0.000000e+00> : vector<128xf32>
    %reduce_sum3A_112 = vector.multi_reduction <add>, %mul3A, %reduce_sum3A_111 [0] : vector<200x128xf32> to vector<128xf32>
    %broadcast_in_dim3A_113 = vector.shape_cast %reduce_sum3A_112 : vector<128xf32> to vector<1x128xf32>
    %add3A_114 = arith.addf %get3A_110, %broadcast_in_dim3A_113 : vector<1x128xf32>
    %swap3A_115 = arith.constant 0 : index
    %swap3A_116 = arith.constant 0 : index
    %swap3A_117 = vector.load %arg10[%swap3A_115, %swap3A_116] : memref<1x128xf32, #tpu.memory_space<vmem>>, vector<1x128xf32>
    tpu.vector_store %arg10[%swap3A_115, %swap3A_116], %add3A_114 {strides = array<i32>} : memref<1x128xf32, #tpu.memory_space<vmem>>, vector<1x128xf32>,
    return
  }
  func.func @transform_0(%arg0: i32) -> (i32, i32, i32) {
    %c0_i32 = arith.constant 0 : i32
    %c0_i32_0 = arith.constant 0 : i32
    %c0_i32_1 = arith.constant 0 : i32
    return %arg0, %c0_i32, %c0_i32_0 : i32, i32, i32
  }
  func.func @transform_1(%arg0: i32) -> (i32, i32) {
    %c0_i32 = arith.constant 0 : i32
    %c0_i32_0 = arith.constant 0 : i32
    return %arg0, %c0_i32 : i32, i32
  }
  func.func @transform_2(%arg0: i32) -> (i32, i32) {
    %c0_i32 = arith.constant 0 : i32
    %c0_i32_0 = arith.constant 0 : i32
    return %arg0, %c0_i32 : i32, i32
  }
  func.func @transform_3(%arg0: i32) -> (i32, i32) {
    %c0_i32 = arith.constant 0 : i32
    %c0_i32_0 = arith.constant 0 : i32
    return %arg0, %c0_i32 : i32, i32
  }
  func.func @transform_4(%arg0: i32) -> (i32, i32) {
    %c0_i32 = arith.constant 0 : i32
    %c0_i32_0 = arith.constant 0 : i32
    return %arg0, %c0_i32 : i32, i32
  }
  func.func @transform_5(%arg0: i32) -> (i32, i32) {
    %c0_i32 = arith.constant 0 : i32
    %c0_i32_0 = arith.constant 0 : i32
    %c0_i32_1 = arith.constant 0 : i32
    return %c0_i32, %c0_i32_0 : i32, i32
  }
  func.func @transform_6(%arg0: i32) -> (i32, i32) {
    %c0_i32 = arith.constant 0 : i32
    %c0_i32_0 = arith.constant 0 : i32
    %c0_i32_1 = arith.constant 0 : i32
    return %c0_i32, %c0_i32_0 : i32, i32
  }
  func.func @transform_7(%arg0: i32) -> (i32, i32) {
    %c0_i32 = arith.constant 0 : i32
    %c0_i32_0 = arith.constant 0 : i32
    return %arg0, %c0_i32 : i32, i32
  }
  func.func @transform_8(%arg0: i32) -> (i32, i32) {
    %c0_i32 = arith.constant 0 : i32
    %c0_i32_0 = arith.constant 0 : i32
    %c0_i32_1 = arith.constant 0 : i32
    return %c0_i32, %c0_i32_0 : i32, i32
  }
  func.func @transform_9(%arg0: i32) -> (i32, i32) {
    %c0_i32 = arith.constant 0 : i32
    %c0_i32_0 = arith.constant 0 : i32
    %c0_i32_1 = arith.constant 0 : i32
    return %c0_i32, %c0_i32_0 : i32, i32
  }
}

module attributes {stable_mosaic.version = 14 : i64} {
  func.func @_conv_body(%arg0: i32, %arg1: memref<200x32x128xf32, #tpu.memory_space<vmem>>, %arg2: memref<200x32xf32, #tpu.memory_space<vmem>>, %arg3: memref<200x32xf32, #tpu.memory_space<vmem>>, %arg4: memref<200x32xf32, #tpu.memory_space<vmem>>, %arg5: memref<200x3xf32, #tpu.memory_space<vmem>>, %arg6: memref<3x15xf32, #tpu.memory_space<vmem>>, %arg7: memref<1920x128xf32, #tpu.memory_space<vmem>>, %arg8: memref<200x128xf32, #tpu.memory_space<vmem>>, %arg9: memref<1x128xf32, #tpu.memory_space<vmem>>, %arg10: memref<1x128xf32, #tpu.memory_space<vmem>>) attributes {dimension_semantics = [#tpu.dimension_semantics<arbitrary>], iteration_bounds = array<i64: 18>, scalar_prefetch = 0 : i64, scratch_operands = 0 : i64, tpu.core_type = #tpu.core_type<tc>, window_params = [{transform_indices = @transform_0, window_bounds = array<i64: 200, 32, 128>}, {transform_indices = @transform_1, window_bounds = array<i64: 200, 32>}, {transform_indices = @transform_2, window_bounds = array<i64: 200, 32>}, {transform_indices = @transform_3, window_bounds = array<i64: 200, 32>}, {transform_indices = @transform_4, window_bounds = array<i64: 200, 3>}, {pipeline_mode = #tpu.pipeline_mode<synchronous>, transform_indices = @transform_5, window_bounds = array<i64: 3, 15>}, {pipeline_mode = #tpu.pipeline_mode<synchronous>, transform_indices = @transform_6, window_bounds = array<i64: 1920, 128>}, {transform_indices = @transform_7, window_bounds = array<i64: 200, 128>}, {pipeline_mode = #tpu.pipeline_mode<synchronous>, transform_indices = @transform_8, window_bounds = array<i64: 1, 128>}, {pipeline_mode = #tpu.pipeline_mode<synchronous>, transform_indices = @transform_9, window_bounds = array<i64: 1, 128>}]} {
    %get3A = arith.constant 0 : index
    %get3A_0 = arith.constant 0 : index
    %get3A_1 = vector.load %arg2[%get3A, %get3A_0] : memref<200x32xf32, #tpu.memory_space<vmem>>, vector<200x32xf32>
    %get3A_2 = arith.constant 0 : index
    %get3A_3 = arith.constant 0 : index
    %get3A_4 = vector.load %arg5[%get3A_2, %get3A_3] : memref<200x3xf32, #tpu.memory_space<vmem>>, vector<200x1xf32>
    %sub3A = vector.broadcast %get3A_4 : vector<200x1xf32> to vector<200x32xf32>
    %sub3A_5 = arith.subf %get3A_1, %sub3A : vector<200x32xf32>
    %get3A_6 = arith.constant 0 : index
    %get3A_7 = arith.constant 0 : index
    %get3A_8 = vector.load %arg3[%get3A_6, %get3A_7] : memref<200x32xf32, #tpu.memory_space<vmem>>, vector<200x32xf32>
    %get3A_9 = arith.constant 0 : index
    %get3A_10 = arith.constant 1 : index
    %get3A_11 = vector.load %arg5[%get3A_9, %get3A_10] : memref<200x3xf32, #tpu.memory_space<vmem>>, vector<200x1xf32>
    %sub3A_12 = vector.broadcast %get3A_11 : vector<200x1xf32> to vector<200x32xf32>
    %sub3A_13 = arith.subf %get3A_8, %sub3A_12 : vector<200x32xf32>
    %get3A_14 = arith.constant 0 : index
    %get3A_15 = arith.constant 0 : index
    %get3A_16 = vector.load %arg4[%get3A_14, %get3A_15] : memref<200x32xf32, #tpu.memory_space<vmem>>, vector<200x32xf32>
    %get3A_17 = arith.constant 0 : index
    %get3A_18 = arith.constant 2 : index
    %get3A_19 = vector.load %arg5[%get3A_17, %get3A_18] : memref<200x3xf32, #tpu.memory_space<vmem>>, vector<200x1xf32>
    %sub3A_20 = vector.broadcast %get3A_19 : vector<200x1xf32> to vector<200x32xf32>
    %sub3A_21 = arith.subf %get3A_16, %sub3A_20 : vector<200x32xf32>
    %reshape3A = vector.shape_cast %sub3A_5 : vector<200x32xf32> to vector<200x1x32xf32>
    %reshape3A_22 = vector.shape_cast %sub3A_13 : vector<200x32xf32> to vector<200x1x32xf32>
    %reshape3A_23 = vector.shape_cast %sub3A_21 : vector<200x32xf32> to vector<200x1x32xf32>
    %get3A_24 = arith.constant 0 : index
    %get3A_25 = arith.constant 0 : index
    %get3A_26 = vector.load %arg6[%get3A_24, %get3A_25] : memref<3x15xf32, #tpu.memory_space<vmem>>, vector<1x15xf32>
    %reshape3A_27 = vector.shape_cast %get3A_26 : vector<1x15xf32> to vector<1x15x1xf32>
    %get3A_28 = arith.constant 1 : index
    %get3A_29 = arith.constant 0 : index
    %get3A_30 = vector.load %arg6[%get3A_28, %get3A_29] : memref<3x15xf32, #tpu.memory_space<vmem>>, vector<1x15xf32>
    %reshape3A_31 = vector.shape_cast %get3A_30 : vector<1x15xf32> to vector<1x15x1xf32>
    %get3A_32 = arith.constant 2 : index
    %get3A_33 = arith.constant 0 : index
    %get3A_34 = vector.load %arg6[%get3A_32, %get3A_33] : memref<3x15xf32, #tpu.memory_space<vmem>>, vector<1x15xf32>
    %reshape3A_35 = vector.shape_cast %get3A_34 : vector<1x15xf32> to vector<1x15x1xf32>
    %sub3A_36 = vector.broadcast %reshape3A : vector<200x1x32xf32> to vector<200x15x32xf32>
    %sub3A_37 = vector.broadcast %reshape3A_27 : vector<1x15x1xf32> to vector<200x15x32xf32>
    %sub3A_38 = arith.subf %sub3A_36, %sub3A_37 : vector<200x15x32xf32>
    %integer_pow3A = arith.mulf %sub3A_38, %sub3A_38 : vector<200x15x32xf32>
    %sub3A_39 = vector.broadcast %reshape3A_22 : vector<200x1x32xf32> to vector<200x15x32xf32>
    %sub3A_40 = vector.broadcast %reshape3A_31 : vector<1x15x1xf32> to vector<200x15x32xf32>
    %sub3A_41 = arith.subf %sub3A_39, %sub3A_40 : vector<200x15x32xf32>
    %integer_pow3A_42 = arith.mulf %sub3A_41, %sub3A_41 : vector<200x15x32xf32>
    %add3A = arith.addf %integer_pow3A, %integer_pow3A_42 : vector<200x15x32xf32>
    %sub3A_43 = vector.broadcast %reshape3A_23 : vector<200x1x32xf32> to vector<200x15x32xf32>
    %sub3A_44 = vector.broadcast %reshape3A_35 : vector<1x15x1xf32> to vector<200x15x32xf32>
    %sub3A_45 = arith.subf %sub3A_43, %sub3A_44 : vector<200x15x32xf32>
    %integer_pow3A_46 = arith.mulf %sub3A_45, %sub3A_45 : vector<200x15x32xf32>
    %add3A_47 = arith.addf %add3A, %integer_pow3A_46 : vector<200x15x32xf32>
    %max3A = arith.constant 9.99999996E-13 : f32
    %max3A_48 = vector.broadcast %max3A : f32 to vector<200x15x32xf32>
    %max3A_49 = arith.maximumf %add3A_47, %max3A_48 : vector<200x15x32xf32>
    %sqrt3A = math.sqrt %max3A_49 : vector<200x15x32xf32>
    %div3A = arith.constant 5.000000e-02 : f32
    %div3A_50 = vector.broadcast %div3A : f32 to vector<200x15x32xf32>
    %div3A_51 = arith.divf %sqrt3A, %div3A_50 : vector<200x15x32xf32>
    %sub3A_52 = arith.constant 1.000000e+00 : f32
    %sub3A_53 = vector.broadcast %sub3A_52 : f32 to vector<200x15x32xf32>
    %sub3A_54 = arith.subf %sub3A_53, %div3A_51 : vector<200x15x32xf32>
    %max3A_55 = arith.constant 0.000000e+00 : f32
    %max3A_56 = vector.broadcast %max3A_55 : f32 to vector<200x15x32xf32>
    %max3A_57 = arith.maximumf %max3A_56, %sub3A_54 : vector<200x15x32xf32>
    %get3A_58 = arith.constant 0 : index
    %get3A_59 = arith.constant 0 : index
    %get3A_60 = arith.constant 0 : index
    %get3A_61 = vector.load %arg1[%get3A_58, %get3A_59, %get3A_60] : memref<200x32x128xf32, #tpu.memory_space<vmem>>, vector<200x32x128xf32>
    %dot_general3A = arith.constant dense<0.000000e+00> : vector<200x15x128xf32>
    %dot_general3A_62 = tpu.matmul %max3A_57, %get3A_61, %dot_general3A {dimension_numbers = #tpu.dot_dimension_numbers<[2], [1], [1], [2], [0, 0, 0, 1, 1, 2], [0], [0]>, transpose_lhs_hint = false} : vector<200x15x32xf32>, vector<200x32x128xf32>, vector<200x15x128xf32> -> vector<200x15x128xf32>
    %slice3A = vector.extract_strided_slice %dot_general3A_62 {offsets = [0, 0, 0], sizes = [200, 1, 128], strides = [1, 1, 1]} : vector<200x15x128xf32> to vector<200x1x128xf32>
    %squeeze3A = vector.shape_cast %slice3A : vector<200x1x128xf32> to vector<200x128xf32>
    %slice3A_63 = vector.extract_strided_slice %dot_general3A_62 {offsets = [0, 1, 0], sizes = [200, 1, 128], strides = [1, 1, 1]} : vector<200x15x128xf32> to vector<200x1x128xf32>
    %squeeze3A_64 = vector.shape_cast %slice3A_63 : vector<200x1x128xf32> to vector<200x128xf32>
    %slice3A_65 = vector.extract_strided_slice %dot_general3A_62 {offsets = [0, 2, 0], sizes = [200, 1, 128], strides = [1, 1, 1]} : vector<200x15x128xf32> to vector<200x1x128xf32>
    %squeeze3A_66 = vector.shape_cast %slice3A_65 : vector<200x1x128xf32> to vector<200x128xf32>
    %slice3A_67 = vector.extract_strided_slice %dot_general3A_62 {offsets = [0, 3, 0], sizes = [200, 1, 128], strides = [1, 1, 1]} : vector<200x15x128xf32> to vector<200x1x128xf32>
    %squeeze3A_68 = vector.shape_cast %slice3A_67 : vector<200x1x128xf32> to vector<200x128xf32>
    %slice3A_69 = vector.extract_strided_slice %dot_general3A_62 {offsets = [0, 4, 0], sizes = [200, 1, 128], strides = [1, 1, 1]} : vector<200x15x128xf32> to vector<200x1x128xf32>
    %squeeze3A_70 = vector.shape_cast %slice3A_69 : vector<200x1x128xf32> to vector<200x128xf32>
    %slice3A_71 = vector.extract_strided_slice %dot_general3A_62 {offsets = [0, 5, 0], sizes = [200, 1, 128], strides = [1, 1, 1]} : vector<200x15x128xf32> to vector<200x1x128xf32>
    %squeeze3A_72 = vector.shape_cast %slice3A_71 : vector<200x1x128xf32> to vector<200x128xf32>
    %slice3A_73 = vector.extract_strided_slice %dot_general3A_62 {offsets = [0, 6, 0], sizes = [200, 1, 128], strides = [1, 1, 1]} : vector<200x15x128xf32> to vector<200x1x128xf32>
    %squeeze3A_74 = vector.shape_cast %slice3A_73 : vector<200x1x128xf32> to vector<200x128xf32>
    %slice3A_75 = vector.extract_strided_slice %dot_general3A_62 {offsets = [0, 7, 0], sizes = [200, 1, 128], strides = [1, 1, 1]} : vector<200x15x128xf32> to vector<200x1x128xf32>
    %squeeze3A_76 = vector.shape_cast %slice3A_75 : vector<200x1x128xf32> to vector<200x128xf32>
    %slice3A_77 = vector.extract_strided_slice %dot_general3A_62 {offsets = [0, 8, 0], sizes = [200, 1, 128], strides = [1, 1, 1]} : vector<200x15x128xf32> to vector<200x1x128xf32>
    %squeeze3A_78 = vector.shape_cast %slice3A_77 : vector<200x1x128xf32> to vector<200x128xf32>
    %slice3A_79 = vector.extract_strided_slice %dot_general3A_62 {offsets = [0, 9, 0], sizes = [200, 1, 128], strides = [1, 1, 1]} : vector<200x15x128xf32> to vector<200x1x128xf32>
    %squeeze3A_80 = vector.shape_cast %slice3A_79 : vector<200x1x128xf32> to vector<200x128xf32>
    %slice3A_81 = vector.extract_strided_slice %dot_general3A_62 {offsets = [0, 10, 0], sizes = [200, 1, 128], strides = [1, 1, 1]} : vector<200x15x128xf32> to vector<200x1x128xf32>
    %squeeze3A_82 = vector.shape_cast %slice3A_81 : vector<200x1x128xf32> to vector<200x128xf32>
    %slice3A_83 = vector.extract_strided_slice %dot_general3A_62 {offsets = [0, 11, 0], sizes = [200, 1, 128], strides = [1, 1, 1]} : vector<200x15x128xf32> to vector<200x1x128xf32>
    %squeeze3A_84 = vector.shape_cast %slice3A_83 : vector<200x1x128xf32> to vector<200x128xf32>
    %slice3A_85 = vector.extract_strided_slice %dot_general3A_62 {offsets = [0, 12, 0], sizes = [200, 1, 128], strides = [1, 1, 1]} : vector<200x15x128xf32> to vector<200x1x128xf32>
    %squeeze3A_86 = vector.shape_cast %slice3A_85 : vector<200x1x128xf32> to vector<200x128xf32>
    %slice3A_87 = vector.extract_strided_slice %dot_general3A_62 {offsets = [0, 13, 0], sizes = [200, 1, 128], strides = [1, 1, 1]} : vector<200x15x128xf32> to vector<200x1x128xf32>
    %squeeze3A_88 = vector.shape_cast %slice3A_87 : vector<200x1x128xf32> to vector<200x128xf32>
    %slice3A_89 = vector.extract_strided_slice %dot_general3A_62 {offsets = [0, 14, 0], sizes = [200, 1, 128], strides = [1, 1, 1]} : vector<200x15x128xf32> to vector<200x1x128xf32>
    %squeeze3A_90 = vector.shape_cast %slice3A_89 : vector<200x1x128xf32> to vector<200x128xf32>
    %concatenate3A = tpu.concatenate %squeeze3A, %squeeze3A_64, %squeeze3A_66, %squeeze3A_68, %squeeze3A_70, %squeeze3A_72, %squeeze3A_74, %squeeze3A_76, %squeeze3A_78, %squeeze3A_80, %squeeze3A_82, %squeeze3A_84, %squeeze3A_86, %squeeze3A_88, %squeeze3A_90 in 1 : vector<200x128xf32>, vector<200x128xf32>, vector<200x128xf32>, vector<200x128xf32>, vector<200x128xf32>, vector<200x128xf32>, vector<200x128xf32>, vector<200x128xf32>, vector<200x128xf32>, vector<200x128xf32>, vector<200x128xf32>, vector<200x128xf32>, vector<200x128xf32>, vector<200x128xf32>, vector<200x128xf32> -> vector<200x1920xf32>
    %get3A_91 = arith.constant 0 : index
    %get3A_92 = arith.constant 0 : index
    %get3A_93 = vector.load %arg7[%get3A_91, %get3A_92] : memref<1920x128xf32, #tpu.memory_space<vmem>>, vector<1920x128xf32>
    %dot_general3A_94 = arith.constant dense<0.000000e+00> : vector<200x128xf32>
    %dot_general3A_95 = tpu.matmul %concatenate3A, %get3A_93, %dot_general3A_94 {dimension_numbers = #tpu.dot_dimension_numbers<[1], [0], [0], [1], [0, 0, 1, 1], [], []>, transpose_lhs_hint = false} : vector<200x1920xf32>, vector<1920x128xf32>, vector<200x128xf32> -> vector<200x128xf32>
    %swap3A = arith.constant 0 : index
    %swap3A_96 = arith.constant 0 : index
    %swap3A_97 = vector.load %arg8[%swap3A, %swap3A_96] : memref<200x128xf32, #tpu.memory_space<vmem>>, vector<200x128xf32>
    tpu.vector_store %arg8[%swap3A, %swap3A_96], %dot_general3A_95 {strides = array<i32>} : memref<200x128xf32, #tpu.memory_space<vmem>>, vector<200x128xf32>,
    %eq3A = arith.constant 0 : i32
    %eq3A_98 = arith.cmpi eq, %arg0, %eq3A : i32
    %convert_element_type3A = arith.extui %eq3A_98 : i1 to i32
    %cond3A = arith.constant 0 : i32
    %cond3A_99 = arith.cmpi ne, %convert_element_type3A, %cond3A : i32
    scf.if %cond3A_99 {
      %broadcast_in_dim3A_118 = arith.constant 0.000000e+00 : f32
      %broadcast_in_dim3A_119 = vector.broadcast %broadcast_in_dim3A_118 : f32 to vector<1x128xf32>
      %swap3A_120 = arith.constant 0 : index
      %swap3A_121 = arith.constant 0 : index
      %swap3A_122 = vector.load %arg9[%swap3A_120, %swap3A_121] : memref<1x128xf32, #tpu.memory_space<vmem>>, vector<1x128xf32>
      tpu.vector_store %arg9[%swap3A_120, %swap3A_121], %broadcast_in_dim3A_119 {strides = array<i32>} : memref<1x128xf32, #tpu.memory_space<vmem>>, vector<1x128xf32>,
      %broadcast_in_dim3A_123 = arith.constant 0.000000e+00 : f32
      %broadcast_in_dim3A_124 = vector.broadcast %broadcast_in_dim3A_123 : f32 to vector<1x128xf32>
      %swap3A_125 = arith.constant 0 : index
      %swap3A_126 = arith.constant 0 : index
      %swap3A_127 = vector.load %arg10[%swap3A_125, %swap3A_126] : memref<1x128xf32, #tpu.memory_space<vmem>>, vector<1x128xf32>
      tpu.vector_store %arg10[%swap3A_125, %swap3A_126], %broadcast_in_dim3A_124 {strides = array<i32>} : memref<1x128xf32, #tpu.memory_space<vmem>>, vector<1x128xf32>,
    } else {
    }
    %get3A_100 = arith.constant 0 : index
    %get3A_101 = arith.constant 0 : index
    %get3A_102 = vector.load %arg9[%get3A_100, %get3A_101] : memref<1x128xf32, #tpu.memory_space<vmem>>, vector<1x128xf32>
    %reduce_sum3A = arith.constant dense<0.000000e+00> : vector<128xf32>
    %reduce_sum3A_103 = vector.multi_reduction <add>, %dot_general3A_95, %reduce_sum3A [0] : vector<200x128xf32> to vector<128xf32>
    %broadcast_in_dim3A = vector.shape_cast %reduce_sum3A_103 : vector<128xf32> to vector<1x128xf32>
    %add3A_104 = arith.addf %get3A_102, %broadcast_in_dim3A : vector<1x128xf32>
    %swap3A_105 = arith.constant 0 : index
    %swap3A_106 = arith.constant 0 : index
    %swap3A_107 = vector.load %arg9[%swap3A_105, %swap3A_106] : memref<1x128xf32, #tpu.memory_space<vmem>>, vector<1x128xf32>
    tpu.vector_store %arg9[%swap3A_105, %swap3A_106], %add3A_104 {strides = array<i32>} : memref<1x128xf32, #tpu.memory_space<vmem>>, vector<1x128xf32>,
    %get3A_108 = arith.constant 0 : index
    %get3A_109 = arith.constant 0 : index
    %get3A_110 = vector.load %arg10[%get3A_108, %get3A_109] : memref<1x128xf32, #tpu.memory_space<vmem>>, vector<1x128xf32>
    %mul3A = arith.mulf %dot_general3A_95, %dot_general3A_95 : vector<200x128xf32>
    %reduce_sum3A_111 = arith.constant dense<0.000000e+00> : vector<128xf32>
    %reduce_sum3A_112 = vector.multi_reduction <add>, %mul3A, %reduce_sum3A_111 [0] : vector<200x128xf32> to vector<128xf32>
    %broadcast_in_dim3A_113 = vector.shape_cast %reduce_sum3A_112 : vector<128xf32> to vector<1x128xf32>
    %add3A_114 = arith.addf %get3A_110, %broadcast_in_dim3A_113 : vector<1x128xf32>
    %swap3A_115 = arith.constant 0 : index
    %swap3A_116 = arith.constant 0 : index
    %swap3A_117 = vector.load %arg10[%swap3A_115, %swap3A_116] : memref<1x128xf32, #tpu.memory_space<vmem>>, vector<1x128xf32>
    tpu.vector_store %arg10[%swap3A_115, %swap3A_116], %add3A_114 {strides = array<i32>} : memref<1x128xf32, #tpu.memory_space<vmem>>, vector<1x128xf32>,
    return
  }
  func.func @transform_0(%arg0: i32) -> (i32, i32, i32) {
    %c0_i32 = arith.constant 0 : i32
    %c0_i32_0 = arith.constant 0 : i32
    %c0_i32_1 = arith.constant 0 : i32
    return %arg0, %c0_i32, %c0_i32_0 : i32, i32, i32
  }
  func.func @transform_1(%arg0: i32) -> (i32, i32) {
    %c0_i32 = arith.constant 0 : i32
    %c0_i32_0 = arith.constant 0 : i32
    return %arg0, %c0_i32 : i32, i32
  }
  func.func @transform_2(%arg0: i32) -> (i32, i32) {
    %c0_i32 = arith.constant 0 : i32
    %c0_i32_0 = arith.constant 0 : i32
    return %arg0, %c0_i32 : i32, i32
  }
  func.func @transform_3(%arg0: i32) -> (i32, i32) {
    %c0_i32 = arith.constant 0 : i32
    %c0_i32_0 = arith.constant 0 : i32
    return %arg0, %c0_i32 : i32, i32
  }
  func.func @transform_4(%arg0: i32) -> (i32, i32) {
    %c0_i32 = arith.constant 0 : i32
    %c0_i32_0 = arith.constant 0 : i32
    return %arg0, %c0_i32 : i32, i32
  }
  func.func @transform_5(%arg0: i32) -> (i32, i32) {
    %c0_i32 = arith.constant 0 : i32
    %c0_i32_0 = arith.constant 0 : i32
    %c0_i32_1 = arith.constant 0 : i32
    return %c0_i32, %c0_i32_0 : i32, i32
  }
  func.func @transform_6(%arg0: i32) -> (i32, i32) {
    %c0_i32 = arith.constant 0 : i32
    %c0_i32_0 = arith.constant 0 : i32
    %c0_i32_1 = arith.constant 0 : i32
    return %c0_i32, %c0_i32_0 : i32, i32
  }
  func.func @transform_7(%arg0: i32) -> (i32, i32) {
    %c0_i32 = arith.constant 0 : i32
    %c0_i32_0 = arith.constant 0 : i32
    return %arg0, %c0_i32 : i32, i32
  }
  func.func @transform_8(%arg0: i32) -> (i32, i32) {
    %c0_i32 = arith.constant 0 : i32
    %c0_i32_0 = arith.constant 0 : i32
    %c0_i32_1 = arith.constant 0 : i32
    return %c0_i32, %c0_i32_0 : i32, i32
  }
  func.func @transform_9(%arg0: i32) -> (i32, i32) {
    %c0_i32 = arith.constant 0 : i32
    %c0_i32_0 = arith.constant 0 : i32
    %c0_i32_1 = arith.constant 0 : i32
    return %c0_i32, %c0_i32_0 : i32, i32
  }
}

module attributes {stable_mosaic.version = 14 : i64} {
  func.func @_bn_body(%arg0: i32, %arg1: memref<2000x128xf32, #tpu.memory_space<vmem>>, %arg2: memref<1x128xf32, #tpu.memory_space<vmem>>, %arg3: memref<1x128xf32, #tpu.memory_space<vmem>>, %arg4: memref<1x128xf32, #tpu.memory_space<vmem>>, %arg5: memref<1x128xf32, #tpu.memory_space<vmem>>, %arg6: memref<2000x128xf32, #tpu.memory_space<vmem>>) attributes {dimension_semantics = [#tpu.dimension_semantics<arbitrary>], iteration_bounds = array<i64: 5>, scalar_prefetch = 0 : i64, scratch_operands = 0 : i64, tpu.core_type = #tpu.core_type<tc>, window_params = [{transform_indices = @transform_0, window_bounds = array<i64: 2000, 128>}, {pipeline_mode = #tpu.pipeline_mode<synchronous>, transform_indices = @transform_1, window_bounds = array<i64: 1, 128>}, {pipeline_mode = #tpu.pipeline_mode<synchronous>, transform_indices = @transform_2, window_bounds = array<i64: 1, 128>}, {pipeline_mode = #tpu.pipeline_mode<synchronous>, transform_indices = @transform_3, window_bounds = array<i64: 1, 128>}, {pipeline_mode = #tpu.pipeline_mode<synchronous>, transform_indices = @transform_4, window_bounds = array<i64: 1, 128>}, {transform_indices = @transform_5, window_bounds = array<i64: 2000, 128>}]} {
    %get3A = arith.constant 0 : index
    %get3A_0 = arith.constant 0 : index
    %get3A_1 = vector.load %arg2[%get3A, %get3A_0] : memref<1x128xf32, #tpu.memory_space<vmem>>, vector<1x128xf32>
    %mul3A = arith.constant 9.99999974E-5 : f32
    %mul3A_2 = vector.broadcast %mul3A : f32 to vector<1x128xf32>
    %mul3A_3 = arith.mulf %get3A_1, %mul3A_2 : vector<1x128xf32>
    %get3A_4 = arith.constant 0 : index
    %get3A_5 = arith.constant 0 : index
    %get3A_6 = vector.load %arg3[%get3A_4, %get3A_5] : memref<1x128xf32, #tpu.memory_space<vmem>>, vector<1x128xf32>
    %mul3A_7 = arith.constant 9.99999974E-5 : f32
    %mul3A_8 = vector.broadcast %mul3A_7 : f32 to vector<1x128xf32>
    %mul3A_9 = arith.mulf %get3A_6, %mul3A_8 : vector<1x128xf32>
    %mul3A_10 = arith.mulf %mul3A_3, %mul3A_3 : vector<1x128xf32>
    %sub3A = arith.subf %mul3A_9, %mul3A_10 : vector<1x128xf32>
    %get3A_11 = arith.constant 0 : index
    %get3A_12 = arith.constant 0 : index
    %get3A_13 = vector.load %arg4[%get3A_11, %get3A_12] : memref<1x128xf32, #tpu.memory_space<vmem>>, vector<1x128xf32>
    %add3A = arith.constant 9.99999974E-6 : f32
    %add3A_14 = vector.broadcast %add3A : f32 to vector<1x128xf32>
    %add3A_15 = arith.addf %sub3A, %add3A_14 : vector<1x128xf32>
    %rsqrt3A = math.rsqrt %add3A_15 : vector<1x128xf32>
    %mul3A_16 = arith.mulf %get3A_13, %rsqrt3A : vector<1x128xf32>
    %get3A_17 = arith.constant 0 : index
    %get3A_18 = arith.constant 0 : index
    %get3A_19 = vector.load %arg1[%get3A_17, %get3A_18] : memref<2000x128xf32, #tpu.memory_space<vmem>>, vector<2000x128xf32>
    %sub3A_20 = vector.broadcast %mul3A_3 : vector<1x128xf32> to vector<2000x128xf32>
    %sub3A_21 = arith.subf %get3A_19, %sub3A_20 : vector<2000x128xf32>
    %mul3A_22 = vector.broadcast %mul3A_16 : vector<1x128xf32> to vector<2000x128xf32>
    %mul3A_23 = arith.mulf %sub3A_21, %mul3A_22 : vector<2000x128xf32>
    %get3A_24 = arith.constant 0 : index
    %get3A_25 = arith.constant 0 : index
    %get3A_26 = vector.load %arg5[%get3A_24, %get3A_25] : memref<1x128xf32, #tpu.memory_space<vmem>>, vector<1x128xf32>
    %add3A_27 = vector.broadcast %get3A_26 : vector<1x128xf32> to vector<2000x128xf32>
    %add3A_28 = arith.addf %mul3A_23, %add3A_27 : vector<2000x128xf32>
    %ge3A = arith.constant 0.000000e+00 : f32
    %ge3A_29 = vector.broadcast %ge3A : f32 to vector<2000x128xf32>
    %ge3A_30 = arith.cmpf oge, %add3A_28, %ge3A_29 : vector<2000x128xf32>
    %mul3A_31 = arith.constant 2.000000e-01 : f32
    %mul3A_32 = vector.broadcast %mul3A_31 : f32 to vector<2000x128xf32>
    %mul3A_33 = arith.mulf %mul3A_32, %add3A_28 : vector<2000x128xf32>
    %select_n3A = arith.select %ge3A_30, %add3A_28, %mul3A_33 : vector<2000x128xi1>, vector<2000x128xf32>
    %swap3A = arith.constant 0 : index
    %swap3A_34 = arith.constant 0 : index
    %swap3A_35 = vector.load %arg6[%swap3A, %swap3A_34] : memref<2000x128xf32, #tpu.memory_space<vmem>>, vector<2000x128xf32>
    tpu.vector_store %arg6[%swap3A, %swap3A_34], %select_n3A {strides = array<i32>} : memref<2000x128xf32, #tpu.memory_space<vmem>>, vector<2000x128xf32>,
    return
  }
  func.func @transform_0(%arg0: i32) -> (i32, i32) {
    %c0_i32 = arith.constant 0 : i32
    %c0_i32_0 = arith.constant 0 : i32
    return %arg0, %c0_i32 : i32, i32
  }
  func.func @transform_1(%arg0: i32) -> (i32, i32) {
    %c0_i32 = arith.constant 0 : i32
    %c0_i32_0 = arith.constant 0 : i32
    %c0_i32_1 = arith.constant 0 : i32
    return %c0_i32, %c0_i32_0 : i32, i32
  }
  func.func @transform_2(%arg0: i32) -> (i32, i32) {
    %c0_i32 = arith.constant 0 : i32
    %c0_i32_0 = arith.constant 0 : i32
    %c0_i32_1 = arith.constant 0 : i32
    return %c0_i32, %c0_i32_0 : i32, i32
  }
  func.func @transform_3(%arg0: i32) -> (i32, i32) {
    %c0_i32 = arith.constant 0 : i32
    %c0_i32_0 = arith.constant 0 : i32
    %c0_i32_1 = arith.constant 0 : i32
    return %c0_i32, %c0_i32_0 : i32, i32
  }
  func.func @transform_4(%arg0: i32) -> (i32, i32) {
    %c0_i32 = arith.constant 0 : i32
    %c0_i32_0 = arith.constant 0 : i32
    %c0_i32_1 = arith.constant 0 : i32
    return %c0_i32, %c0_i32_0 : i32, i32
  }
  func.func @transform_5(%arg0: i32) -> (i32, i32) {
    %c0_i32 = arith.constant 0 : i32
    %c0_i32_0 = arith.constant 0 : i32
    return %arg0, %c0_i32 : i32, i32
  }
}

</mosaic_0001>

<sc_bundles>
// kernel: kernel.10.cloned.1.call-start
scs
__scs_entry_jumppad:
0x0: {  	(pc) =	sbr.rel $0x88, $3  }
0x1: {  	(tag) =	ssettag $0x0;
	lr =	simm.s32 $0x1  }
0x2: {  	[smem:$0x3F9A] =	sst lr;
	_ =	strace $0xD0000000  }
0x3: {  	_ = 	snop  }
0x4: {  	_ = 	snop  }
0x5: {  	_ = 	snop  }
0x6: {  	_ = 	snop  }
0x7: {  	_ = 	snop  }
__scs_overlays_trampoline_lowered:
0x8: {  	[smem:$0x3FA9] =	sst s0  }
0x9: {  	[smem:$0x3FAA] =	sst s1  }
0xa: {  	[smem:$0x3FAB] =	sst s2  }
0xb: {  	[smem:$0x3FAC] =	sst s3  }
0xc: {  	[smem:$0x3FAD] =	sst s4  }
0xd: {  	[smem:$0x3FAE] =	sst s5  }
0xe: {  	[smem:$0x3FAF] =	sst s6  }
0xf: {  	[smem:$0x3FB0] =	sst s7  }
0x10: {  	[smem:$0x3FB1] =	sst s8  }
0x11: {  	[smem:$0x3FB2] =	sst s9;
	s0 =	simm.s32 @!p0 $0x0  }
0x12: {  	s1 =	sld [smem:$0x3F98];
	s0 =	simm.s32 @p0 $0x1  }
0x13: {  	[smem:$0x3FB3] =	sst s0;
	s0 =	simm.s32 @!p1 $0x0  }
0x14: {  	s2 =	sld [smem:$0x3F97];
	s0 =	simm.s32 @p1 $0x1  }
0x15: {  	[smem:$0x3FB4] =	sst s0;
	s0 =	simm.s32 @!p2 $0x0  }
0x16: {  	s3 =	sld [smem:$0x3FDB];
	s0 =	simm.s32 @p2 $0x1  }
0x17: {  	s4 =	simm.s32 $0x1BF5;
	[smem:$0x3FB6] =	sst s0  }
0x18: {  	s0 =	sld [smem:$0x3F99];
	_ =	swait.ge [sflag:s4], $0x0  }
0x19: {  	s7 =	sld [smem:$0x3F9A]  }
0x1a: {  	s8 =	sadd.s32 $0xFFFFE003, lr  }
0x1b: {  	s9 =	sadd.s32 $0xFFFFFEF7, lr;
	s5 =	simm.s32 $0xFFFFFFFF;
	p2 =	slt.u32 s8, $0xFFFFF086  }
0x1c: {  	p1 =	slt.u32 s9, $0xF7A;
	s5 =	simm.s32 @!p2 $0x0  }
0x1d: {  	s5 =	simm.s32 @p1 $0x1;
	p0 =	seq.s32 s7, s2  }
0x1e: {  	s7 =	smul.u32 @!p0 $0xF7A, s2;
	p2 =	seq.s32 @!p0 s5, $0x0  }
0x1f: {  	s9 =	smul.u32 $0xF7A, s1;
	s8 =	simm.s32 @!p0 $0x1BF5;
	p2 =	por !p2, p0  }
0x20: {  	[sflag:s8] =	ssyncset.s32 @!p0 $0xFFFFF086;
	s6 =	sadd.s32 @!p0 s3, s7;
	s7 =	simm.s32 @!p0 $0x108  }
0x21: {  	s3 =	sadd.s32 s3, s9;
	s6 =	sadd.s32 @!p0 $0x88, s6;
	s7 =	simm.s32 @p2 $0x1082  }
0x22: {  	[simem:s7], [sflag:s8] =	dma.local @!p0 [hbm:s6], $0xF7A  }
0x23: {  	s9 =	sor.u32 $0xD0000000, s2;
	s6 =	simm.s32 $0x108;
	_ =	swait.ge @!p0 [sflag:s8], $0x0  }
0x24: {  	s3 =	sadd.s32 $0x88, s3;
	s6 =	simm.s32 @!p1 $0x1082;
	[sflag:s4] =	ssyncset.s32 $0xFFFFF086  }
0x25: {  	[simem:s6], [sflag:s4] =	dma.local [hbm:s3], $0xF7A  }
0x26: {  	[smem:$0x3F9A] =	sst s1;
	(tag) =	ssettag s2;
	_ =	strace s9  }
0x27: {  	s1 =	sld [smem:$0x3FAA]  }
0x28: {  	s2 =	sld [smem:$0x3FAB]  }
0x29: {  	s4 =	sld [smem:$0x3FAD]  }
0x2a: {  	p0 =	seq.s32 s5, $0x0;
	s5 =	sld [smem:$0x3FAE]  }
0x2b: {  	s6 =	sld [smem:$0x3FAF]  }
0x2c: {  	s7 =	sld [smem:$0x3FB0]  }
0x2d: {  	s3 =	simm.s32 $0x108;
	s8 =	sld [smem:$0x3FB1]  }
0x2e: {  	s3 =	simm.s32 @!p0 $0x1082;
	s9 =	sld [smem:$0x3FB2]  }
0x2f: {  	lr =	sadd.s32 s0, s3;
	s0 =	sld [smem:$0x3FA9]  }
0x30: {  	s3 =	sld [smem:$0x3FAC]  }
0x31: {  	[smem:$0x3FB5] =	sst s10  }
0x32: {  	s10 =	sld [smem:$0x3FB3];
	_ =	sdelay $0x3  }
0x33: {  	p0 =	seq.s32 s10, $0x1;
	s10 =	sld [smem:$0x3FB5];
	_ =	sdelay $0x3  }
0x34: {  	[smem:$0x3FB5] =	sst s10  }
0x35: {  	s10 =	sld [smem:$0x3FB4];
	_ =	sdelay $0x3  }
0x36: {  	p1 =	seq.s32 s10, $0x1;
	s10 =	sld [smem:$0x3FB5];
	_ =	sdelay $0x3  }
0x37: {  	[smem:$0x3FB5] =	sst s10  }
0x38: {  	s10 =	sld [smem:$0x3FB6]  }
0x39: {  	_ = 	snop;
	(pc) =	sbr.ind lr, $3  }
0x3a: {  	_ = 	snop  }
0x3b: {  	_ = 	snop  }
0x3c: {  	p2 =	seq.s32 s10, $0x1;
	s10 =	sld [smem:$0x3FB5]  }
0x3d: {  	_ =	shalt  }
0x3e: {  	_ =	shalt  }
0x3f: {  	_ =	shalt  }
0x40: {  	_ =	shalt  }
0x41: {  	_ =	shalt  }
0x42: {  	_ =	shalt  }
0x43: {  	_ =	shalt  }
0x44: {  	_ =	shalt  }
0x45: {  	_ =	shalt  }
0x46: {  	_ =	shalt  }
0x47: {  	_ =	shalt  }
0x48: {  	_ =	shalt  }
0x49: {  	_ =	shalt  }
0x4a: {  	_ =	shalt  }
0x4b: {  	_ =	shalt  }
0x4c: {  	_ =	shalt  }
0x4d: {  	_ =	shalt  }
0x4e: {  	_ =	shalt  }
0x4f: {  	_ =	shalt  }
0x50: {  	_ =	shalt  }
0x51: {  	_ =	shalt  }
0x52: {  	_ =	shalt  }
0x53: {  	_ =	shalt  }
0x54: {  	_ =	shalt  }
0x55: {  	_ =	shalt  }
0x56: {  	_ =	shalt  }
0x57: {  	_ =	shalt  }
0x58: {  	_ =	shalt  }
0x59: {  	_ =	shalt  }
0x5a: {  	_ =	shalt  }
0x5b: {  	_ =	shalt  }
0x5c: {  	_ =	shalt  }
0x5d: {  	_ =	shalt  }
0x5e: {  	_ =	shalt  }
0x5f: {  	_ =	shalt  }
0x60: {  	_ =	shalt  }
0x61: {  	_ =	shalt  }
0x62: {  	_ =	shalt  }
0x63: {  	_ =	shalt  }
0x64: {  	_ =	shalt  }
0x65: {  	_ =	shalt  }
0x66: {  	_ =	shalt  }
0x67: {  	_ =	shalt  }
0x68: {  	_ =	shalt  }
0x69: {  	_ =	shalt  }
0x6a: {  	_ =	shalt  }
0x6b: {  	_ =	shalt  }
0x6c: {  	_ =	shalt  }
0x6d: {  	_ =	shalt  }
0x6e: {  	_ =	shalt  }
0x6f: {  	_ =	shalt  }
0x70: {  	_ =	shalt  }
0x71: {  	_ =	shalt  }
0x72: {  	_ =	shalt  }
0x73: {  	_ =	shalt  }
0x74: {  	_ =	shalt  }
0x75: {  	_ =	shalt  }
0x76: {  	_ =	shalt  }
0x77: {  	_ =	shalt  }
0x78: {  	_ =	shalt  }
0x79: {  	_ =	shalt  }
0x7a: {  	_ =	shalt  }
0x7b: {  	_ =	shalt  }
0x7c: {  	_ =	shalt  }
0x7d: {  	_ =	shalt  }
0x7e: {  	_ =	shalt  }
0x7f: {  	_ =	shalt  }
0x80: {  	_ =	shalt  }
0x81: {  	_ =	shalt  }
0x82: {  	_ =	shalt  }
0x83: {  	_ =	shalt  }
0x84: {  	_ =	shalt  }
0x85: {  	_ =	shalt  }
0x86: {  	_ =	shalt  }
0x87: {  	_ =	shalt  }
.Lfunc_end0:
.L_simem_size_0:
called_computation.1_lowered:
.L_overlay_start_0:
0x88: {  	s2 =	sld [smem:$0x3FD9]  }
0x89: {  	s3 =	sld [smem:$0x3FFE];
	_ =	sdelay $0x1  }
0x8a: {  	s1 =	srdreg.scid  }
0x8b: {  	s0 =	sand.u32 $0x1, s1  }
0x8c: {  	s17 =	sshll.u32 s0, $0xA;
	s2 =	sadd.s32 s3, s2  }
0x8d: {  	s2 =	sadd.s32 s2, s17  }
0x8e: {  	[smem:$0x3FC1] =	sst s2  }
0x8f: {  	_ = 	snop  }
0x90: {  	s18 =	sld [smem:$0x3FC8];
	(tm) =	ssettm $0x1  }
0x91: {  	s19 =	sld [smem:$0x3FFB];
	_ =	sdelay $0x3  }
0x92: {  	_ =	strace s19  }
0x93: {  	s2 =	sld [smem:$0x3FFC];
	_ =	sdelay $0x3  }
0x94: {  	_ =	strace s2  }
0x95: {  	s2 =	sld [smem:$0x3FFD];
	_ =	sdelay $0x3  }
0x96: {  	_ =	strace s2  }
0x97: {  	_ =	strace $0x8FFFFFFF  }
0x98: {  	s20 =	sld [smem:$0x3FDB];
	_ =	sdelay $0x1  }
0x99: {  	s4 =	simm.s32 $_scs_section_size  }
0x9a: {  	s5 =	simm.s32 $_size__tile_overlayer_lowered;
	s6 =	simm.s32 $_tile_overlayer_lowered  }
0x9b: {  	s7 =	simm.s32 $0x1BFF;
	s21 =	sshll.u32 s6, $0x1;
	s4 =	sadd.s32 s4, s20  }
0x9c: {  	s22 =	simm.s32 $0x0;
	s5 =	sshll.u32 s5, $0x1;
	s6 =	sadd.s32 s21, s4  }
0x9d: {  	[timem:s22], [sflag:s7] =	dma.local [hbm:s6], s5  }
0x9e: {  	_ =	swait.ge [sflag:s7], s5  }
0x9f: {  	s5 =	ssub.s32 $0x0, s5;
	[sflag:s7] =	ssyncset.done $0x0  }
0xa0: {  	[sflag:s7] =	ssyncadd.s32 s5;
	_ =	sdelay $0x1  }
0xa1: {  	s23 =	simm.s32 $0x1B8B  }
0xa2: {  	_ =	swait.ge [sflag:s23], $0x1  }
0xa3: {  	[sflag:s23] =	ssyncset.done $0x0  }
0xa4: {  	[sflag:s23] =	ssyncadd.s32 $0xFFFFFFFF  }
0xa5: {  	s5 =	sld [smem:$0x0]  }
0xa6: {  	s6 =	sand.u32 $0xFFFFFFFE, s1  }
0xa7: {  	p0 =	sne.s32 s1, s6  }
0xa8: {  	s6 =	sshll.u32 @p0 s6, $0xE  }
0xa9: {  	s6 =	sadd.s32 @p0 $0x11B8D, s6;
	s7 =	sshll.u32 @p0 s5, $0x11  }
0xaa: {  	s6 =	sor.u32 @p0 s7, s6  }
0xab: {  	[sflag:s6] =	ssyncadd.remote.s32 @p0 $0x1;
	_ =	sdelay $0x1  }
0xac: {  	s6 =	simm.s32 @p0 $0x1B8D  }
0xad: {  	_ =	swait.eq @p0 [sflag:s6], $0x1  }
0xae: {  	[sflag:s6] =	ssyncadd.s32 @p0 $0xFFFFFFFF  }
0xaf: {  	s7 =	sshll.u32 @!p0 s1, $0xE  }
0xb0: {  	s7 =	sor.u32 @!p0 $0x4000, s7;
	s6 =	simm.s32 @!p0 $0x1B8D  }
0xb1: {  	s5 =	sshll.u32 @!p0 s5, $0x11;
	s7 =	sadd.s32 @!p0 $0x11B8D, s7;
	_ =	swait.eq @!p0 [sflag:s6], $0x1  }
0xb2: {  	s5 =	sor.u32 @!p0 s5, s7;
	[sflag:s6] =	ssyncadd.s32 @!p0 $0xFFFFFFFF  }
0xb3: {  	s25 =	simm.s32 $0x1B8E;
	s24 =	sld [smem:$0x3FFE];
	[sflag:s5] =	ssyncadd.remote.s32 @!p0 $0x1  }
0xb4: {  	s26 =	simm.s32 $execute0_lowered;
	[smem:$0x3FD2] =	sst s25  }
0xb5: {  	s6 =	sshll.u32 s26, $0x1;
	_ =	strace $0x80000049;
	[dreg:$0x1] =	wrdreg $0xFFFFFFFF  }
0xb6: {  	s28 =	simm.s32 $_size_execute0_lowered;
	s4 =	sadd.s32 s4, s6;
	[dreg:$0x0] =	wrdreg $0x0  }
0xb7: {  	s6 =	sshll.u32 s28, $0x1;
	[dreg:$0x2] =	wrdreg s4  }
0xb8: {  	[dreg:$0x3] =	wrdreg s6  }
0xb9: {  	[dreg:$0x4] =	wrdreg $0xC0  }
0xba: {  	_ =	task [dreg:s22], $0x5FFFF  }
0xbb: {  	[dreg:$0x1] =	wrdreg $0xFFFFFFFF  }
0xbc: {  	[dreg:$0x0] =	wrdreg $0x60  }
0xbd: {  	[dreg:$0x2] =	wrdreg s18  }
0xbe: {  	[dreg:$0x3] =	wrdreg s24  }
0xbf: {  	[dreg:$0x4] =	wrdreg $0xA  }
0xc0: {  	_ =	task.clear_ibuf [dreg:s22], $0x5FFFF;
	_ =	strace $0x90000049  }
0xc1: {  	s29 =	simm.s32 $0xA;
	_ =	strace $0x8000004B  }
0xc2: {  	_ =	swait.ge [sflag:s29], $0x1  }
0xc3: {  	[sflag:s29] =	ssyncadd.s32 $0xFFFFFFFF  }
0xc4: {  	_ =	strace $0x9000004B  }
0xc5: {  	_ =	sfence  }
0xc6: {  	s30 =	sld [smem:$0x0];
	_ =	sdelay $0x2  }
0xc7: {  	s31 =	sshll.u32 s1, $0xD;
	s1 =	sshrl.u32 s1, $0x2  }
0xc8: {  	s4 =	sand.u32 $0x4000, s31;
	s1 =	sadd.s32 s1, s30  }
0xc9: {  	s0 =	sor.u32 s4, s0;
	s1 =	sshll.u32 s1, $0x11  }
0xca: {  	s0 =	sor.u32 s1, s0  }
0xcb: {  	s0 =	sadd.s32 $0x8F2B, s0  }
0xcc: {  	[sflag:s0] =	ssyncadd.remote.s32 $0x1  }
0xcd: {  	_ =	sfence.sel $0xFFFF  }
0xce: {  	[dreg:$0x0] =	wrdreg $0xFFFFFFFF;
	(pc) =	sbr.abs _section_cstart, $3  }
0xcf: {  	[dreg:$0x1] =	wrdreg $0xFFFFFFFF  }
0xd0: {  	_ =	task.clear_ibuf [dreg:s22], $0x2FFFF;
	_ =	strace $0x9FFFFFFF  }
0xd1: {  	(tm) =	ssettm $0x7FFFFFFF  }
tec
execute0_lowered:
.L_overlay_start_1:
0x0: {  	(tag) =	ssettag $0x1  }
0x1: {  	s1 =	srdreg.scid;
	s2 =	rddreg [dreg:$0x0]  }
0x2: {  	s0 =	stileid.u32;
	s3 =	rddreg [dreg:$0x1];
	s4 =	simm.s32 $0x0  }
0x3: {  	s13 =	simm.s32 $0xFE00;
	s14 =	simm.s32 $0x12580;
	s15 =	simm.s32 $0x80  }
0x4: {  	s17 =	simm.s32 $0x4E80;
	s16 =	simm.s32 $0xE80;
	s31 =	simm.s32 $0x8E80  }
0x5: {  	s18 =	simm.s32 $0xCE80;
	s19 =	simm.s32 $0x14D00;
	s20 =	simm.s32 $0x1  }
0x6: {  	s21 =	simm.s32 $0x0;
	s7 =	sand.u32 $0x1, s1;
	s1 =	rddreg [dreg:$0x2]  }
0x7: {  	s28 =	sshll.u32 s0, $0x1;
	[smem:$0x7FF] =	sst s4;
	s9 =	smul.u32 $0x5460, s0  }
0x8: {  	s6 =	sadd.s32 $0x600, s3;
	s11 =	smul.u32 $0x1C200, s0;
	s5 =	sor.u32 s7, s28  }
0x9: {  	_ =	strace $0x8000004A;
	s10 =	smul.u32 $0x2A30, s7;
	[dreg:$0x3] =	wrdreg s17  }
0xa: {  	s29 =	ssub.s32 $0x2, s7;
	s12 =	smul.u32 $0xE100, s7;
	[dreg:$0x4] =	wrdreg s31  }
0xb: {  	s17 =	simm.s32 $0x10;
	s8 =	smul.u32 $0xE10, s5;
	s5 =	sadd.s32 $0xC00, s3  }
0xc: {  	s11 =	sadd.s32 s11, s3;
	s30 =	sshrl.u32 s29, $0x1;
	s9 =	sadd.s32 s10, s9  }
0xd: {  	s10 =	ssub.s32 s29, s30;
	s11 =	sadd.s32 s12, s11;
	s8 =	sshrl.u32 s8, $0x3  }
0xe: {  	s12 =	simm.s32 $0xD680;
	s9 =	sshrl.u32 s9, $0x3;
	s8 =	sadd.s32 s8, s3  }
0xf: {  	s9 =	sadd.s32 s9, s3;
	s7 =	sadd.s32 $0x327600, s8;
	s8 =	smax.u32 s10, $0x1  }
0x10: {  	s9 =	sadd.s32 $0x32B000, s9;
	s10 =	sadd.s32 $0x335A00, s11;
	s11 =	simm.s32 $0x2  }
.LBB2_1:
0x11: {  	[tilespmem:s4], [sflag:$0x2] =	stream.linear.gather [hbm4b:s7+s4], $0xE10, $0x38;
	[tilespmem:$0x15200] =	vst v63  }
0x12: {  	_ =	swait.ge [sflag:s11], $0xE10  }
0x13: {  	[sflag:s11] =	ssyncset.done $0x0  }
0x14: {  	[sflag:s11] =	ssyncadd.s32 $0xFFFFF1F0  }
0x15: {  	[tilespmem:s12], [sflag:$0x2] =	stream.linear.gather [hbm4b:s5+s4], $0x2780, $0x38;
	[tilespmem:$0x15200] =	vst v63  }
0x16: {  	_ =	swait.ge [sflag:s11], $0x2780  }
0x17: {  	[sflag:s11] =	ssyncset.done $0x0  }
0x18: {  	[sflag:s11] =	ssyncadd.s32 $0xFFFFD880  }
0x19: {  	[tilespmem:s13], [sflag:$0x2] =	stream.linear.gather [hbm4b:s6+s4], $0x2780, $0x38;
	[tilespmem:$0x15200] =	vst v63  }
0x1a: {  	_ =	swait.ge [sflag:s11], $0x2780  }
0x1b: {  	[sflag:s11] =	ssyncset.done $0x0  }
0x1c: {  	[sflag:s11] =	ssyncadd.s32 $0xFFFFD880  }
0x1d: {  	[tilespmem:s14], [sflag:$0x2] =	stream.linear.gather [hbm4b:s3+s4], $0x2780, $0x38;
	[tilespmem:$0x15200] =	vst v63  }
0x1e: {  	_ =	swait.ge [sflag:s11], $0x2780  }
0x1f: {  	s22 =	smov.u32 s10;
	s23 =	smov.u32 s9;
	[sflag:s11] =	ssyncset.done $0x0  }
0x20: {  	s24 =	simm.s32 $0x0;
	s25 =	simm.s32 $0x0;
	[sflag:s11] =	ssyncadd.s32 $0xFFFFD880  }
.LBB2_2:
0x21: {  	s26 =	sshra.s32 s25, $0x2  }
0x22: {  	[tilespmem:s16], [sflag:$0x1] =	stream.indirect.gather [hbm4b:s2+s15], $0x80, s26, s15, $0xb8;
	[tilespmem:$0x15200] =	vst v63  }
0x23: {  	s28 =	rddreg [dreg:$0x3];
	s29 =	sadd.s32 $0x80, s26  }
0x24: {  	[tilespmem:s28], [sflag:$0x1] =	stream.indirect.gather [hbm4b:s2+s15], $0x80, s29, s15, $0xb8;
	[tilespmem:$0x15200] =	vst v63  }
0x25: {  	s30 =	rddreg [dreg:$0x4];
	s31 =	sadd.s32 $0x100, s26  }
0x26: {  	[tilespmem:s30], [sflag:$0x1] =	stream.indirect.gather [hbm4b:s2+s15], $0x80, s31, s15, $0xb8;
	[tilespmem:$0x15200] =	vst v63  }
0x27: {  	s29 =	sadd.s32 $0x180, s26  }
0x28: {  	[tilespmem:s18], [sflag:$0x1] =	stream.indirect.gather [hbm4b:s2+s17], $0x80, s29, s17, $0xb8;
	[tilespmem:$0x15200] =	vst v63  }
0x29: {  	v0 =	vld [tilespmem:s26+$0x0];
	_ =	sdelay $0x7  }
0x2a: {  	v1 =	vld.idx.msk [tilespmem:v0+s12+$0x0], $0xffff;
	_ =	sdelay $0x4  }
0x2b: {  	[tilespmem:$0x14D00] =	vst v1  }
0x2c: {  	v1 =	vld.idx.msk [tilespmem:v0+s13+$0x0], $0xffff;
	_ =	sdelay $0x4  }
0x2d: {  	[tilespmem:$0x14E90] =	vst v1  }
0x2e: {  	v0 =	vld.idx.msk [tilespmem:v0+s14+$0x0], $0xffff;
	_ =	sdelay $0x4  }
0x2f: {  	[tilespmem:$0x15020] =	vst v0  }
0x30: {  	v0 =	vld [tilespmem:s26+$0x10];
	_ =	sdelay $0x7  }
0x31: {  	v1 =	vld.idx.msk [tilespmem:v0+s12+$0x0], $0xffff;
	_ =	sdelay $0x4  }
0x32: {  	[tilespmem:$0x14D10] =	vst v1  }
0x33: {  	v1 =	vld.idx.msk [tilespmem:v0+s13+$0x0], $0xffff;
	_ =	sdelay $0x4  }
0x34: {  	[tilespmem:$0x14EA0] =	vst v1  }
0x35: {  	v0 =	vld.idx.msk [tilespmem:v0+s14+$0x0], $0xffff;
	_ =	sdelay $0x4  }
0x36: {  	[tilespmem:$0x15030] =	vst v0  }
0x37: {  	v0 =	vld [tilespmem:s26+$0x20];
	_ =	sdelay $0x7  }
0x38: {  	v1 =	vld.idx.msk [tilespmem:v0+s12+$0x0], $0xffff;
	_ =	sdelay $0x4  }
0x39: {  	[tilespmem:$0x14D20] =	vst v1  }
0x3a: {  	v1 =	vld.idx.msk [tilespmem:v0+s13+$0x0], $0xffff;
	_ =	sdelay $0x4  }
0x3b: {  	[tilespmem:$0x14EB0] =	vst v1  }
0x3c: {  	v0 =	vld.idx.msk [tilespmem:v0+s14+$0x0], $0xffff;
	_ =	sdelay $0x4  }
0x3d: {  	[tilespmem:$0x15040] =	vst v0  }
0x3e: {  	v0 =	vld [tilespmem:s26+$0x30];
	_ =	sdelay $0x7  }
0x3f: {  	v1 =	vld.idx.msk [tilespmem:v0+s12+$0x0], $0xffff;
	_ =	sdelay $0x4  }
0x40: {  	[tilespmem:$0x14D30] =	vst v1  }
0x41: {  	v1 =	vld.idx.msk [tilespmem:v0+s13+$0x0], $0xffff;
	_ =	sdelay $0x4  }
0x42: {  	[tilespmem:$0x14EC0] =	vst v1  }
0x43: {  	v0 =	vld.idx.msk [tilespmem:v0+s14+$0x0], $0xffff;
	_ =	sdelay $0x4  }
0x44: {  	[tilespmem:$0x15050] =	vst v0  }
0x45: {  	v0 =	vld [tilespmem:s26+$0x40];
	_ =	sdelay $0x7  }
0x46: {  	v1 =	vld.idx.msk [tilespmem:v0+s12+$0x0], $0xffff;
	_ =	sdelay $0x4  }
0x47: {  	[tilespmem:$0x14D40] =	vst v1  }
0x48: {  	v1 =	vld.idx.msk [tilespmem:v0+s13+$0x0], $0xffff;
	_ =	sdelay $0x4  }
0x49: {  	[tilespmem:$0x14ED0] =	vst v1  }
0x4a: {  	v0 =	vld.idx.msk [tilespmem:v0+s14+$0x0], $0xffff;
	_ =	sdelay $0x4  }
0x4b: {  	[tilespmem:$0x15060] =	vst v0  }
0x4c: {  	v0 =	vld [tilespmem:s26+$0x50];
	_ =	sdelay $0x7  }
0x4d: {  	v1 =	vld.idx.msk [tilespmem:v0+s12+$0x0], $0xffff;
	_ =	sdelay $0x4  }
0x4e: {  	[tilespmem:$0x14D50] =	vst v1  }
0x4f: {  	v1 =	vld.idx.msk [tilespmem:v0+s13+$0x0], $0xffff;
	_ =	sdelay $0x4  }
0x50: {  	[tilespmem:$0x14EE0] =	vst v1  }
0x51: {  	v0 =	vld.idx.msk [tilespmem:v0+s14+$0x0], $0xffff;
	_ =	sdelay $0x4  }
0x52: {  	[tilespmem:$0x15070] =	vst v0  }
0x53: {  	v0 =	vld [tilespmem:s26+$0x60];
	_ =	sdelay $0x7  }
0x54: {  	v1 =	vld.idx.msk [tilespmem:v0+s12+$0x0], $0xffff;
	_ =	sdelay $0x4  }
0x55: {  	[tilespmem:$0x14D60] =	vst v1  }
0x56: {  	v1 =	vld.idx.msk [tilespmem:v0+s13+$0x0], $0xffff;
	_ =	sdelay $0x4  }
0x57: {  	[tilespmem:$0x14EF0] =	vst v1  }
0x58: {  	v0 =	vld.idx.msk [tilespmem:v0+s14+$0x0], $0xffff;
	_ =	sdelay $0x4  }
0x59: {  	[tilespmem:$0x15080] =	vst v0  }
0x5a: {  	v0 =	vld [tilespmem:s26+$0x70];
	_ =	sdelay $0x7  }
0x5b: {  	v1 =	vld.idx.msk [tilespmem:v0+s12+$0x0], $0xffff;
	_ =	sdelay $0x4  }
0x5c: {  	[tilespmem:$0x14D70] =	vst v1  }
0x5d: {  	v1 =	vld.idx.msk [tilespmem:v0+s13+$0x0], $0xffff;
	_ =	sdelay $0x4  }
0x5e: {  	[tilespmem:$0x14F00] =	vst v1  }
0x5f: {  	v0 =	vld.idx.msk [tilespmem:v0+s14+$0x0], $0xffff;
	_ =	sdelay $0x2  }
0x60: {  	s30 =	sadd.s32 $0x80, s24  }
0x61: {  	s28 =	sand.u32 $0x70, s24;
	s31 =	sand.u32 $0x3F80, s30  }
0x62: {  	s29 =	sor.u32 s28, s31;
	[tilespmem:$0x15090] =	vst v0  }
0x63: {  	v0 =	vld [tilespmem:s29+$0x0];
	_ =	sdelay $0x7  }
0x64: {  	v1 =	vld.idx.msk [tilespmem:v0+s12+$0x0], $0xffff;
	_ =	sdelay $0x4  }
0x65: {  	[tilespmem:$0x14D80] =	vst v1  }
0x66: {  	v1 =	vld.idx.msk [tilespmem:v0+s13+$0x0], $0xffff;
	_ =	sdelay $0x4  }
0x67: {  	[tilespmem:$0x14F10] =	vst v1  }
0x68: {  	v0 =	vld.idx.msk [tilespmem:v0+s14+$0x0], $0xffff;
	_ =	sdelay $0x4  }
0x69: {  	[tilespmem:$0x150A0] =	vst v0  }
0x6a: {  	v0 =	vld [tilespmem:s26+$0x90];
	_ =	sdelay $0x7  }
0x6b: {  	v1 =	vld.idx.msk [tilespmem:v0+s12+$0x0], $0xffff;
	_ =	sdelay $0x4  }
0x6c: {  	[tilespmem:$0x14D90] =	vst v1  }
0x6d: {  	v1 =	vld.idx.msk [tilespmem:v0+s13+$0x0], $0xffff;
	_ =	sdelay $0x4  }
0x6e: {  	[tilespmem:$0x14F20] =	vst v1  }
0x6f: {  	v0 =	vld.idx.msk [tilespmem:v0+s14+$0x0], $0xffff;
	_ =	sdelay $0x4  }
0x70: {  	[tilespmem:$0x150B0] =	vst v0  }
0x71: {  	v0 =	vld [tilespmem:s26+$0xA0];
	_ =	sdelay $0x7  }
0x72: {  	v1 =	vld.idx.msk [tilespmem:v0+s12+$0x0], $0xffff;
	_ =	sdelay $0x4  }
0x73: {  	[tilespmem:$0x14DA0] =	vst v1  }
0x74: {  	v1 =	vld.idx.msk [tilespmem:v0+s13+$0x0], $0xffff;
	_ =	sdelay $0x4  }
0x75: {  	[tilespmem:$0x14F30] =	vst v1  }
0x76: {  	v0 =	vld.idx.msk [tilespmem:v0+s14+$0x0], $0xffff;
	_ =	sdelay $0x4  }
0x77: {  	[tilespmem:$0x150C0] =	vst v0  }
0x78: {  	v0 =	vld [tilespmem:s26+$0xB0];
	_ =	sdelay $0x7  }
0x79: {  	v1 =	vld.idx.msk [tilespmem:v0+s12+$0x0], $0xffff;
	_ =	sdelay $0x4  }
0x7a: {  	[tilespmem:$0x14DB0] =	vst v1  }
0x7b: {  	v1 =	vld.idx.msk [tilespmem:v0+s13+$0x0], $0xffff;
	_ =	sdelay $0x4  }
0x7c: {  	[tilespmem:$0x14F40] =	vst v1  }
0x7d: {  	v0 =	vld.idx.msk [tilespmem:v0+s14+$0x0], $0xffff;
	_ =	sdelay $0x4  }
0x7e: {  	[tilespmem:$0x150D0] =	vst v0  }
0x7f: {  	v0 =	vld [tilespmem:s26+$0xC0];
	_ =	sdelay $0x7  }
0x80: {  	v1 =	vld.idx.msk [tilespmem:v0+s12+$0x0], $0xffff;
	_ =	sdelay $0x4  }
0x81: {  	[tilespmem:$0x14DC0] =	vst v1  }
0x82: {  	v1 =	vld.idx.msk [tilespmem:v0+s13+$0x0], $0xffff;
	_ =	sdelay $0x4  }
0x83: {  	[tilespmem:$0x14F50] =	vst v1  }
0x84: {  	v0 =	vld.idx.msk [tilespmem:v0+s14+$0x0], $0xffff;
	_ =	sdelay $0x4  }
0x85: {  	[tilespmem:$0x150E0] =	vst v0  }
0x86: {  	v0 =	vld [tilespmem:s26+$0xD0];
	_ =	sdelay $0x7  }
0x87: {  	v1 =	vld.idx.msk [tilespmem:v0+s12+$0x0], $0xffff;
	_ =	sdelay $0x4  }
0x88: {  	[tilespmem:$0x14DD0] =	vst v1  }
0x89: {  	v1 =	vld.idx.msk [tilespmem:v0+s13+$0x0], $0xffff;
	_ =	sdelay $0x4  }
0x8a: {  	[tilespmem:$0x14F60] =	vst v1  }
0x8b: {  	v0 =	vld.idx.msk [tilespmem:v0+s14+$0x0], $0xffff;
	_ =	sdelay $0x4  }
0x8c: {  	[tilespmem:$0x150F0] =	vst v0  }
0x8d: {  	v0 =	vld [tilespmem:s26+$0xE0];
	_ =	sdelay $0x7  }
0x8e: {  	v1 =	vld.idx.msk [tilespmem:v0+s12+$0x0], $0xffff;
	_ =	sdelay $0x4  }
0x8f: {  	[tilespmem:$0x14DE0] =	vst v1  }
0x90: {  	v1 =	vld.idx.msk [tilespmem:v0+s13+$0x0], $0xffff;
	_ =	sdelay $0x4  }
0x91: {  	[tilespmem:$0x14F70] =	vst v1  }
0x92: {  	v0 =	vld.idx.msk [tilespmem:v0+s14+$0x0], $0xffff;
	_ =	sdelay $0x4  }
0x93: {  	[tilespmem:$0x15100] =	vst v0  }
0x94: {  	v0 =	vld [tilespmem:s26+$0xF0];
	_ =	sdelay $0x7  }
0x95: {  	v1 =	vld.idx.msk [tilespmem:v0+s12+$0x0], $0xffff;
	_ =	sdelay $0x4  }
0x96: {  	[tilespmem:$0x14DF0] =	vst v1  }
0x97: {  	v1 =	vld.idx.msk [tilespmem:v0+s13+$0x0], $0xffff;
	_ =	sdelay $0x4  }
0x98: {  	[tilespmem:$0x14F80] =	vst v1  }
0x99: {  	v0 =	vld.idx.msk [tilespmem:v0+s14+$0x0], $0xffff;
	_ =	sdelay $0x2  }
0x9a: {  	s30 =	sadd.s32 $0x100, s24  }
0x9b: {  	s29 =	sand.u32 $0x3F80, s30  }
0x9c: {  	s29 =	sor.u32 s28, s29;
	[tilespmem:$0x15110] =	vst v0  }
0x9d: {  	v0 =	vld [tilespmem:s29+$0x0];
	_ =	sdelay $0x7  }
0x9e: {  	v1 =	vld.idx.msk [tilespmem:v0+s12+$0x0], $0xffff;
	_ =	sdelay $0x4  }
0x9f: {  	[tilespmem:$0x14E00] =	vst v1  }
0xa0: {  	v1 =	vld.idx.msk [tilespmem:v0+s13+$0x0], $0xffff;
	_ =	sdelay $0x4  }
0xa1: {  	[tilespmem:$0x14F90] =	vst v1  }
0xa2: {  	v0 =	vld.idx.msk [tilespmem:v0+s14+$0x0], $0xffff;
	_ =	sdelay $0x4  }
0xa3: {  	[tilespmem:$0x15120] =	vst v0  }
0xa4: {  	v0 =	vld [tilespmem:s26+$0x110];
	_ =	sdelay $0x7  }
0xa5: {  	v1 =	vld.idx.msk [tilespmem:v0+s12+$0x0], $0xffff;
	_ =	sdelay $0x4  }
0xa6: {  	[tilespmem:$0x14E10] =	vst v1  }
0xa7: {  	v1 =	vld.idx.msk [tilespmem:v0+s13+$0x0], $0xffff;
	_ =	sdelay $0x4  }
0xa8: {  	[tilespmem:$0x14FA0] =	vst v1  }
0xa9: {  	v0 =	vld.idx.msk [tilespmem:v0+s14+$0x0], $0xffff;
	_ =	sdelay $0x4  }
0xaa: {  	[tilespmem:$0x15130] =	vst v0  }
0xab: {  	v0 =	vld [tilespmem:s26+$0x120];
	_ =	sdelay $0x7  }
0xac: {  	v1 =	vld.idx.msk [tilespmem:v0+s12+$0x0], $0xffff;
	_ =	sdelay $0x4  }
0xad: {  	[tilespmem:$0x14E20] =	vst v1  }
0xae: {  	v1 =	vld.idx.msk [tilespmem:v0+s13+$0x0], $0xffff;
	_ =	sdelay $0x4  }
0xaf: {  	[tilespmem:$0x14FB0] =	vst v1  }
0xb0: {  	v0 =	vld.idx.msk [tilespmem:v0+s14+$0x0], $0xffff;
	_ =	sdelay $0x4  }
0xb1: {  	[tilespmem:$0x15140] =	vst v0  }
0xb2: {  	v0 =	vld [tilespmem:s26+$0x130];
	_ =	sdelay $0x7  }
0xb3: {  	v1 =	vld.idx.msk [tilespmem:v0+s12+$0x0], $0xffff;
	_ =	sdelay $0x4  }
0xb4: {  	[tilespmem:$0x14E30] =	vst v1  }
0xb5: {  	v1 =	vld.idx.msk [tilespmem:v0+s13+$0x0], $0xffff;
	_ =	sdelay $0x4  }
0xb6: {  	[tilespmem:$0x14FC0] =	vst v1  }
0xb7: {  	v0 =	vld.idx.msk [tilespmem:v0+s14+$0x0], $0xffff;
	_ =	sdelay $0x4  }
0xb8: {  	[tilespmem:$0x15150] =	vst v0  }
0xb9: {  	v0 =	vld [tilespmem:s26+$0x140];
	_ =	sdelay $0x7  }
0xba: {  	v1 =	vld.idx.msk [tilespmem:v0+s12+$0x0], $0xffff;
	_ =	sdelay $0x4  }
0xbb: {  	[tilespmem:$0x14E40] =	vst v1  }
0xbc: {  	v1 =	vld.idx.msk [tilespmem:v0+s13+$0x0], $0xffff;
	_ =	sdelay $0x4  }
0xbd: {  	[tilespmem:$0x14FD0] =	vst v1  }
0xbe: {  	v0 =	vld.idx.msk [tilespmem:v0+s14+$0x0], $0xffff;
	_ =	sdelay $0x4  }
0xbf: {  	[tilespmem:$0x15160] =	vst v0  }
0xc0: {  	v0 =	vld [tilespmem:s26+$0x150];
	_ =	sdelay $0x7  }
0xc1: {  	v1 =	vld.idx.msk [tilespmem:v0+s12+$0x0], $0xffff;
	_ =	sdelay $0x4  }
0xc2: {  	[tilespmem:$0x14E50] =	vst v1  }
0xc3: {  	v1 =	vld.idx.msk [tilespmem:v0+s13+$0x0], $0xffff;
	_ =	sdelay $0x4  }
0xc4: {  	[tilespmem:$0x14FE0] =	vst v1  }
0xc5: {  	v0 =	vld.idx.msk [tilespmem:v0+s14+$0x0], $0xffff;
	_ =	sdelay $0x4  }
0xc6: {  	[tilespmem:$0x15170] =	vst v0  }
0xc7: {  	v0 =	vld [tilespmem:s26+$0x160];
	_ =	sdelay $0x7  }
0xc8: {  	v1 =	vld.idx.msk [tilespmem:v0+s12+$0x0], $0xffff;
	_ =	sdelay $0x4  }
0xc9: {  	[tilespmem:$0x14E60] =	vst v1  }
0xca: {  	v1 =	vld.idx.msk [tilespmem:v0+s13+$0x0], $0xffff;
	_ =	sdelay $0x4  }
0xcb: {  	[tilespmem:$0x14FF0] =	vst v1  }
0xcc: {  	v0 =	vld.idx.msk [tilespmem:v0+s14+$0x0], $0xffff;
	_ =	sdelay $0x4  }
0xcd: {  	[tilespmem:$0x15180] =	vst v0  }
0xce: {  	v0 =	vld [tilespmem:s26+$0x170];
	_ =	sdelay $0x7  }
0xcf: {  	v1 =	vld.idx.msk [tilespmem:v0+s12+$0x0], $0xffff;
	_ =	sdelay $0x4  }
0xd0: {  	[tilespmem:$0x14E70] =	vst v1  }
0xd1: {  	v1 =	vld.idx.msk [tilespmem:v0+s13+$0x0], $0xffff;
	_ =	sdelay $0x4  }
0xd2: {  	[tilespmem:$0x15000] =	vst v1  }
0xd3: {  	v0 =	vld.idx.msk [tilespmem:v0+s14+$0x0], $0xffff;
	_ =	sdelay $0x2  }
0xd4: {  	s31 =	sadd.s32 $0x180, s24  }
0xd5: {  	s26 =	sand.u32 $0x3F80, s31  }
0xd6: {  	s26 =	sor.u32 s28, s26;
	[tilespmem:$0x15190] =	vst v0  }
0xd7: {  	v0 =	vld [tilespmem:s26+$0x0];
	_ =	sdelay $0x7  }
0xd8: {  	v1 =	vld.idx.msk [tilespmem:v0+s12+$0x0], $0xffff;
	_ =	sdelay $0x4  }
0xd9: {  	[tilespmem:$0x14E80] =	vst v1  }
0xda: {  	v1 =	vld.idx.msk [tilespmem:v0+s13+$0x0], $0xffff;
	_ =	sdelay $0x4  }
0xdb: {  	[tilespmem:$0x15010] =	vst v1  }
0xdc: {  	v0 =	vld.idx.msk [tilespmem:v0+s14+$0x0], $0xffff;
	_ =	sdelay $0x4  }
0xdd: {  	[tilespmem:$0x151A0] =	vst v0  }
0xde: {  	[hbm4b:s23+s4] =	stream.linear.scatter [tilespmem:s19], [sflag:$0x2], $0x4B0, $0x38;
	[tilespmem:$0x15200] =	vst v63  }
0xdf: {  	_ =	swait.ge [sflag:s11], $0x4B0  }
0xe0: {  	[sflag:s11] =	ssyncset.done $0x0  }
0xe1: {  	[sflag:s11] =	ssyncadd.s32 $0xFFFFFB50  }
0xe2: {  	_ =	swait.ge [sflag:s20], $0x4000  }
0xe3: {  	[sflag:s20] =	ssyncset.done $0x0  }
0xe4: {  	[sflag:s20] =	ssyncadd.s32 $0xFFFFC000  }
0xe5: {  	_ =	swait.ge [sflag:s20], $0x4000  }
0xe6: {  	[sflag:s20] =	ssyncset.done $0x0  }
0xe7: {  	[sflag:s20] =	ssyncadd.s32 $0xFFFFC000  }
0xe8: {  	_ =	swait.ge [sflag:s20], $0x4000  }
0xe9: {  	[sflag:s20] =	ssyncset.done $0x0  }
0xea: {  	[sflag:s20] =	ssyncadd.s32 $0xFFFFC000  }
0xeb: {  	_ =	swait.ge [sflag:s20], $0x800  }
0xec: {  	p0 =	sne.s32 s25, $0x3200;
	[sflag:s20] =	ssyncset.done $0x0  }
.Ltmp0:
0xed: {  	[sflag:s20] =	ssyncadd.s32 $0xFFFFF800;
	(pc) =	sbr.rel @p0 .LBB2_2-.Ltmp0, $4  }
0xee: {  	[hbm4b:s22+s4] =	stream.linear.scatter [tilespmem:s16], [sflag:$0x2], $0xC800, $0x38;
	[tilespmem:$0x15200] =	vst v63  }
0xef: {  	_ =	swait.ge [sflag:s11], $0xC800  }
0xf0: {  	s25 =	sadd.s32 $0x640, s25;
	s24 =	sadd.s32 $0x190, s24;
	[sflag:s11] =	ssyncset.done $0x0  }
0xf1: {  	s23 =	sadd.s32 $0x96, s23;
	s22 =	sadd.s32 $0x1900, s22;
	[sflag:s11] =	ssyncadd.s32 $0xFFFF3800  }
0xf2: {  	s21 =	sadd.s32 $0x1, s21  }
0xf3: {  	p0 =	sne.s32 s21, s8  }
.Ltmp1:
0xf4: {  	_ = 	snop;
	(pc) =	sbr.rel @p0 .LBB2_1-.Ltmp1, $1  }
0xf5: {  	_ =	sdelay $0x3  }
0xf6: {  	_ =	sfence.sel $0x180000  }
0xf7: {  	[bflag:$0x0] =	sbarrier.arrive $0xFFFF  }
0xf8: {  	p0 =	sne.s32 s0, $0x0;
	_ =	strace $0x9000004A  }
0xf9: {  	s0 =	sadd.s32 @!p0 $0x100000, s1;
	[bflag:$0x2] =	sbarrier.arrive $0xFFFF  }
0xfa: {  	[sflag:s0] =	ssyncadd.tile.s32 @!p0 $0x1;
	_ =	shalt  }
.Lfunc_end2:
_tile_overlayer_lowered:
.L_overlay_start_2:
0xfb: {  	(tag) =	ssettag $0x2  }
0xfc: {  	s0 =	rddreg [dreg:$0x0];
	s2 =	stileid.u32  }
0xfd: {  	s1 =	rddreg [dreg:$0x1];
	p0 =	sne.s32 s2, $0x0  }
0xfe: {  	s3 =	rddreg [dreg:$0x2];
	[bflag:$0x3] =	sbarrier.arrive $0xFFFF;
	s2 =	simm.s32 @!p0 $0x1C02  }
0xff: {  	[timem:s3], [sflag:s2] =	dma.local @!p0 [hbm:s0], s1  }
0x100: {  	s0 =	simm.s32 @!p0 $0x2  }
0x101: {  	_ =	swait.ge @!p0 [sflag:s0], s1  }
0x102: {  	s1 =	ssub.s32 @!p0 $0x0, s1;
	[sflag:s0] =	ssyncset.done @!p0 $0x0  }
0x103: {  	[sflag:s0] =	ssyncadd.s32 @!p0 s1  }
0x104: {  	[bflag:$0x3] =	sbarrier.arrive $0xFFFF  }
0x105: {  	_ =	shalt  }

// kernel: kernel.7.cloned.1.call-start
scs
__scs_entry_jumppad:
0x0: {  	(pc) =	sbr.rel $0x88, $3  }
0x1: {  	(tag) =	ssettag $0x0;
	lr =	simm.s32 $0x1  }
0x2: {  	[smem:$0x3F9A] =	sst lr;
	_ =	strace $0xD0000000  }
0x3: {  	_ = 	snop  }
0x4: {  	_ = 	snop  }
0x5: {  	_ = 	snop  }
0x6: {  	_ = 	snop  }
0x7: {  	_ = 	snop  }
__scs_overlays_trampoline_lowered:
0x8: {  	[smem:$0x3FA9] =	sst s0  }
0x9: {  	[smem:$0x3FAA] =	sst s1  }
0xa: {  	[smem:$0x3FAB] =	sst s2  }
0xb: {  	[smem:$0x3FAC] =	sst s3  }
0xc: {  	[smem:$0x3FAD] =	sst s4  }
0xd: {  	[smem:$0x3FAE] =	sst s5  }
0xe: {  	[smem:$0x3FAF] =	sst s6  }
0xf: {  	[smem:$0x3FB0] =	sst s7  }
0x10: {  	[smem:$0x3FB1] =	sst s8  }
0x11: {  	[smem:$0x3FB2] =	sst s9;
	s0 =	simm.s32 @!p0 $0x0  }
0x12: {  	s1 =	sld [smem:$0x3F98];
	s0 =	simm.s32 @p0 $0x1  }
0x13: {  	[smem:$0x3FB3] =	sst s0;
	s0 =	simm.s32 @!p1 $0x0  }
0x14: {  	s2 =	sld [smem:$0x3F97];
	s0 =	simm.s32 @p1 $0x1  }
0x15: {  	[smem:$0x3FB4] =	sst s0;
	s0 =	simm.s32 @!p2 $0x0  }
0x16: {  	s3 =	sld [smem:$0x3FDB];
	s0 =	simm.s32 @p2 $0x1  }
0x17: {  	s4 =	simm.s32 $0x1BF5;
	[smem:$0x3FB6] =	sst s0  }
0x18: {  	s0 =	sld [smem:$0x3F99];
	_ =	swait.ge [sflag:s4], $0x0  }
0x19: {  	s7 =	sld [smem:$0x3F9A]  }
0x1a: {  	s8 =	sadd.s32 $0xFFFFE003, lr  }
0x1b: {  	s9 =	sadd.s32 $0xFFFFFEF7, lr;
	s5 =	simm.s32 $0xFFFFFFFF;
	p2 =	slt.u32 s8, $0xFFFFF086  }
0x1c: {  	p1 =	slt.u32 s9, $0xF7A;
	s5 =	simm.s32 @!p2 $0x0  }
0x1d: {  	s5 =	simm.s32 @p1 $0x1;
	p0 =	seq.s32 s7, s2  }
0x1e: {  	s7 =	smul.u32 @!p0 $0xF7A, s2;
	p2 =	seq.s32 @!p0 s5, $0x0  }
0x1f: {  	s9 =	smul.u32 $0xF7A, s1;
	s8 =	simm.s32 @!p0 $0x1BF5;
	p2 =	por !p2, p0  }
0x20: {  	[sflag:s8] =	ssyncset.s32 @!p0 $0xFFFFF086;
	s6 =	sadd.s32 @!p0 s3, s7;
	s7 =	simm.s32 @!p0 $0x108  }
0x21: {  	s3 =	sadd.s32 s3, s9;
	s6 =	sadd.s32 @!p0 $0x88, s6;
	s7 =	simm.s32 @p2 $0x1082  }
0x22: {  	[simem:s7], [sflag:s8] =	dma.local @!p0 [hbm:s6], $0xF7A  }
0x23: {  	s9 =	sor.u32 $0xD0000000, s2;
	s6 =	simm.s32 $0x108;
	_ =	swait.ge @!p0 [sflag:s8], $0x0  }
0x24: {  	s3 =	sadd.s32 $0x88, s3;
	s6 =	simm.s32 @!p1 $0x1082;
	[sflag:s4] =	ssyncset.s32 $0xFFFFF086  }
0x25: {  	[simem:s6], [sflag:s4] =	dma.local [hbm:s3], $0xF7A  }
0x26: {  	[smem:$0x3F9A] =	sst s1;
	(tag) =	ssettag s2;
	_ =	strace s9  }
0x27: {  	s1 =	sld [smem:$0x3FAA]  }
0x28: {  	s2 =	sld [smem:$0x3FAB]  }
0x29: {  	s4 =	sld [smem:$0x3FAD]  }
0x2a: {  	p0 =	seq.s32 s5, $0x0;
	s5 =	sld [smem:$0x3FAE]  }
0x2b: {  	s6 =	sld [smem:$0x3FAF]  }
0x2c: {  	s7 =	sld [smem:$0x3FB0]  }
0x2d: {  	s3 =	simm.s32 $0x108;
	s8 =	sld [smem:$0x3FB1]  }
0x2e: {  	s3 =	simm.s32 @!p0 $0x1082;
	s9 =	sld [smem:$0x3FB2]  }
0x2f: {  	lr =	sadd.s32 s0, s3;
	s0 =	sld [smem:$0x3FA9]  }
0x30: {  	s3 =	sld [smem:$0x3FAC]  }
0x31: {  	[smem:$0x3FB5] =	sst s10  }
0x32: {  	s10 =	sld [smem:$0x3FB3];
	_ =	sdelay $0x3  }
0x33: {  	p0 =	seq.s32 s10, $0x1;
	s10 =	sld [smem:$0x3FB5];
	_ =	sdelay $0x3  }
0x34: {  	[smem:$0x3FB5] =	sst s10  }
0x35: {  	s10 =	sld [smem:$0x3FB4];
	_ =	sdelay $0x3  }
0x36: {  	p1 =	seq.s32 s10, $0x1;
	s10 =	sld [smem:$0x3FB5];
	_ =	sdelay $0x3  }
0x37: {  	[smem:$0x3FB5] =	sst s10  }
0x38: {  	s10 =	sld [smem:$0x3FB6]  }
0x39: {  	_ = 	snop;
	(pc) =	sbr.ind lr, $3  }
0x3a: {  	_ = 	snop  }
0x3b: {  	_ = 	snop  }
0x3c: {  	p2 =	seq.s32 s10, $0x1;
	s10 =	sld [smem:$0x3FB5]  }
0x3d: {  	_ =	shalt  }
0x3e: {  	_ =	shalt  }
0x3f: {  	_ =	shalt  }
0x40: {  	_ =	shalt  }
0x41: {  	_ =	shalt  }
0x42: {  	_ =	shalt  }
0x43: {  	_ =	shalt  }
0x44: {  	_ =	shalt  }
0x45: {  	_ =	shalt  }
0x46: {  	_ =	shalt  }
0x47: {  	_ =	shalt  }
0x48: {  	_ =	shalt  }
0x49: {  	_ =	shalt  }
0x4a: {  	_ =	shalt  }
0x4b: {  	_ =	shalt  }
0x4c: {  	_ =	shalt  }
0x4d: {  	_ =	shalt  }
0x4e: {  	_ =	shalt  }
0x4f: {  	_ =	shalt  }
0x50: {  	_ =	shalt  }
0x51: {  	_ =	shalt  }
0x52: {  	_ =	shalt  }
0x53: {  	_ =	shalt  }
0x54: {  	_ =	shalt  }
0x55: {  	_ =	shalt  }
0x56: {  	_ =	shalt  }
0x57: {  	_ =	shalt  }
0x58: {  	_ =	shalt  }
0x59: {  	_ =	shalt  }
0x5a: {  	_ =	shalt  }
0x5b: {  	_ =	shalt  }
0x5c: {  	_ =	shalt  }
0x5d: {  	_ =	shalt  }
0x5e: {  	_ =	shalt  }
0x5f: {  	_ =	shalt  }
0x60: {  	_ =	shalt  }
0x61: {  	_ =	shalt  }
0x62: {  	_ =	shalt  }
0x63: {  	_ =	shalt  }
0x64: {  	_ =	shalt  }
0x65: {  	_ =	shalt  }
0x66: {  	_ =	shalt  }
0x67: {  	_ =	shalt  }
0x68: {  	_ =	shalt  }
0x69: {  	_ =	shalt  }
0x6a: {  	_ =	shalt  }
0x6b: {  	_ =	shalt  }
0x6c: {  	_ =	shalt  }
0x6d: {  	_ =	shalt  }
0x6e: {  	_ =	shalt  }
0x6f: {  	_ =	shalt  }
0x70: {  	_ =	shalt  }
0x71: {  	_ =	shalt  }
0x72: {  	_ =	shalt  }
0x73: {  	_ =	shalt  }
0x74: {  	_ =	shalt  }
0x75: {  	_ =	shalt  }
0x76: {  	_ =	shalt  }
0x77: {  	_ =	shalt  }
0x78: {  	_ =	shalt  }
0x79: {  	_ =	shalt  }
0x7a: {  	_ =	shalt  }
0x7b: {  	_ =	shalt  }
0x7c: {  	_ =	shalt  }
0x7d: {  	_ =	shalt  }
0x7e: {  	_ =	shalt  }
0x7f: {  	_ =	shalt  }
0x80: {  	_ =	shalt  }
0x81: {  	_ =	shalt  }
0x82: {  	_ =	shalt  }
0x83: {  	_ =	shalt  }
0x84: {  	_ =	shalt  }
0x85: {  	_ =	shalt  }
0x86: {  	_ =	shalt  }
0x87: {  	_ =	shalt  }
.Lfunc_end0:
.L_simem_size_0:
called_computation_lowered:
.L_overlay_start_0:
0x88: {  	s2 =	sld [smem:$0x3FD9]  }
0x89: {  	s3 =	sld [smem:$0x3FFE];
	_ =	sdelay $0x1  }
0x8a: {  	s1 =	srdreg.scid  }
0x8b: {  	s0 =	sand.u32 $0x1, s1  }
0x8c: {  	s17 =	sshll.u32 s0, $0xA;
	s2 =	sadd.s32 s3, s2  }
0x8d: {  	s2 =	sadd.s32 s2, s17  }
0x8e: {  	[smem:$0x3FC1] =	sst s2  }
0x8f: {  	_ = 	snop  }
0x90: {  	s2 =	sld [smem:$0x3FC8]  }
0x91: {  	s18 =	sld [smem:$0x3FD0];
	(tm) =	ssettm $0x1  }
0x92: {  	s4 =	sld [smem:$0x3FFB];
	_ =	sdelay $0x3  }
0x93: {  	_ =	strace s4  }
0x94: {  	s4 =	sld [smem:$0x3FFC];
	_ =	sdelay $0x3  }
0x95: {  	_ =	strace s4  }
0x96: {  	s4 =	sld [smem:$0x3FFD];
	_ =	sdelay $0x3  }
0x97: {  	_ =	strace s4  }
0x98: {  	_ =	strace $0x8FFFFFFF  }
0x99: {  	s19 =	sld [smem:$0x3FDB];
	_ =	sdelay $0x1  }
0x9a: {  	s5 =	simm.s32 $_scs_section_size  }
0x9b: {  	s6 =	simm.s32 $_size__tile_overlayer_lowered;
	s7 =	simm.s32 $_tile_overlayer_lowered  }
0x9c: {  	s22 =	simm.s32 $0x1BFF;
	s21 =	sshll.u32 s7, $0x1;
	s4 =	sadd.s32 s5, s19  }
0x9d: {  	s8 =	simm.s32 $0x0;
	s20 =	sshll.u32 s6, $0x1;
	s6 =	sadd.s32 s21, s4  }
0x9e: {  	[timem:s8], [sflag:s22] =	dma.local [hbm:s6], s20  }
0x9f: {  	_ =	swait.ge [sflag:s22], s20  }
0xa0: {  	s5 =	ssub.s32 $0x0, s20;
	[sflag:s22] =	ssyncset.done $0x0  }
0xa1: {  	[sflag:s22] =	ssyncadd.s32 s5;
	_ =	sdelay $0x1  }
0xa2: {  	s23 =	simm.s32 $0x1B8B  }
0xa3: {  	_ =	swait.ge [sflag:s23], $0x1  }
0xa4: {  	[sflag:s23] =	ssyncset.done $0x0  }
0xa5: {  	s25 =	simm.s32 $0x1B8E;
	s24 =	sld [smem:$0x3FFE];
	[sflag:s23] =	ssyncadd.s32 $0xFFFFFFFF  }
0xa6: {  	s26 =	simm.s32 $execute0_lowered;
	[smem:$0x3FD2] =	sst s25  }
0xa7: {  	s6 =	sshll.u32 s26, $0x1;
	_ =	strace $0x80000046;
	[dreg:$0x1] =	wrdreg $0xFFFFFFFF  }
0xa8: {  	s28 =	simm.s32 $_size_execute0_lowered;
	s4 =	sadd.s32 s4, s6;
	[dreg:$0x0] =	wrdreg $0x0  }
0xa9: {  	s6 =	sshll.u32 s28, $0x1;
	[dreg:$0x2] =	wrdreg s4  }
0xaa: {  	[dreg:$0x3] =	wrdreg s6  }
0xab: {  	[dreg:$0x4] =	wrdreg $0xC0  }
0xac: {  	_ =	task [dreg:s8], $0x5FFFF  }
0xad: {  	[dreg:$0x1] =	wrdreg $0xFFFFFFFF  }
0xae: {  	[dreg:$0x0] =	wrdreg $0x60  }
0xaf: {  	[dreg:$0x2] =	wrdreg s2  }
0xb0: {  	[dreg:$0x3] =	wrdreg s24  }
0xb1: {  	[dreg:$0x4] =	wrdreg s18  }
0xb2: {  	[dreg:$0x5] =	wrdreg $0x9  }
0xb3: {  	_ =	task.clear_ibuf [dreg:s8], $0x6FFFF;
	_ =	strace $0x90000046  }
0xb4: {  	s29 =	simm.s32 $0x9;
	_ =	strace $0x80000048  }
0xb5: {  	_ =	swait.ge [sflag:s29], $0x1  }
0xb6: {  	[sflag:s29] =	ssyncadd.s32 $0xFFFFFFFF  }
0xb7: {  	_ =	strace $0x90000048  }
0xb8: {  	_ =	sfence  }
0xb9: {  	s30 =	sld [smem:$0x0];
	_ =	sdelay $0x2  }
0xba: {  	s31 =	sshll.u32 s1, $0xD;
	s1 =	sshrl.u32 s1, $0x2  }
0xbb: {  	s3 =	sand.u32 $0x4000, s31;
	s1 =	sadd.s32 s1, s30  }
0xbc: {  	s0 =	sor.u32 s3, s0;
	s1 =	sshll.u32 s1, $0x11  }
0xbd: {  	s0 =	sor.u32 s1, s0  }
0xbe: {  	s0 =	sadd.s32 $0x8F2B, s0  }
0xbf: {  	[sflag:s0] =	ssyncadd.remote.s32 $0x1  }
0xc0: {  	_ =	sfence.sel $0xFFFF  }
0xc1: {  	[dreg:$0x0] =	wrdreg $0xFFFFFFFF;
	(pc) =	sbr.abs _section_cstart, $3  }
0xc2: {  	[dreg:$0x1] =	wrdreg $0xFFFFFFFF  }
0xc3: {  	_ =	task.clear_ibuf [dreg:s8], $0x2FFFF;
	_ =	strace $0x9FFFFFFF  }
0xc4: {  	(tm) =	ssettm $0x7FFFFFFF  }
0xc5: {  	_ =	shalt  }
tec
execute0_lowered:
.L_overlay_start_1:
0x0: {  	(tag) =	ssettag $0x1  }
0x1: {  	s1 =	rddreg [dreg:$0x0]  }
0x2: {  	s3 =	rddreg [dreg:$0x1];
	s2 =	srdreg.scid  }
0x3: {  	s0 =	stileid.u32;
	s9 =	rddreg [dreg:$0x2]  }
0x4: {  	s4 =	simm.s32 $0x0;
	s17 =	simm.s32 $0x5900;
	s16 =	simm.s32 $0x1900  }
0x5: {  	s31 =	simm.s32 $0x9900;
	s18 =	simm.s32 $0xD900;
	s19 =	simm.s32 $0x15780  }
0x6: {  	s20 =	simm.s32 $0x1;
	s21 =	simm.s32 $0x0;
	s7 =	sand.u32 $0x1, s2  }
0x7: {  	s5 =	sshll.u32 s0, $0x1;
	s2 =	rddreg [dreg:$0x3];
	s10 =	smul.u32 $0x32000, s0  }
0x8: {  	[smem:$0x7FF] =	sst s4;
	s6 =	sadd.s32 $0x600, s3;
	s11 =	smul.u32 $0x9600, s0  }
0x9: {  	s5 =	sor.u32 s7, s5;
	_ =	strace $0x80000047;
	s13 =	smul.u32 $0x4B00, s7  }
0xa: {  	s12 =	ssub.s32 $0x2, s7;
	s15 =	smul.u32 $0x19000, s7;
	[dreg:$0x4] =	wrdreg s17  }
0xb: {  	[dreg:$0x5] =	wrdreg s31;
	s17 =	simm.s32 $0x10;
	s8 =	smul.u32 $0x1900, s5  }
0xc: {  	s5 =	sadd.s32 $0xC00, s3;
	s14 =	sshrl.u32 s12, $0x1;
	s10 =	sadd.s32 s10, s3  }
0xd: {  	s12 =	ssub.s32 s12, s14;
	s11 =	sadd.s32 s13, s11;
	s10 =	sadd.s32 s15, s10  }
0xe: {  	s13 =	simm.s32 $0x10880;
	s14 =	simm.s32 $0x13000;
	s15 =	simm.s32 $0x80  }
0xf: {  	s8 =	sshrl.u32 s8, $0x3;
	s11 =	sshrl.u32 s11, $0x3;
	s10 =	sadd.s32 $0x7600, s10  }
0x10: {  	s8 =	sadd.s32 s8, s3;
	s9 =	sadd.s32 s11, s9;
	s11 =	simm.s32 $0x2  }
0x11: {  	s7 =	sadd.s32 $0x1200, s8;
	s8 =	smax.u32 s12, $0x1;
	s12 =	simm.s32 $0xE100  }
.LBB2_1:
0x12: {  	[tilespmem:s4], [sflag:$0x2] =	stream.linear.gather [hbm4b:s7+s4], $0x1900, $0x38;
	[tilespmem:$0x15C80] =	vst v63  }
0x13: {  	_ =	swait.ge [sflag:s11], $0x1900  }
0x14: {  	[sflag:s11] =	ssyncset.done $0x0  }
0x15: {  	[sflag:s11] =	ssyncadd.s32 $0xFFFFE700  }
0x16: {  	[tilespmem:s12], [sflag:$0x2] =	stream.linear.gather [hbm4b:s5+s4], $0x2780, $0x38;
	[tilespmem:$0x15C80] =	vst v63  }
0x17: {  	_ =	swait.ge [sflag:s11], $0x2780  }
0x18: {  	[sflag:s11] =	ssyncset.done $0x0  }
0x19: {  	[sflag:s11] =	ssyncadd.s32 $0xFFFFD880  }
0x1a: {  	[tilespmem:s13], [sflag:$0x2] =	stream.linear.gather [hbm4b:s6+s4], $0x2780, $0x38;
	[tilespmem:$0x15C80] =	vst v63  }
0x1b: {  	_ =	swait.ge [sflag:s11], $0x2780  }
0x1c: {  	[sflag:s11] =	ssyncset.done $0x0  }
0x1d: {  	[sflag:s11] =	ssyncadd.s32 $0xFFFFD880  }
0x1e: {  	[tilespmem:s14], [sflag:$0x2] =	stream.linear.gather [hbm4b:s3+s4], $0x2780, $0x38;
	[tilespmem:$0x15C80] =	vst v63  }
0x1f: {  	_ =	swait.ge [sflag:s11], $0x2780  }
0x20: {  	s22 =	smov.u32 s10;
	s23 =	smov.u32 s9;
	[sflag:s11] =	ssyncset.done $0x0  }
0x21: {  	s24 =	simm.s32 $0x0;
	s25 =	simm.s32 $0x0;
	[sflag:s11] =	ssyncadd.s32 $0xFFFFD880  }
.LBB2_2:
0x22: {  	s26 =	sshra.s32 s25, $0x2  }
0x23: {  	[tilespmem:s16], [sflag:$0x1] =	stream.indirect.gather [hbm4b:s1+s15], $0x80, s26, s15, $0xb8;
	[tilespmem:$0x15C80] =	vst v63  }
0x24: {  	s28 =	rddreg [dreg:$0x4];
	s29 =	sadd.s32 $0x80, s26  }
0x25: {  	[tilespmem:s28], [sflag:$0x1] =	stream.indirect.gather [hbm4b:s1+s15], $0x80, s29, s15, $0xb8;
	[tilespmem:$0x15C80] =	vst v63  }
0x26: {  	s30 =	rddreg [dreg:$0x5];
	s31 =	sadd.s32 $0x100, s26  }
0x27: {  	[tilespmem:s30], [sflag:$0x1] =	stream.indirect.gather [hbm4b:s1+s15], $0x80, s31, s15, $0xb8;
	[tilespmem:$0x15C80] =	vst v63  }
0x28: {  	s29 =	sadd.s32 $0x180, s26  }
0x29: {  	[tilespmem:s18], [sflag:$0x1] =	stream.indirect.gather [hbm4b:s1+s17], $0x80, s29, s17, $0xb8;
	[tilespmem:$0x15C80] =	vst v63  }
0x2a: {  	v0 =	vld [tilespmem:s26+$0x0];
	_ =	sdelay $0x7  }
0x2b: {  	v1 =	vld.idx.msk [tilespmem:v0+s12+$0x0], $0xffff;
	_ =	sdelay $0x4  }
0x2c: {  	[tilespmem:$0x15780] =	vst v1  }
0x2d: {  	v1 =	vld.idx.msk [tilespmem:v0+s13+$0x0], $0xffff;
	_ =	sdelay $0x4  }
0x2e: {  	[tilespmem:$0x15910] =	vst v1  }
0x2f: {  	v0 =	vld.idx.msk [tilespmem:v0+s14+$0x0], $0xffff;
	_ =	sdelay $0x4  }
0x30: {  	[tilespmem:$0x15AA0] =	vst v0  }
0x31: {  	v0 =	vld [tilespmem:s26+$0x10];
	_ =	sdelay $0x7  }
0x32: {  	v1 =	vld.idx.msk [tilespmem:v0+s12+$0x0], $0xffff;
	_ =	sdelay $0x4  }
0x33: {  	[tilespmem:$0x15790] =	vst v1  }
0x34: {  	v1 =	vld.idx.msk [tilespmem:v0+s13+$0x0], $0xffff;
	_ =	sdelay $0x4  }
0x35: {  	[tilespmem:$0x15920] =	vst v1  }
0x36: {  	v0 =	vld.idx.msk [tilespmem:v0+s14+$0x0], $0xffff;
	_ =	sdelay $0x4  }
0x37: {  	[tilespmem:$0x15AB0] =	vst v0  }
0x38: {  	v0 =	vld [tilespmem:s26+$0x20];
	_ =	sdelay $0x7  }
0x39: {  	v1 =	vld.idx.msk [tilespmem:v0+s12+$0x0], $0xffff;
	_ =	sdelay $0x4  }
0x3a: {  	[tilespmem:$0x157A0] =	vst v1  }
0x3b: {  	v1 =	vld.idx.msk [tilespmem:v0+s13+$0x0], $0xffff;
	_ =	sdelay $0x4  }
0x3c: {  	[tilespmem:$0x15930] =	vst v1  }
0x3d: {  	v0 =	vld.idx.msk [tilespmem:v0+s14+$0x0], $0xffff;
	_ =	sdelay $0x4  }
0x3e: {  	[tilespmem:$0x15AC0] =	vst v0  }
0x3f: {  	v0 =	vld [tilespmem:s26+$0x30];
	_ =	sdelay $0x7  }
0x40: {  	v1 =	vld.idx.msk [tilespmem:v0+s12+$0x0], $0xffff;
	_ =	sdelay $0x4  }
0x41: {  	[tilespmem:$0x157B0] =	vst v1  }
0x42: {  	v1 =	vld.idx.msk [tilespmem:v0+s13+$0x0], $0xffff;
	_ =	sdelay $0x4  }
0x43: {  	[tilespmem:$0x15940] =	vst v1  }
0x44: {  	v0 =	vld.idx.msk [tilespmem:v0+s14+$0x0], $0xffff;
	_ =	sdelay $0x4  }
0x45: {  	[tilespmem:$0x15AD0] =	vst v0  }
0x46: {  	v0 =	vld [tilespmem:s26+$0x40];
	_ =	sdelay $0x7  }
0x47: {  	v1 =	vld.idx.msk [tilespmem:v0+s12+$0x0], $0xffff;
	_ =	sdelay $0x4  }
0x48: {  	[tilespmem:$0x157C0] =	vst v1  }
0x49: {  	v1 =	vld.idx.msk [tilespmem:v0+s13+$0x0], $0xffff;
	_ =	sdelay $0x4  }
0x4a: {  	[tilespmem:$0x15950] =	vst v1  }
0x4b: {  	v0 =	vld.idx.msk [tilespmem:v0+s14+$0x0], $0xffff;
	_ =	sdelay $0x4  }
0x4c: {  	[tilespmem:$0x15AE0] =	vst v0  }
0x4d: {  	v0 =	vld [tilespmem:s26+$0x50];
	_ =	sdelay $0x7  }
0x4e: {  	v1 =	vld.idx.msk [tilespmem:v0+s12+$0x0], $0xffff;
	_ =	sdelay $0x4  }
0x4f: {  	[tilespmem:$0x157D0] =	vst v1  }
0x50: {  	v1 =	vld.idx.msk [tilespmem:v0+s13+$0x0], $0xffff;
	_ =	sdelay $0x4  }
0x51: {  	[tilespmem:$0x15960] =	vst v1  }
0x52: {  	v0 =	vld.idx.msk [tilespmem:v0+s14+$0x0], $0xffff;
	_ =	sdelay $0x4  }
0x53: {  	[tilespmem:$0x15AF0] =	vst v0  }
0x54: {  	v0 =	vld [tilespmem:s26+$0x60];
	_ =	sdelay $0x7  }
0x55: {  	v1 =	vld.idx.msk [tilespmem:v0+s12+$0x0], $0xffff;
	_ =	sdelay $0x4  }
0x56: {  	[tilespmem:$0x157E0] =	vst v1  }
0x57: {  	v1 =	vld.idx.msk [tilespmem:v0+s13+$0x0], $0xffff;
	_ =	sdelay $0x4  }
0x58: {  	[tilespmem:$0x15970] =	vst v1  }
0x59: {  	v0 =	vld.idx.msk [tilespmem:v0+s14+$0x0], $0xffff;
	_ =	sdelay $0x4  }
0x5a: {  	[tilespmem:$0x15B00] =	vst v0  }
0x5b: {  	v0 =	vld [tilespmem:s26+$0x70];
	_ =	sdelay $0x7  }
0x5c: {  	v1 =	vld.idx.msk [tilespmem:v0+s12+$0x0], $0xffff;
	_ =	sdelay $0x4  }
0x5d: {  	[tilespmem:$0x157F0] =	vst v1  }
0x5e: {  	v1 =	vld.idx.msk [tilespmem:v0+s13+$0x0], $0xffff;
	_ =	sdelay $0x4  }
0x5f: {  	[tilespmem:$0x15980] =	vst v1  }
0x60: {  	v0 =	vld.idx.msk [tilespmem:v0+s14+$0x0], $0xffff;
	_ =	sdelay $0x2  }
0x61: {  	s30 =	sadd.s32 $0x80, s24  }
0x62: {  	s28 =	sand.u32 $0x70, s24;
	s31 =	sand.u32 $0x3F80, s30  }
0x63: {  	s29 =	sor.u32 s28, s31;
	[tilespmem:$0x15B10] =	vst v0  }
0x64: {  	v0 =	vld [tilespmem:s29+$0x0];
	_ =	sdelay $0x7  }
0x65: {  	v1 =	vld.idx.msk [tilespmem:v0+s12+$0x0], $0xffff;
	_ =	sdelay $0x4  }
0x66: {  	[tilespmem:$0x15800] =	vst v1  }
0x67: {  	v1 =	vld.idx.msk [tilespmem:v0+s13+$0x0], $0xffff;
	_ =	sdelay $0x4  }
0x68: {  	[tilespmem:$0x15990] =	vst v1  }
0x69: {  	v0 =	vld.idx.msk [tilespmem:v0+s14+$0x0], $0xffff;
	_ =	sdelay $0x4  }
0x6a: {  	[tilespmem:$0x15B20] =	vst v0  }
0x6b: {  	v0 =	vld [tilespmem:s26+$0x90];
	_ =	sdelay $0x7  }
0x6c: {  	v1 =	vld.idx.msk [tilespmem:v0+s12+$0x0], $0xffff;
	_ =	sdelay $0x4  }
0x6d: {  	[tilespmem:$0x15810] =	vst v1  }
0x6e: {  	v1 =	vld.idx.msk [tilespmem:v0+s13+$0x0], $0xffff;
	_ =	sdelay $0x4  }
0x6f: {  	[tilespmem:$0x159A0] =	vst v1  }
0x70: {  	v0 =	vld.idx.msk [tilespmem:v0+s14+$0x0], $0xffff;
	_ =	sdelay $0x4  }
0x71: {  	[tilespmem:$0x15B30] =	vst v0  }
0x72: {  	v0 =	vld [tilespmem:s26+$0xA0];
	_ =	sdelay $0x7  }
0x73: {  	v1 =	vld.idx.msk [tilespmem:v0+s12+$0x0], $0xffff;
	_ =	sdelay $0x4  }
0x74: {  	[tilespmem:$0x15820] =	vst v1  }
0x75: {  	v1 =	vld.idx.msk [tilespmem:v0+s13+$0x0], $0xffff;
	_ =	sdelay $0x4  }
0x76: {  	[tilespmem:$0x159B0] =	vst v1  }
0x77: {  	v0 =	vld.idx.msk [tilespmem:v0+s14+$0x0], $0xffff;
	_ =	sdelay $0x4  }
0x78: {  	[tilespmem:$0x15B40] =	vst v0  }
0x79: {  	v0 =	vld [tilespmem:s26+$0xB0];
	_ =	sdelay $0x7  }
0x7a: {  	v1 =	vld.idx.msk [tilespmem:v0+s12+$0x0], $0xffff;
	_ =	sdelay $0x4  }
0x7b: {  	[tilespmem:$0x15830] =	vst v1  }
0x7c: {  	v1 =	vld.idx.msk [tilespmem:v0+s13+$0x0], $0xffff;
	_ =	sdelay $0x4  }
0x7d: {  	[tilespmem:$0x159C0] =	vst v1  }
0x7e: {  	v0 =	vld.idx.msk [tilespmem:v0+s14+$0x0], $0xffff;
	_ =	sdelay $0x4  }
0x7f: {  	[tilespmem:$0x15B50] =	vst v0  }
0x80: {  	v0 =	vld [tilespmem:s26+$0xC0];
	_ =	sdelay $0x7  }
0x81: {  	v1 =	vld.idx.msk [tilespmem:v0+s12+$0x0], $0xffff;
	_ =	sdelay $0x4  }
0x82: {  	[tilespmem:$0x15840] =	vst v1  }
0x83: {  	v1 =	vld.idx.msk [tilespmem:v0+s13+$0x0], $0xffff;
	_ =	sdelay $0x4  }
0x84: {  	[tilespmem:$0x159D0] =	vst v1  }
0x85: {  	v0 =	vld.idx.msk [tilespmem:v0+s14+$0x0], $0xffff;
	_ =	sdelay $0x4  }
0x86: {  	[tilespmem:$0x15B60] =	vst v0  }
0x87: {  	v0 =	vld [tilespmem:s26+$0xD0];
	_ =	sdelay $0x7  }
0x88: {  	v1 =	vld.idx.msk [tilespmem:v0+s12+$0x0], $0xffff;
	_ =	sdelay $0x4  }
0x89: {  	[tilespmem:$0x15850] =	vst v1  }
0x8a: {  	v1 =	vld.idx.msk [tilespmem:v0+s13+$0x0], $0xffff;
	_ =	sdelay $0x4  }
0x8b: {  	[tilespmem:$0x159E0] =	vst v1  }
0x8c: {  	v0 =	vld.idx.msk [tilespmem:v0+s14+$0x0], $0xffff;
	_ =	sdelay $0x4  }
0x8d: {  	[tilespmem:$0x15B70] =	vst v0  }
0x8e: {  	v0 =	vld [tilespmem:s26+$0xE0];
	_ =	sdelay $0x7  }
0x8f: {  	v1 =	vld.idx.msk [tilespmem:v0+s12+$0x0], $0xffff;
	_ =	sdelay $0x4  }
0x90: {  	[tilespmem:$0x15860] =	vst v1  }
0x91: {  	v1 =	vld.idx.msk [tilespmem:v0+s13+$0x0], $0xffff;
	_ =	sdelay $0x4  }
0x92: {  	[tilespmem:$0x159F0] =	vst v1  }
0x93: {  	v0 =	vld.idx.msk [tilespmem:v0+s14+$0x0], $0xffff;
	_ =	sdelay $0x4  }
0x94: {  	[tilespmem:$0x15B80] =	vst v0  }
0x95: {  	v0 =	vld [tilespmem:s26+$0xF0];
	_ =	sdelay $0x7  }
0x96: {  	v1 =	vld.idx.msk [tilespmem:v0+s12+$0x0], $0xffff;
	_ =	sdelay $0x4  }
0x97: {  	[tilespmem:$0x15870] =	vst v1  }
0x98: {  	v1 =	vld.idx.msk [tilespmem:v0+s13+$0x0], $0xffff;
	_ =	sdelay $0x4  }
0x99: {  	[tilespmem:$0x15A00] =	vst v1  }
0x9a: {  	v0 =	vld.idx.msk [tilespmem:v0+s14+$0x0], $0xffff;
	_ =	sdelay $0x2  }
0x9b: {  	s30 =	sadd.s32 $0x100, s24  }
0x9c: {  	s29 =	sand.u32 $0x3F80, s30  }
0x9d: {  	s29 =	sor.u32 s28, s29;
	[tilespmem:$0x15B90] =	vst v0  }
0x9e: {  	v0 =	vld [tilespmem:s29+$0x0];
	_ =	sdelay $0x7  }
0x9f: {  	v1 =	vld.idx.msk [tilespmem:v0+s12+$0x0], $0xffff;
	_ =	sdelay $0x4  }
0xa0: {  	[tilespmem:$0x15880] =	vst v1  }
0xa1: {  	v1 =	vld.idx.msk [tilespmem:v0+s13+$0x0], $0xffff;
	_ =	sdelay $0x4  }
0xa2: {  	[tilespmem:$0x15A10] =	vst v1  }
0xa3: {  	v0 =	vld.idx.msk [tilespmem:v0+s14+$0x0], $0xffff;
	_ =	sdelay $0x4  }
0xa4: {  	[tilespmem:$0x15BA0] =	vst v0  }
0xa5: {  	v0 =	vld [tilespmem:s26+$0x110];
	_ =	sdelay $0x7  }
0xa6: {  	v1 =	vld.idx.msk [tilespmem:v0+s12+$0x0], $0xffff;
	_ =	sdelay $0x4  }
0xa7: {  	[tilespmem:$0x15890] =	vst v1  }
0xa8: {  	v1 =	vld.idx.msk [tilespmem:v0+s13+$0x0], $0xffff;
	_ =	sdelay $0x4  }
0xa9: {  	[tilespmem:$0x15A20] =	vst v1  }
0xaa: {  	v0 =	vld.idx.msk [tilespmem:v0+s14+$0x0], $0xffff;
	_ =	sdelay $0x4  }
0xab: {  	[tilespmem:$0x15BB0] =	vst v0  }
0xac: {  	v0 =	vld [tilespmem:s26+$0x120];
	_ =	sdelay $0x7  }
0xad: {  	v1 =	vld.idx.msk [tilespmem:v0+s12+$0x0], $0xffff;
	_ =	sdelay $0x4  }
0xae: {  	[tilespmem:$0x158A0] =	vst v1  }
0xaf: {  	v1 =	vld.idx.msk [tilespmem:v0+s13+$0x0], $0xffff;
	_ =	sdelay $0x4  }
0xb0: {  	[tilespmem:$0x15A30] =	vst v1  }
0xb1: {  	v0 =	vld.idx.msk [tilespmem:v0+s14+$0x0], $0xffff;
	_ =	sdelay $0x4  }
0xb2: {  	[tilespmem:$0x15BC0] =	vst v0  }
0xb3: {  	v0 =	vld [tilespmem:s26+$0x130];
	_ =	sdelay $0x7  }
0xb4: {  	v1 =	vld.idx.msk [tilespmem:v0+s12+$0x0], $0xffff;
	_ =	sdelay $0x4  }
0xb5: {  	[tilespmem:$0x158B0] =	vst v1  }
0xb6: {  	v1 =	vld.idx.msk [tilespmem:v0+s13+$0x0], $0xffff;
	_ =	sdelay $0x4  }
0xb7: {  	[tilespmem:$0x15A40] =	vst v1  }
0xb8: {  	v0 =	vld.idx.msk [tilespmem:v0+s14+$0x0], $0xffff;
	_ =	sdelay $0x4  }
0xb9: {  	[tilespmem:$0x15BD0] =	vst v0  }
0xba: {  	v0 =	vld [tilespmem:s26+$0x140];
	_ =	sdelay $0x7  }
0xbb: {  	v1 =	vld.idx.msk [tilespmem:v0+s12+$0x0], $0xffff;
	_ =	sdelay $0x4  }
0xbc: {  	[tilespmem:$0x158C0] =	vst v1  }
0xbd: {  	v1 =	vld.idx.msk [tilespmem:v0+s13+$0x0], $0xffff;
	_ =	sdelay $0x4  }
0xbe: {  	[tilespmem:$0x15A50] =	vst v1  }
0xbf: {  	v0 =	vld.idx.msk [tilespmem:v0+s14+$0x0], $0xffff;
	_ =	sdelay $0x4  }
0xc0: {  	[tilespmem:$0x15BE0] =	vst v0  }
0xc1: {  	v0 =	vld [tilespmem:s26+$0x150];
	_ =	sdelay $0x7  }
0xc2: {  	v1 =	vld.idx.msk [tilespmem:v0+s12+$0x0], $0xffff;
	_ =	sdelay $0x4  }
0xc3: {  	[tilespmem:$0x158D0] =	vst v1  }
0xc4: {  	v1 =	vld.idx.msk [tilespmem:v0+s13+$0x0], $0xffff;
	_ =	sdelay $0x4  }
0xc5: {  	[tilespmem:$0x15A60] =	vst v1  }
0xc6: {  	v0 =	vld.idx.msk [tilespmem:v0+s14+$0x0], $0xffff;
	_ =	sdelay $0x4  }
0xc7: {  	[tilespmem:$0x15BF0] =	vst v0  }
0xc8: {  	v0 =	vld [tilespmem:s26+$0x160];
	_ =	sdelay $0x7  }
0xc9: {  	v1 =	vld.idx.msk [tilespmem:v0+s12+$0x0], $0xffff;
	_ =	sdelay $0x4  }
0xca: {  	[tilespmem:$0x158E0] =	vst v1  }
0xcb: {  	v1 =	vld.idx.msk [tilespmem:v0+s13+$0x0], $0xffff;
	_ =	sdelay $0x4  }
0xcc: {  	[tilespmem:$0x15A70] =	vst v1  }
0xcd: {  	v0 =	vld.idx.msk [tilespmem:v0+s14+$0x0], $0xffff;
	_ =	sdelay $0x4  }
0xce: {  	[tilespmem:$0x15C00] =	vst v0  }
0xcf: {  	v0 =	vld [tilespmem:s26+$0x170];
	_ =	sdelay $0x7  }
0xd0: {  	v1 =	vld.idx.msk [tilespmem:v0+s12+$0x0], $0xffff;
	_ =	sdelay $0x4  }
0xd1: {  	[tilespmem:$0x158F0] =	vst v1  }
0xd2: {  	v1 =	vld.idx.msk [tilespmem:v0+s13+$0x0], $0xffff;
	_ =	sdelay $0x4  }
0xd3: {  	[tilespmem:$0x15A80] =	vst v1  }
0xd4: {  	v0 =	vld.idx.msk [tilespmem:v0+s14+$0x0], $0xffff;
	_ =	sdelay $0x2  }
0xd5: {  	s31 =	sadd.s32 $0x180, s24  }
0xd6: {  	s26 =	sand.u32 $0x3F80, s31  }
0xd7: {  	s26 =	sor.u32 s28, s26;
	[tilespmem:$0x15C10] =	vst v0  }
0xd8: {  	v0 =	vld [tilespmem:s26+$0x0];
	_ =	sdelay $0x7  }
0xd9: {  	v1 =	vld.idx.msk [tilespmem:v0+s12+$0x0], $0xffff;
	_ =	sdelay $0x4  }
0xda: {  	[tilespmem:$0x15900] =	vst v1  }
0xdb: {  	v1 =	vld.idx.msk [tilespmem:v0+s13+$0x0], $0xffff;
	_ =	sdelay $0x4  }
0xdc: {  	[tilespmem:$0x15A90] =	vst v1  }
0xdd: {  	v0 =	vld.idx.msk [tilespmem:v0+s14+$0x0], $0xffff;
	_ =	sdelay $0x4  }
0xde: {  	[tilespmem:$0x15C20] =	vst v0  }
0xdf: {  	[hbm4b:s23+s4] =	stream.linear.scatter [tilespmem:s19], [sflag:$0x2], $0x4B0, $0x38;
	[tilespmem:$0x15C80] =	vst v63  }
0xe0: {  	_ =	swait.ge [sflag:s11], $0x4B0  }
0xe1: {  	[sflag:s11] =	ssyncset.done $0x0  }
0xe2: {  	[sflag:s11] =	ssyncadd.s32 $0xFFFFFB50  }
0xe3: {  	_ =	swait.ge [sflag:s20], $0x4000  }
0xe4: {  	[sflag:s20] =	ssyncset.done $0x0  }
0xe5: {  	[sflag:s20] =	ssyncadd.s32 $0xFFFFC000  }
0xe6: {  	_ =	swait.ge [sflag:s20], $0x4000  }
0xe7: {  	[sflag:s20] =	ssyncset.done $0x0  }
0xe8: {  	[sflag:s20] =	ssyncadd.s32 $0xFFFFC000  }
0xe9: {  	_ =	swait.ge [sflag:s20], $0x4000  }
0xea: {  	[sflag:s20] =	ssyncset.done $0x0  }
0xeb: {  	[sflag:s20] =	ssyncadd.s32 $0xFFFFC000  }
0xec: {  	_ =	swait.ge [sflag:s20], $0x800  }
0xed: {  	p0 =	sne.s32 s25, $0x5DC0;
	[sflag:s20] =	ssyncset.done $0x0  }
.Ltmp0:
0xee: {  	[sflag:s20] =	ssyncadd.s32 $0xFFFFF800;
	(pc) =	sbr.rel @p0 .LBB2_2-.Ltmp0, $4  }
0xef: {  	[hbm4b:s22+s4] =	stream.linear.scatter [tilespmem:s16], [sflag:$0x2], $0xC800, $0x38;
	[tilespmem:$0x15C80] =	vst v63  }
0xf0: {  	_ =	swait.ge [sflag:s11], $0xC800  }
0xf1: {  	s25 =	sadd.s32 $0x640, s25;
	s24 =	sadd.s32 $0x190, s24;
	[sflag:s11] =	ssyncset.done $0x0  }
0xf2: {  	s23 =	sadd.s32 $0x96, s23;
	s22 =	sadd.s32 $0x1900, s22;
	[sflag:s11] =	ssyncadd.s32 $0xFFFF3800  }
0xf3: {  	s21 =	sadd.s32 $0x1, s21  }
0xf4: {  	p0 =	sne.s32 s21, s8  }
.Ltmp1:
0xf5: {  	_ = 	snop;
	(pc) =	sbr.rel @p0 .LBB2_1-.Ltmp1, $1  }
0xf6: {  	_ =	sdelay $0x3  }
0xf7: {  	_ =	sfence.sel $0x180000  }
0xf8: {  	[bflag:$0x0] =	sbarrier.arrive $0xFFFF  }
0xf9: {  	p0 =	sne.s32 s0, $0x0;
	_ =	strace $0x90000047  }
0xfa: {  	s0 =	sadd.s32 @!p0 $0x100000, s2;
	[bflag:$0x2] =	sbarrier.arrive $0xFFFF  }
0xfb: {  	[sflag:s0] =	ssyncadd.tile.s32 @!p0 $0x1;
	_ =	shalt  }
.Lfunc_end2:
_tile_overlayer_lowered:
.L_overlay_start_2:
0xfc: {  	(tag) =	ssettag $0x2  }
0xfd: {  	s0 =	rddreg [dreg:$0x0];
	s2 =	stileid.u32  }
0xfe: {  	s1 =	rddreg [dreg:$0x1];
	p0 =	sne.s32 s2, $0x0  }
0xff: {  	s3 =	rddreg [dreg:$0x2];
	[bflag:$0x3] =	sbarrier.arrive $0xFFFF;
	s2 =	simm.s32 @!p0 $0x1C02  }
0x100: {  	[timem:s3], [sflag:s2] =	dma.local @!p0 [hbm:s0], s1  }
0x101: {  	s0 =	simm.s32 @!p0 $0x2  }
0x102: {  	_ =	swait.ge @!p0 [sflag:s0], s1  }
0x103: {  	s1 =	ssub.s32 @!p0 $0x0, s1;
	[sflag:s0] =	ssyncset.done @!p0 $0x0  }
0x104: {  	[sflag:s0] =	ssyncadd.s32 @!p0 s1  }
0x105: {  	[bflag:$0x3] =	sbarrier.arrive $0xFFFF  }
0x106: {  	_ =	shalt  }

</sc_bundles>
